<compile_context>
chip_gen: v7x
topology: tpu7x:2x2x1
jax: 0.10.2.dev20260603
libtpu: 0.0.44.dev20260713+nightly
codegen_flags: <defaults>
</compile_context>

<pallas_src>
import functools

import jax
import jax.numpy as jnp
from jax import lax
from jax.experimental import pallas as pl
from jax.experimental.pallas import tpu as pltpu
from jax.experimental.pallas import tpu_sc as plsc

_NUM_CORES = 2
_NUM_SUBCORES = 16
_NW = _NUM_CORES * _NUM_SUBCORES
_L = 16


_TBLK = 32768


def _tc_tr_body(x_ref, o_ref):
    xt = x_ref[...].T
    h = _TBLK // 2
    o_ref[...] = jnp.concatenate([xt[:h], xt[h:]], axis=1)


def _tc_detile(table_t):
    dim, vocab = table_t.shape
    grid = pl.cdiv(vocab, _TBLK)
    return pl.pallas_call(
        _tc_tr_body,
        grid=(grid,),
        in_specs=[pl.BlockSpec((dim, _TBLK), lambda i: (0, i))],
        out_specs=pl.BlockSpec((_TBLK // 2, 128), lambda i: (i, 0)),
        out_shape=jax.ShapeDtypeStruct((grid * _TBLK // 2, 128), jnp.float32),
    )(table_t)


@functools.partial(jax.jit, static_argnums=(2, 3))
def _sc_gather(ids, table_lin, seq, dim):
    nb = ids.shape[0]
    mesh = plsc.VectorSubcoreMesh(core_axis_name="c", subcore_axis_name="s")
    rt = dim // 8

    @functools.partial(
        pl.kernel,
        mesh=mesh,
        out_type=jax.ShapeDtypeStruct((seq, rt, nb, 8, 128), jnp.float32),
        scratch_types=[
            pltpu.VMEM((seq, 128), jnp.int32),
            pltpu.VMEM((3, 128, dim), jnp.float32),
            pltpu.VMEM((2, rt, 8, 129), jnp.float32),
            pltpu.SemaphoreType.DMA((3,)),
            pltpu.SemaphoreType.DMA((2,)),
        ],
        compiler_params=pltpu.CompilerParams(use_tc_tiling_on_sc=False,
                                             needs_layout_passes=False),
    )
    def k(ids_hbm, tab_hbm, out_hbm, idx_v, rows_v, tr_v, gsem, wsem):
        cid = lax.axis_index("c")
        sid = lax.axis_index("s")
        wid = sid * _NUM_CORES + cid
        pltpu.sync_copy(ids_hbm.at[wid], idx_v)

        def fire_g(s, b):
            pltpu.async_copy(tab_hbm.at[idx_v.at[s]], rows_v.at[b],
                             gsem.at[b])

        def wait_g(b):
            pltpu.make_async_copy(tab_hbm.at[idx_v.at[0]], rows_v.at[b],
                                  gsem.at[b]).wait()

        def fire_wb(s, b):
            pltpu.async_copy(tr_v.at[b, :, :, pl.ds(0, 128)],
                             out_hbm.at[s, :, wid], wsem.at[b])

        def wait_wb(b):
            pltpu.make_async_copy(tr_v.at[b, :, :, pl.ds(0, 128)],
                                  out_hbm.at[0, :, 0], wsem.at[b]).wait()

        lane = lax.iota(jnp.int32, _L)
        nl = dim // _L
        d_vecs = [lane + (l * _L) for l in range(nl)]
        r_vecs = [dv // 8 for dv in d_vecs]
        dl_vecs = [dv % 8 for dv in d_vecs]

        def transpose(rb, tb):
            @plsc.parallel_loop(0, 128, unroll=4)
            def blloop(bl):
                blv = jnp.full((_L,), 0, jnp.int32) + bl
                for l in range(nl):
                    x = rows_v[rb, bl, pl.ds(l * _L, _L)]
                    plsc.store_scatter(tr_v.at[tb],
                                       [r_vecs[l], dl_vecs[l], blv], x)

        fire_g(0, 0)
        fire_g(1, 1)
        for s in range(2):
            wait_g(s)
            fire_g(s + 2, (s + 2) % 3)
            transpose(s, s)
            fire_wb(s, s)

        def body(s, carry):
            rb = lax.rem(s, 3)
            tb = lax.rem(s, 2)
            wait_g(rb)
            fire_g(s + 2, lax.rem(s + 2, 3))
            wait_wb(tb)
            transpose(rb, tb)
            fire_wb(s, tb)
            return carry

        lax.fori_loop(2, seq - 2, body, 0)

        for s in range(seq - 2, seq):
            rb = s % 3
            tb = s % 2
            wait_g(rb)
            wait_wb(tb)
            transpose(rb, tb)
            fire_wb(s, tb)
        wait_wb(0)
        wait_wb(1)

    return k(ids, table_lin)


def kernel(input_ids, table):
    bsz, seq = input_ids.shape
    _, dim = table.shape
    nb = bsz // 128
    assert nb == _NW
    ids3 = input_ids.T.reshape(seq, nb, 128).transpose(1, 0, 2)
    half = _TBLK // 2
    ids3 = ((ids3 & ~(_TBLK - 1)) + ((ids3 & (half - 1)) * 2)
            + ((ids3 // half) & 1))
    tab = _tc_detile(table.T)
    tab_lin = tab.reshape(tab.shape[0] * 2, dim)
    out5 = _sc_gather(ids3, tab_lin, seq, dim)
    return jnp.transpose(out5, (2, 4, 0, 1, 3)).reshape(bsz, seq, dim)

# --- scband reference (transcript-rebuilt; emitter-appended) ---
"""Pipeline reference for scband-token-embedding-10763188044010 (READ-ONLY COPY).

The authoritative reference and input builder live on the scoring server;
editing this copy changes nothing except your own understanding.
"""

import jax, jax.numpy as jnp
import numpy as np

VOCAB = 1000000
DIM = 64
PAD_IDX = 0
BATCH = 4096
SEQ = 200


def setup_inputs(seed: int = 0) -> dict:
    key = jax.random.key(seed)
    k1, k2 = jax.random.split(key)
    input_ids = jax.random.randint(k1, (BATCH, SEQ), 0, VOCAB, dtype=jnp.int32)
    # nn.Embedding weight, init normal(0, 0.02), padding_idx row zeroed
    table = jax.random.normal(k2, (VOCAB, DIM), dtype=jnp.float32) * 0.02
    table = table.at[PAD_IDX].set(0.0)
    return {"input_ids": input_ids, "table": table}


def reference(input_ids, table):
    # TokenEmbedding.forward: self.embedding(input_ids)
    return jnp.take(table, input_ids, axis=0)

if __name__ == "__main__":
    import jax
    _d = setup_inputs()
    print(jax.jit(kernel)(*tuple(_d.values())))

</pallas_src>

<mosaic_0001>
#map = affine_map<(d0, d1) -> (0, 0, 0)>
#map1 = affine_map<(d0, d1) -> (0, 0)>
#map2 = affine_map<(d0, d1) -> (0, 0, 0, 0, 0)>
module attributes {stable_mosaic.version = 14 : i64} {
  func.func @k(%arg0: i32, %arg1: i32, %arg2: memref<32x200x128xi32, #tpu.memory_space<hbm>>, %arg3: memref<1015808x64xf32, #tpu.memory_space<hbm>>, %arg4: memref<200x8x32x8x128xf32, #tpu.memory_space<hbm>>, %arg5: memref<200x128xi32, #tpu.memory_space<vmem>>, %arg6: memref<3x128x64xf32, #tpu.memory_space<vmem>>, %arg7: memref<2x8x8x129xf32, #tpu.memory_space<vmem>>, %arg8: memref<3x!tpu.dma_semaphore, #tpu.memory_space<semaphore_mem>>, %arg9: memref<2x!tpu.dma_semaphore, #tpu.memory_space<semaphore_mem>>) attributes {dimension_semantics = [#tpu.dimension_semantics<core_parallel>, #tpu.dimension_semantics<subcore_parallel>], iteration_bounds = array<i64: 2, 16>, scalar_prefetch = 0 : i64, scratch_operands = 5 : i64, tpu.core_type = #tpu.core_type<sc_vector_subcore>, window_params = [{transform_indices = #map}, {transform_indices = #map1}, {transform_indices = #map2}]} {
    %mul3A = arith.constant 2 : i32
    %mul3A_0 = arith.muli %arg1, %mul3A : i32
    %add3A = arith.addi %mul3A_0, %arg0 : i32
    "tpu.region"() ({
      %run_scoped3A = tpu.sem_alloc : memref<!tpu.dma_semaphore, #tpu.memory_space<semaphore_mem>>
      %dma_start3A_553 = arith.constant 0 : i32
      %dma_start3A_554 = arith.constant 0 : i32
      %dma_start3A_555 = tpu.memref_slice %arg2[%add3A, %dma_start3A_553, %dma_start3A_554] : memref<32x200x128xi32, #tpu.memory_space<hbm>> -> memref<1x200x128xi32, #tpu.memory_space<hbm>>
      %dma_start3A_556 = tpu.memref_squeeze %dma_start3A_555 : memref<1x200x128xi32, #tpu.memory_space<hbm>> -> memref<200x128xi32, #tpu.memory_space<hbm>>
      %dma_start3A_557 = arith.constant 0 : i32
      %dma_start3A_558 = arith.constant 0 : i32
      %dma_start3A_559 = tpu.memref_slice %arg2[%add3A, %dma_start3A_557, %dma_start3A_558] : memref<32x200x128xi32, #tpu.memory_space<hbm>> -> memref<1x200x128xi32, #tpu.memory_space<hbm>>
      %dma_start3A_560 = tpu.memref_squeeze %dma_start3A_559 : memref<1x200x128xi32, #tpu.memory_space<hbm>> -> memref<200x128xi32, #tpu.memory_space<hbm>>
      tpu.enqueue_dma source(%dma_start3A_560 : memref<200x128xi32, #tpu.memory_space<hbm>>) target(%arg5 : memref<200x128xi32, #tpu.memory_space<vmem>>) target_semaphore(%run_scoped3A : memref<!tpu.dma_semaphore, #tpu.memory_space<semaphore_mem>>)
      %dma_wait3A_561 = arith.constant 0 : i32
      %dma_wait3A_562 = arith.constant 0 : i32
      %dma_wait3A_563 = tpu.memref_slice %arg2[%add3A, %dma_wait3A_561, %dma_wait3A_562] : memref<32x200x128xi32, #tpu.memory_space<hbm>> -> memref<1x200x128xi32, #tpu.memory_space<hbm>>
      %dma_wait3A_564 = tpu.memref_squeeze %dma_wait3A_563 : memref<1x200x128xi32, #tpu.memory_space<hbm>> -> memref<200x128xi32, #tpu.memory_space<hbm>>
      %dma_wait3A_565 = arith.constant 0 : i32
      %dma_wait3A_566 = arith.constant 0 : i32
      %dma_wait3A_567 = tpu.memref_slice %arg2[%add3A, %dma_wait3A_565, %dma_wait3A_566] : memref<32x200x128xi32, #tpu.memory_space<hbm>> -> memref<1x200x128xi32, #tpu.memory_space<hbm>>
      %dma_wait3A_568 = tpu.memref_squeeze %dma_wait3A_567 : memref<1x200x128xi32, #tpu.memory_space<hbm>> -> memref<200x128xi32, #tpu.memory_space<hbm>>
      tpu.wait_dma2 semaphore(%run_scoped3A : memref<!tpu.dma_semaphore, #tpu.memory_space<semaphore_mem>>) src(%dma_wait3A_568 : memref<200x128xi32, #tpu.memory_space<hbm>>) dst(%arg5 : memref<200x128xi32, #tpu.memory_space<vmem>>)
      tpu.yield
    }) : () -> ()
    %iota3A = tpu.iota {dimensions = array<i32: 0>} : vector<16xi32>
    %add3A_1 = arith.constant 0 : i32
    %add3A_2 = vector.broadcast %add3A_1 : i32 to vector<16xi32>
    %add3A_3 = arith.addi %iota3A, %add3A_2 : vector<16xi32>
    %add3A_4 = arith.constant 16 : i32
    %add3A_5 = vector.broadcast %add3A_4 : i32 to vector<16xi32>
    %add3A_6 = arith.addi %iota3A, %add3A_5 : vector<16xi32>
    %add3A_7 = arith.constant 32 : i32
    %add3A_8 = vector.broadcast %add3A_7 : i32 to vector<16xi32>
    %add3A_9 = arith.addi %iota3A, %add3A_8 : vector<16xi32>
    %add3A_10 = arith.constant 48 : i32
    %add3A_11 = vector.broadcast %add3A_10 : i32 to vector<16xi32>
    %add3A_12 = arith.addi %iota3A, %add3A_11 : vector<16xi32>
    %jit3A = arith.constant 8 : i32
    %div3A = vector.broadcast %jit3A : i32 to vector<16xi32>
    %div3A_13 = arith.divsi %add3A_3, %div3A : vector<16xi32>
    %sign3A = arith.constant 0 : i32
    %sign3A_14 = vector.broadcast %sign3A : i32 to vector<16xi32>
    %sign3A_15 = arith.cmpi sgt, %add3A_3, %sign3A_14 : vector<16xi32>
    %sign3A_16 = arith.extui %sign3A_15 : vector<16xi1> to vector<16xi32>
    %sign3A_17 = arith.constant 0 : i32
    %sign3A_18 = vector.broadcast %sign3A_17 : i32 to vector<16xi32>
    %sign3A_19 = arith.cmpi slt, %add3A_3, %sign3A_18 : vector<16xi32>
    %sign3A_20 = arith.extui %sign3A_19 : vector<16xi1> to vector<16xi32>
    %sign3A_21 = arith.subi %sign3A_16, %sign3A_20 : vector<16xi32>
    %sign3A_22 = arith.constant 0 : i32
    %sign3A_23 = arith.cmpi sgt, %jit3A, %sign3A_22 : i32
    %sign3A_24 = arith.extui %sign3A_23 : i1 to i32
    %sign3A_25 = arith.constant 0 : i32
    %sign3A_26 = arith.cmpi slt, %jit3A, %sign3A_25 : i32
    %sign3A_27 = arith.extui %sign3A_26 : i1 to i32
    %sign3A_28 = arith.subi %sign3A_24, %sign3A_27 : i32
    %ne3A = vector.broadcast %sign3A_28 : i32 to vector<16xi32>
    %ne3A_29 = arith.cmpi ne, %sign3A_21, %ne3A : vector<16xi32>
    %rem3A = vector.broadcast %jit3A : i32 to vector<16xi32>
    %rem3A_30 = arith.remsi %add3A_3, %rem3A : vector<16xi32>
    %ne3A_31 = arith.constant 0 : i32
    %ne3A_32 = vector.broadcast %ne3A_31 : i32 to vector<16xi32>
    %ne3A_33 = arith.cmpi ne, %rem3A_30, %ne3A_32 : vector<16xi32>
    %and3A = arith.andi %ne3A_29, %ne3A_33 : vector<16xi1>
    %sub3A = arith.constant 1 : i32
    %sub3A_34 = vector.broadcast %sub3A : i32 to vector<16xi32>
    %sub3A_35 = arith.subi %div3A_13, %sub3A_34 : vector<16xi32>
    %select_n3A = arith.select %and3A, %sub3A_35, %div3A_13 : vector<16xi1>, vector<16xi32>
    %jit3A_36 = arith.constant 8 : i32
    %div3A_37 = vector.broadcast %jit3A_36 : i32 to vector<16xi32>
    %div3A_38 = arith.divsi %add3A_6, %div3A_37 : vector<16xi32>
    %sign3A_39 = arith.constant 0 : i32
    %sign3A_40 = vector.broadcast %sign3A_39 : i32 to vector<16xi32>
    %sign3A_41 = arith.cmpi sgt, %add3A_6, %sign3A_40 : vector<16xi32>
    %sign3A_42 = arith.extui %sign3A_41 : vector<16xi1> to vector<16xi32>
    %sign3A_43 = arith.constant 0 : i32
    %sign3A_44 = vector.broadcast %sign3A_43 : i32 to vector<16xi32>
    %sign3A_45 = arith.cmpi slt, %add3A_6, %sign3A_44 : vector<16xi32>
    %sign3A_46 = arith.extui %sign3A_45 : vector<16xi1> to vector<16xi32>
    %sign3A_47 = arith.subi %sign3A_42, %sign3A_46 : vector<16xi32>
    %sign3A_48 = arith.constant 0 : i32
    %sign3A_49 = arith.cmpi sgt, %jit3A_36, %sign3A_48 : i32
    %sign3A_50 = arith.extui %sign3A_49 : i1 to i32
    %sign3A_51 = arith.constant 0 : i32
    %sign3A_52 = arith.cmpi slt, %jit3A_36, %sign3A_51 : i32
    %sign3A_53 = arith.extui %sign3A_52 : i1 to i32
    %sign3A_54 = arith.subi %sign3A_50, %sign3A_53 : i32
    %ne3A_55 = vector.broadcast %sign3A_54 : i32 to vector<16xi32>
    %ne3A_56 = arith.cmpi ne, %sign3A_47, %ne3A_55 : vector<16xi32>
    %rem3A_57 = vector.broadcast %jit3A_36 : i32 to vector<16xi32>
    %rem3A_58 = arith.remsi %add3A_6, %rem3A_57 : vector<16xi32>
    %ne3A_59 = arith.constant 0 : i32
    %ne3A_60 = vector.broadcast %ne3A_59 : i32 to vector<16xi32>
    %ne3A_61 = arith.cmpi ne, %rem3A_58, %ne3A_60 : vector<16xi32>
    %and3A_62 = arith.andi %ne3A_56, %ne3A_61 : vector<16xi1>
    %sub3A_63 = arith.constant 1 : i32
    %sub3A_64 = vector.broadcast %sub3A_63 : i32 to vector<16xi32>
    %sub3A_65 = arith.subi %div3A_38, %sub3A_64 : vector<16xi32>
    %select_n3A_66 = arith.select %and3A_62, %sub3A_65, %div3A_38 : vector<16xi1>, vector<16xi32>
    %jit3A_67 = arith.constant 8 : i32
    %div3A_68 = vector.broadcast %jit3A_67 : i32 to vector<16xi32>
    %div3A_69 = arith.divsi %add3A_9, %div3A_68 : vector<16xi32>
    %sign3A_70 = arith.constant 0 : i32
    %sign3A_71 = vector.broadcast %sign3A_70 : i32 to vector<16xi32>
    %sign3A_72 = arith.cmpi sgt, %add3A_9, %sign3A_71 : vector<16xi32>
    %sign3A_73 = arith.extui %sign3A_72 : vector<16xi1> to vector<16xi32>
    %sign3A_74 = arith.constant 0 : i32
    %sign3A_75 = vector.broadcast %sign3A_74 : i32 to vector<16xi32>
    %sign3A_76 = arith.cmpi slt, %add3A_9, %sign3A_75 : vector<16xi32>
    %sign3A_77 = arith.extui %sign3A_76 : vector<16xi1> to vector<16xi32>
    %sign3A_78 = arith.subi %sign3A_73, %sign3A_77 : vector<16xi32>
    %sign3A_79 = arith.constant 0 : i32
    %sign3A_80 = arith.cmpi sgt, %jit3A_67, %sign3A_79 : i32
    %sign3A_81 = arith.extui %sign3A_80 : i1 to i32
    %sign3A_82 = arith.constant 0 : i32
    %sign3A_83 = arith.cmpi slt, %jit3A_67, %sign3A_82 : i32
    %sign3A_84 = arith.extui %sign3A_83 : i1 to i32
    %sign3A_85 = arith.subi %sign3A_81, %sign3A_84 : i32
    %ne3A_86 = vector.broadcast %sign3A_85 : i32 to vector<16xi32>
    %ne3A_87 = arith.cmpi ne, %sign3A_78, %ne3A_86 : vector<16xi32>
    %rem3A_88 = vector.broadcast %jit3A_67 : i32 to vector<16xi32>
    %rem3A_89 = arith.remsi %add3A_9, %rem3A_88 : vector<16xi32>
    %ne3A_90 = arith.constant 0 : i32
    %ne3A_91 = vector.broadcast %ne3A_90 : i32 to vector<16xi32>
    %ne3A_92 = arith.cmpi ne, %rem3A_89, %ne3A_91 : vector<16xi32>
    %and3A_93 = arith.andi %ne3A_87, %ne3A_92 : vector<16xi1>
    %sub3A_94 = arith.constant 1 : i32
    %sub3A_95 = vector.broadcast %sub3A_94 : i32 to vector<16xi32>
    %sub3A_96 = arith.subi %div3A_69, %sub3A_95 : vector<16xi32>
    %select_n3A_97 = arith.select %and3A_93, %sub3A_96, %div3A_69 : vector<16xi1>, vector<16xi32>
    %jit3A_98 = arith.constant 8 : i32
    %div3A_99 = vector.broadcast %jit3A_98 : i32 to vector<16xi32>
    %div3A_100 = arith.divsi %add3A_12, %div3A_99 : vector<16xi32>
    %sign3A_101 = arith.constant 0 : i32
    %sign3A_102 = vector.broadcast %sign3A_101 : i32 to vector<16xi32>
    %sign3A_103 = arith.cmpi sgt, %add3A_12, %sign3A_102 : vector<16xi32>
    %sign3A_104 = arith.extui %sign3A_103 : vector<16xi1> to vector<16xi32>
    %sign3A_105 = arith.constant 0 : i32
    %sign3A_106 = vector.broadcast %sign3A_105 : i32 to vector<16xi32>
    %sign3A_107 = arith.cmpi slt, %add3A_12, %sign3A_106 : vector<16xi32>
    %sign3A_108 = arith.extui %sign3A_107 : vector<16xi1> to vector<16xi32>
    %sign3A_109 = arith.subi %sign3A_104, %sign3A_108 : vector<16xi32>
    %sign3A_110 = arith.constant 0 : i32
    %sign3A_111 = arith.cmpi sgt, %jit3A_98, %sign3A_110 : i32
    %sign3A_112 = arith.extui %sign3A_111 : i1 to i32
    %sign3A_113 = arith.constant 0 : i32
    %sign3A_114 = arith.cmpi slt, %jit3A_98, %sign3A_113 : i32
    %sign3A_115 = arith.extui %sign3A_114 : i1 to i32
    %sign3A_116 = arith.subi %sign3A_112, %sign3A_115 : i32
    %ne3A_117 = vector.broadcast %sign3A_116 : i32 to vector<16xi32>
    %ne3A_118 = arith.cmpi ne, %sign3A_109, %ne3A_117 : vector<16xi32>
    %rem3A_119 = vector.broadcast %jit3A_98 : i32 to vector<16xi32>
    %rem3A_120 = arith.remsi %add3A_12, %rem3A_119 : vector<16xi32>
    %ne3A_121 = arith.constant 0 : i32
    %ne3A_122 = vector.broadcast %ne3A_121 : i32 to vector<16xi32>
    %ne3A_123 = arith.cmpi ne, %rem3A_120, %ne3A_122 : vector<16xi32>
    %and3A_124 = arith.andi %ne3A_118, %ne3A_123 : vector<16xi1>
    %sub3A_125 = arith.constant 1 : i32
    %sub3A_126 = vector.broadcast %sub3A_125 : i32 to vector<16xi32>
    %sub3A_127 = arith.subi %div3A_100, %sub3A_126 : vector<16xi32>
    %select_n3A_128 = arith.select %and3A_124, %sub3A_127, %div3A_100 : vector<16xi1>, vector<16xi32>
    %jit3A_129 = arith.constant 8 : i32
    %eq3A = arith.constant 0 : i32
    %eq3A_130 = arith.cmpi eq, %jit3A_129, %eq3A : i32
    %jit3A_131 = arith.constant 1 : i32
    %select_n3A_132 = arith.select %eq3A_130, %jit3A_131, %jit3A_129 : i32
    %rem3A_133 = vector.broadcast %select_n3A_132 : i32 to vector<16xi32>
    %rem3A_134 = arith.remsi %add3A_3, %rem3A_133 : vector<16xi32>
    %ne3A_135 = arith.constant 0 : i32
    %ne3A_136 = vector.broadcast %ne3A_135 : i32 to vector<16xi32>
    %ne3A_137 = arith.cmpi ne, %rem3A_134, %ne3A_136 : vector<16xi32>
    %lt3A = arith.constant 0 : i32
    %lt3A_138 = vector.broadcast %lt3A : i32 to vector<16xi32>
    %lt3A_139 = arith.cmpi slt, %rem3A_134, %lt3A_138 : vector<16xi32>
    %lt3A_140 = arith.constant 0 : i32
    %lt3A_141 = arith.cmpi slt, %select_n3A_132, %lt3A_140 : i32
    %ne3A_142 = vector.broadcast %lt3A_141 : i1 to vector<16xi1>
    %ne3A_143 = vector.broadcast %ne3A_142 : vector<16xi1> to vector<16xi1>
    %ne3A_144 = arith.xori %lt3A_139, %ne3A_143 : vector<16xi1>
    %and3A_145 = arith.andi %ne3A_144, %ne3A_137 : vector<16xi1>
    %add3A_146 = vector.broadcast %select_n3A_132 : i32 to vector<16xi32>
    %add3A_147 = arith.addi %rem3A_134, %add3A_146 : vector<16xi32>
    %select_n3A_148 = arith.select %and3A_145, %add3A_147, %rem3A_134 : vector<16xi1>, vector<16xi32>
    %jit3A_149 = arith.constant 8 : i32
    %eq3A_150 = arith.constant 0 : i32
    %eq3A_151 = arith.cmpi eq, %jit3A_149, %eq3A_150 : i32
    %jit3A_152 = arith.constant 1 : i32
    %select_n3A_153 = arith.select %eq3A_151, %jit3A_152, %jit3A_149 : i32
    %rem3A_154 = vector.broadcast %select_n3A_153 : i32 to vector<16xi32>
    %rem3A_155 = arith.remsi %add3A_6, %rem3A_154 : vector<16xi32>
    %ne3A_156 = arith.constant 0 : i32
    %ne3A_157 = vector.broadcast %ne3A_156 : i32 to vector<16xi32>
    %ne3A_158 = arith.cmpi ne, %rem3A_155, %ne3A_157 : vector<16xi32>
    %lt3A_159 = arith.constant 0 : i32
    %lt3A_160 = vector.broadcast %lt3A_159 : i32 to vector<16xi32>
    %lt3A_161 = arith.cmpi slt, %rem3A_155, %lt3A_160 : vector<16xi32>
    %lt3A_162 = arith.constant 0 : i32
    %lt3A_163 = arith.cmpi slt, %select_n3A_153, %lt3A_162 : i32
    %ne3A_164 = vector.broadcast %lt3A_163 : i1 to vector<16xi1>
    %ne3A_165 = vector.broadcast %ne3A_164 : vector<16xi1> to vector<16xi1>
    %ne3A_166 = arith.xori %lt3A_161, %ne3A_165 : vector<16xi1>
    %and3A_167 = arith.andi %ne3A_166, %ne3A_158 : vector<16xi1>
    %add3A_168 = vector.broadcast %select_n3A_153 : i32 to vector<16xi32>
    %add3A_169 = arith.addi %rem3A_155, %add3A_168 : vector<16xi32>
    %select_n3A_170 = arith.select %and3A_167, %add3A_169, %rem3A_155 : vector<16xi1>, vector<16xi32>
    %jit3A_171 = arith.constant 8 : i32
    %eq3A_172 = arith.constant 0 : i32
    %eq3A_173 = arith.cmpi eq, %jit3A_171, %eq3A_172 : i32
    %jit3A_174 = arith.constant 1 : i32
    %select_n3A_175 = arith.select %eq3A_173, %jit3A_174, %jit3A_171 : i32
    %rem3A_176 = vector.broadcast %select_n3A_175 : i32 to vector<16xi32>
    %rem3A_177 = arith.remsi %add3A_9, %rem3A_176 : vector<16xi32>
    %ne3A_178 = arith.constant 0 : i32
    %ne3A_179 = vector.broadcast %ne3A_178 : i32 to vector<16xi32>
    %ne3A_180 = arith.cmpi ne, %rem3A_177, %ne3A_179 : vector<16xi32>
    %lt3A_181 = arith.constant 0 : i32
    %lt3A_182 = vector.broadcast %lt3A_181 : i32 to vector<16xi32>
    %lt3A_183 = arith.cmpi slt, %rem3A_177, %lt3A_182 : vector<16xi32>
    %lt3A_184 = arith.constant 0 : i32
    %lt3A_185 = arith.cmpi slt, %select_n3A_175, %lt3A_184 : i32
    %ne3A_186 = vector.broadcast %lt3A_185 : i1 to vector<16xi1>
    %ne3A_187 = vector.broadcast %ne3A_186 : vector<16xi1> to vector<16xi1>
    %ne3A_188 = arith.xori %lt3A_183, %ne3A_187 : vector<16xi1>
    %and3A_189 = arith.andi %ne3A_188, %ne3A_180 : vector<16xi1>
    %add3A_190 = vector.broadcast %select_n3A_175 : i32 to vector<16xi32>
    %add3A_191 = arith.addi %rem3A_177, %add3A_190 : vector<16xi32>
    %select_n3A_192 = arith.select %and3A_189, %add3A_191, %rem3A_177 : vector<16xi1>, vector<16xi32>
    %jit3A_193 = arith.constant 8 : i32
    %eq3A_194 = arith.constant 0 : i32
    %eq3A_195 = arith.cmpi eq, %jit3A_193, %eq3A_194 : i32
    %jit3A_196 = arith.constant 1 : i32
    %select_n3A_197 = arith.select %eq3A_195, %jit3A_196, %jit3A_193 : i32
    %rem3A_198 = vector.broadcast %select_n3A_197 : i32 to vector<16xi32>
    %rem3A_199 = arith.remsi %add3A_12, %rem3A_198 : vector<16xi32>
    %ne3A_200 = arith.constant 0 : i32
    %ne3A_201 = vector.broadcast %ne3A_200 : i32 to vector<16xi32>
    %ne3A_202 = arith.cmpi ne, %rem3A_199, %ne3A_201 : vector<16xi32>
    %lt3A_203 = arith.constant 0 : i32
    %lt3A_204 = vector.broadcast %lt3A_203 : i32 to vector<16xi32>
    %lt3A_205 = arith.cmpi slt, %rem3A_199, %lt3A_204 : vector<16xi32>
    %lt3A_206 = arith.constant 0 : i32
    %lt3A_207 = arith.cmpi slt, %select_n3A_197, %lt3A_206 : i32
    %ne3A_208 = vector.broadcast %lt3A_207 : i1 to vector<16xi1>
    %ne3A_209 = vector.broadcast %ne3A_208 : vector<16xi1> to vector<16xi1>
    %ne3A_210 = arith.xori %lt3A_205, %ne3A_209 : vector<16xi1>
    %and3A_211 = arith.andi %ne3A_210, %ne3A_202 : vector<16xi1>
    %add3A_212 = vector.broadcast %select_n3A_197 : i32 to vector<16xi32>
    %add3A_213 = arith.addi %rem3A_199, %add3A_212 : vector<16xi32>
    %select_n3A_214 = arith.select %and3A_211, %add3A_213, %rem3A_199 : vector<16xi1>, vector<16xi32>
    %dma_start3A = arith.constant 0 : i32
    %dma_start3A_215 = arith.constant 0 : i32
    %dma_start3A_216 = arith.constant 0 : i32
    %dma_start3A_217 = arith.constant 0 : i32
    %dma_start3A_218 = arith.constant 0 : i32
    %dma_start3A_219 = tpu.memref_slice %arg6[%dma_start3A_215, %dma_start3A_217, %dma_start3A_218] : memref<3x128x64xf32, #tpu.memory_space<vmem>> -> memref<1x128x64xf32, #tpu.memory_space<vmem>>
    %dma_start3A_220 = tpu.memref_squeeze %dma_start3A_219 : memref<1x128x64xf32, #tpu.memory_space<vmem>> -> memref<128x64xf32, #tpu.memory_space<vmem>>
    %dma_start3A_221 = arith.constant 0 : i32
    %dma_start3A_222 = tpu.memref_slice %arg5[%dma_start3A, %dma_start3A_221] : memref<200x128xi32, #tpu.memory_space<vmem>> -> memref<1x128xi32, #tpu.memory_space<vmem>>
    %dma_start3A_223 = tpu.memref_squeeze %dma_start3A_222 : memref<1x128xi32, #tpu.memory_space<vmem>> -> memref<128xi32, #tpu.memory_space<vmem>>
    %dma_start3A_224 = arith.constant 0 : i32
    %dma_start3A_225 = arith.constant 0 : i32
    %dma_start3A_226 = tpu.memref_slice %arg3[%dma_start3A_224, %dma_start3A_225] : memref<1015808x64xf32, #tpu.memory_space<hbm>> -> memref<1015808x64xf32, #tpu.memory_space<hbm>>
    %dma_start3A_227 = tpu.memref_slice %arg8[%dma_start3A_216] : memref<3x!tpu.dma_semaphore, #tpu.memory_space<semaphore_mem>> -> memref<1x!tpu.dma_semaphore, #tpu.memory_space<semaphore_mem>>
    %dma_start3A_228 = tpu.memref_squeeze %dma_start3A_227 : memref<1x!tpu.dma_semaphore, #tpu.memory_space<semaphore_mem>> -> memref<!tpu.dma_semaphore, #tpu.memory_space<semaphore_mem>>
    tpu.enqueue_indirect_dma source(%dma_start3A_226 : memref<1015808x64xf32, #tpu.memory_space<hbm>>) target(%dma_start3A_220 : memref<128x64xf32, #tpu.memory_space<vmem>>) offsets(%dma_start3A_223 : memref<128xi32, #tpu.memory_space<vmem>>) semaphore(%dma_start3A_228 : memref<!tpu.dma_semaphore, #tpu.memory_space<semaphore_mem>>)
    %dma_start3A_229 = arith.constant 1 : i32
    %dma_start3A_230 = arith.constant 1 : i32
    %dma_start3A_231 = arith.constant 1 : i32
    %dma_start3A_232 = arith.constant 0 : i32
    %dma_start3A_233 = arith.constant 0 : i32
    %dma_start3A_234 = tpu.memref_slice %arg6[%dma_start3A_230, %dma_start3A_232, %dma_start3A_233] : memref<3x128x64xf32, #tpu.memory_space<vmem>> -> memref<1x128x64xf32, #tpu.memory_space<vmem>>
    %dma_start3A_235 = tpu.memref_squeeze %dma_start3A_234 : memref<1x128x64xf32, #tpu.memory_space<vmem>> -> memref<128x64xf32, #tpu.memory_space<vmem>>
    %dma_start3A_236 = arith.constant 0 : i32
    %dma_start3A_237 = tpu.memref_slice %arg5[%dma_start3A_229, %dma_start3A_236] : memref<200x128xi32, #tpu.memory_space<vmem>> -> memref<1x128xi32, #tpu.memory_space<vmem>>
    %dma_start3A_238 = tpu.memref_squeeze %dma_start3A_237 : memref<1x128xi32, #tpu.memory_space<vmem>> -> memref<128xi32, #tpu.memory_space<vmem>>
    %dma_start3A_239 = arith.constant 0 : i32
    %dma_start3A_240 = arith.constant 0 : i32
    %dma_start3A_241 = tpu.memref_slice %arg3[%dma_start3A_239, %dma_start3A_240] : memref<1015808x64xf32, #tpu.memory_space<hbm>> -> memref<1015808x64xf32, #tpu.memory_space<hbm>>
    %dma_start3A_242 = tpu.memref_slice %arg8[%dma_start3A_231] : memref<3x!tpu.dma_semaphore, #tpu.memory_space<semaphore_mem>> -> memref<1x!tpu.dma_semaphore, #tpu.memory_space<semaphore_mem>>
    %dma_start3A_243 = tpu.memref_squeeze %dma_start3A_242 : memref<1x!tpu.dma_semaphore, #tpu.memory_space<semaphore_mem>> -> memref<!tpu.dma_semaphore, #tpu.memory_space<semaphore_mem>>
    tpu.enqueue_indirect_dma source(%dma_start3A_241 : memref<1015808x64xf32, #tpu.memory_space<hbm>>) target(%dma_start3A_235 : memref<128x64xf32, #tpu.memory_space<vmem>>) offsets(%dma_start3A_238 : memref<128xi32, #tpu.memory_space<vmem>>) semaphore(%dma_start3A_243 : memref<!tpu.dma_semaphore, #tpu.memory_space<semaphore_mem>>)
    %dma_wait3A = arith.constant 0 : i32
    %dma_wait3A_244 = arith.constant 0 : i32
    %dma_wait3A_245 = arith.constant 0 : i32
    %dma_wait3A_246 = arith.constant 0 : i32
    %dma_wait3A_247 = arith.constant 0 : i32
    %dma_wait3A_248 = tpu.memref_slice %arg6[%dma_wait3A_244, %dma_wait3A_246, %dma_wait3A_247] : memref<3x128x64xf32, #tpu.memory_space<vmem>> -> memref<1x128x64xf32, #tpu.memory_space<vmem>>
    %dma_wait3A_249 = tpu.memref_squeeze %dma_wait3A_248 : memref<1x128x64xf32, #tpu.memory_space<vmem>> -> memref<128x64xf32, #tpu.memory_space<vmem>>
    %dma_wait3A_250 = arith.constant 0 : i32
    %dma_wait3A_251 = tpu.memref_slice %arg5[%dma_wait3A, %dma_wait3A_250] : memref<200x128xi32, #tpu.memory_space<vmem>> -> memref<1x128xi32, #tpu.memory_space<vmem>>
    %dma_wait3A_252 = tpu.memref_squeeze %dma_wait3A_251 : memref<1x128xi32, #tpu.memory_space<vmem>> -> memref<128xi32, #tpu.memory_space<vmem>>
    %dma_wait3A_253 = arith.constant 0 : i32
    %dma_wait3A_254 = arith.constant 0 : i32
    %dma_wait3A_255 = tpu.memref_slice %arg3[%dma_wait3A_253, %dma_wait3A_254] : memref<1015808x64xf32, #tpu.memory_space<hbm>> -> memref<1015808x64xf32, #tpu.memory_space<hbm>>
    %dma_wait3A_256 = tpu.memref_slice %arg8[%dma_wait3A_245] : memref<3x!tpu.dma_semaphore, #tpu.memory_space<semaphore_mem>> -> memref<1x!tpu.dma_semaphore, #tpu.memory_space<semaphore_mem>>
    %dma_wait3A_257 = tpu.memref_squeeze %dma_wait3A_256 : memref<1x!tpu.dma_semaphore, #tpu.memory_space<semaphore_mem>> -> memref<!tpu.dma_semaphore, #tpu.memory_space<semaphore_mem>>
    tpu.wait_indirect_dma semaphore(%dma_wait3A_257 : memref<!tpu.dma_semaphore, #tpu.memory_space<semaphore_mem>>) src(%dma_wait3A_255 : memref<1015808x64xf32, #tpu.memory_space<hbm>>) dst(%dma_wait3A_249 : memref<128x64xf32, #tpu.memory_space<vmem>>)
    %dma_start3A_258 = arith.constant 2 : i32
    %dma_start3A_259 = arith.constant 2 : i32
    %dma_start3A_260 = arith.constant 2 : i32
    %dma_start3A_261 = arith.constant 0 : i32
    %dma_start3A_262 = arith.constant 0 : i32
    %dma_start3A_263 = tpu.memref_slice %arg6[%dma_start3A_259, %dma_start3A_261, %dma_start3A_262] : memref<3x128x64xf32, #tpu.memory_space<vmem>> -> memref<1x128x64xf32, #tpu.memory_space<vmem>>
    %dma_start3A_264 = tpu.memref_squeeze %dma_start3A_263 : memref<1x128x64xf32, #tpu.memory_space<vmem>> -> memref<128x64xf32, #tpu.memory_space<vmem>>
    %dma_start3A_265 = arith.constant 0 : i32
    %dma_start3A_266 = tpu.memref_slice %arg5[%dma_start3A_258, %dma_start3A_265] : memref<200x128xi32, #tpu.memory_space<vmem>> -> memref<1x128xi32, #tpu.memory_space<vmem>>
    %dma_start3A_267 = tpu.memref_squeeze %dma_start3A_266 : memref<1x128xi32, #tpu.memory_space<vmem>> -> memref<128xi32, #tpu.memory_space<vmem>>
    %dma_start3A_268 = arith.constant 0 : i32
    %dma_start3A_269 = arith.constant 0 : i32
    %dma_start3A_270 = tpu.memref_slice %arg3[%dma_start3A_268, %dma_start3A_269] : memref<1015808x64xf32, #tpu.memory_space<hbm>> -> memref<1015808x64xf32, #tpu.memory_space<hbm>>
    %dma_start3A_271 = tpu.memref_slice %arg8[%dma_start3A_260] : memref<3x!tpu.dma_semaphore, #tpu.memory_space<semaphore_mem>> -> memref<1x!tpu.dma_semaphore, #tpu.memory_space<semaphore_mem>>
    %dma_start3A_272 = tpu.memref_squeeze %dma_start3A_271 : memref<1x!tpu.dma_semaphore, #tpu.memory_space<semaphore_mem>> -> memref<!tpu.dma_semaphore, #tpu.memory_space<semaphore_mem>>
    tpu.enqueue_indirect_dma source(%dma_start3A_270 : memref<1015808x64xf32, #tpu.memory_space<hbm>>) target(%dma_start3A_264 : memref<128x64xf32, #tpu.memory_space<vmem>>) offsets(%dma_start3A_267 : memref<128xi32, #tpu.memory_space<vmem>>) semaphore(%dma_start3A_272 : memref<!tpu.dma_semaphore, #tpu.memory_space<semaphore_mem>>)
    %parallel_loop3A = arith.constant 0 : i32
    %parallel_loop3A_273 = arith.constant 128 : i32
    %parallel_loop3A_274 = arith.constant 1 : i32
    scf.for %parallel_loop3A_553 = %parallel_loop3A to %parallel_loop3A_273 step %parallel_loop3A_274  : i32 {
      %parallel_loop3A_554 = arith.constant 0 : i32
      %parallel_loop3A_555 = vector.broadcast %parallel_loop3A_554 : i32 to vector<16xi32>
      %parallel_loop3A_556 = vector.broadcast %parallel_loop3A_553 : i32 to vector<16xi32>
      %parallel_loop3A_557 = arith.addi %parallel_loop3A_555, %parallel_loop3A_556 : vector<16xi32>
      %parallel_loop3A_558 = arith.constant 0 : i32
      %parallel_loop3A_559 = arith.index_cast %parallel_loop3A_558 : i32 to index
      %parallel_loop3A_560 = arith.index_cast %parallel_loop3A_553 : i32 to index
      %parallel_loop3A_561 = arith.constant 0 : index
      %parallel_loop3A_562 = tpu.vector_load %arg6[%parallel_loop3A_559, %parallel_loop3A_560, %parallel_loop3A_561] {strides = array<i32>} : memref<3x128x64xf32, #tpu.memory_space<vmem>>, vector<16xf32>,
      %parallel_loop3A_563 = arith.constant 0 : i32
      %parallel_loop3A_564 = arith.constant 0 : i32
      %parallel_loop3A_565 = arith.constant 0 : i32
      %parallel_loop3A_566 = arith.constant 0 : i32
      %parallel_loop3A_567 = tpu.memref_slice %arg7[%parallel_loop3A_563, %parallel_loop3A_564, %parallel_loop3A_565, %parallel_loop3A_566] : memref<2x8x8x129xf32, #tpu.memory_space<vmem>> -> memref<1x8x8x129xf32, #tpu.memory_space<vmem>>
      %parallel_loop3A_568 = tpu.memref_squeeze %parallel_loop3A_567 : memref<1x8x8x129xf32, #tpu.memory_space<vmem>> -> memref<8x8x129xf32, #tpu.memory_space<vmem>>
      tpu.vector_store_idx %parallel_loop3A_568[%select_n3A, %select_n3A_148, %parallel_loop3A_557], %parallel_loop3A_562 : memref<8x8x129xf32, #tpu.memory_space<vmem>>[vector<16xi32>, vector<16xi32>, vector<16xi32>], vector<16xf32>,
      %parallel_loop3A_569 = arith.constant 0 : i32
      %parallel_loop3A_570 = arith.index_cast %parallel_loop3A_569 : i32 to index
      %parallel_loop3A_571 = arith.index_cast %parallel_loop3A_553 : i32 to index
      %parallel_loop3A_572 = arith.constant 16 : index
      %parallel_loop3A_573 = tpu.vector_load %arg6[%parallel_loop3A_570, %parallel_loop3A_571, %parallel_loop3A_572] {strides = array<i32>} : memref<3x128x64xf32, #tpu.memory_space<vmem>>, vector<16xf32>,
      %parallel_loop3A_574 = arith.constant 0 : i32
      %parallel_loop3A_575 = arith.constant 0 : i32
      %parallel_loop3A_576 = arith.constant 0 : i32
      %parallel_loop3A_577 = arith.constant 0 : i32
      %parallel_loop3A_578 = tpu.memref_slice %arg7[%parallel_loop3A_574, %parallel_loop3A_575, %parallel_loop3A_576, %parallel_loop3A_577] : memref<2x8x8x129xf32, #tpu.memory_space<vmem>> -> memref<1x8x8x129xf32, #tpu.memory_space<vmem>>
      %parallel_loop3A_579 = tpu.memref_squeeze %parallel_loop3A_578 : memref<1x8x8x129xf32, #tpu.memory_space<vmem>> -> memref<8x8x129xf32, #tpu.memory_space<vmem>>
      tpu.vector_store_idx %parallel_loop3A_579[%select_n3A_66, %select_n3A_170, %parallel_loop3A_557], %parallel_loop3A_573 : memref<8x8x129xf32, #tpu.memory_space<vmem>>[vector<16xi32>, vector<16xi32>, vector<16xi32>], vector<16xf32>,
      %parallel_loop3A_580 = arith.constant 0 : i32
      %parallel_loop3A_581 = arith.index_cast %parallel_loop3A_580 : i32 to index
      %parallel_loop3A_582 = arith.index_cast %parallel_loop3A_553 : i32 to index
      %parallel_loop3A_583 = arith.constant 32 : index
      %parallel_loop3A_584 = tpu.vector_load %arg6[%parallel_loop3A_581, %parallel_loop3A_582, %parallel_loop3A_583] {strides = array<i32>} : memref<3x128x64xf32, #tpu.memory_space<vmem>>, vector<16xf32>,
      %parallel_loop3A_585 = arith.constant 0 : i32
      %parallel_loop3A_586 = arith.constant 0 : i32
      %parallel_loop3A_587 = arith.constant 0 : i32
      %parallel_loop3A_588 = arith.constant 0 : i32
      %parallel_loop3A_589 = tpu.memref_slice %arg7[%parallel_loop3A_585, %parallel_loop3A_586, %parallel_loop3A_587, %parallel_loop3A_588] : memref<2x8x8x129xf32, #tpu.memory_space<vmem>> -> memref<1x8x8x129xf32, #tpu.memory_space<vmem>>
      %parallel_loop3A_590 = tpu.memref_squeeze %parallel_loop3A_589 : memref<1x8x8x129xf32, #tpu.memory_space<vmem>> -> memref<8x8x129xf32, #tpu.memory_space<vmem>>
      tpu.vector_store_idx %parallel_loop3A_590[%select_n3A_97, %select_n3A_192, %parallel_loop3A_557], %parallel_loop3A_584 : memref<8x8x129xf32, #tpu.memory_space<vmem>>[vector<16xi32>, vector<16xi32>, vector<16xi32>], vector<16xf32>,
      %parallel_loop3A_591 = arith.constant 0 : i32
      %parallel_loop3A_592 = arith.index_cast %parallel_loop3A_591 : i32 to index
      %parallel_loop3A_593 = arith.index_cast %parallel_loop3A_553 : i32 to index
      %parallel_loop3A_594 = arith.constant 48 : index
      %parallel_loop3A_595 = tpu.vector_load %arg6[%parallel_loop3A_592, %parallel_loop3A_593, %parallel_loop3A_594] {strides = array<i32>} : memref<3x128x64xf32, #tpu.memory_space<vmem>>, vector<16xf32>,
      %parallel_loop3A_596 = arith.constant 0 : i32
      %parallel_loop3A_597 = arith.constant 0 : i32
      %parallel_loop3A_598 = arith.constant 0 : i32
      %parallel_loop3A_599 = arith.constant 0 : i32
      %parallel_loop3A_600 = tpu.memref_slice %arg7[%parallel_loop3A_596, %parallel_loop3A_597, %parallel_loop3A_598, %parallel_loop3A_599] : memref<2x8x8x129xf32, #tpu.memory_space<vmem>> -> memref<1x8x8x129xf32, #tpu.memory_space<vmem>>
      %parallel_loop3A_601 = tpu.memref_squeeze %parallel_loop3A_600 : memref<1x8x8x129xf32, #tpu.memory_space<vmem>> -> memref<8x8x129xf32, #tpu.memory_space<vmem>>
      tpu.vector_store_idx %parallel_loop3A_601[%select_n3A_128, %select_n3A_214, %parallel_loop3A_557], %parallel_loop3A_595 : memref<8x8x129xf32, #tpu.memory_space<vmem>>[vector<16xi32>, vector<16xi32>, vector<16xi32>], vector<16xf32>,
    } {sc.loop_unroll_factor = 4 : i64, sc.parallel_access}
    %dma_start3A_275 = arith.constant 0 : i32
    %dma_start3A_276 = arith.constant 0 : i32
    %dma_start3A_277 = arith.constant 0 : i32
    %dma_start3A_278 = arith.constant 0 : i32
    %dma_start3A_279 = arith.constant 0 : i32
    %dma_start3A_280 = arith.constant 0 : i32
    %dma_start3A_281 = tpu.memref_slice %arg7[%dma_start3A_275, %dma_start3A_278, %dma_start3A_279, %dma_start3A_280] : memref<2x8x8x129xf32, #tpu.memory_space<vmem>> -> memref<1x8x8x128xf32, #tpu.memory_space<vmem>>
    %dma_start3A_282 = tpu.memref_squeeze %dma_start3A_281 : memref<1x8x8x128xf32, #tpu.memory_space<vmem>> -> memref<8x8x128xf32, #tpu.memory_space<vmem>>
    %dma_start3A_283 = arith.constant 0 : i32
    %dma_start3A_284 = arith.constant 0 : i32
    %dma_start3A_285 = arith.constant 0 : i32
    %dma_start3A_286 = tpu.memref_slice %arg4[%dma_start3A_276, %dma_start3A_283, %add3A, %dma_start3A_284, %dma_start3A_285] : memref<200x8x32x8x128xf32, #tpu.memory_space<hbm>> -> memref<1x8x1x8x128xf32, #tpu.memory_space<hbm>>
    %dma_start3A_287 = tpu.memref_squeeze %dma_start3A_286 : memref<1x8x1x8x128xf32, #tpu.memory_space<hbm>> -> memref<8x8x128xf32, #tpu.memory_space<hbm>>
    %dma_start3A_288 = tpu.memref_slice %arg9[%dma_start3A_277] : memref<2x!tpu.dma_semaphore, #tpu.memory_space<semaphore_mem>> -> memref<1x!tpu.dma_semaphore, #tpu.memory_space<semaphore_mem>>
    %dma_start3A_289 = tpu.memref_squeeze %dma_start3A_288 : memref<1x!tpu.dma_semaphore, #tpu.memory_space<semaphore_mem>> -> memref<!tpu.dma_semaphore, #tpu.memory_space<semaphore_mem>>
    %dma_start3A_290 = arith.constant 0 : i32
    %dma_start3A_291 = arith.constant 0 : i32
    %dma_start3A_292 = arith.constant 0 : i32
    %dma_start3A_293 = tpu.memref_slice %arg4[%dma_start3A_276, %dma_start3A_290, %add3A, %dma_start3A_291, %dma_start3A_292] : memref<200x8x32x8x128xf32, #tpu.memory_space<hbm>> -> memref<1x8x1x8x128xf32, #tpu.memory_space<hbm>>
    %dma_start3A_294 = tpu.memref_squeeze %dma_start3A_293 : memref<1x8x1x8x128xf32, #tpu.memory_space<hbm>> -> memref<8x8x128xf32, #tpu.memory_space<hbm>>
    %dma_start3A_295 = arith.constant 0 : i32
    %dma_start3A_296 = arith.constant 0 : i32
    %dma_start3A_297 = arith.constant 0 : i32
    %dma_start3A_298 = tpu.memref_slice %arg7[%dma_start3A_275, %dma_start3A_295, %dma_start3A_296, %dma_start3A_297] : memref<2x8x8x129xf32, #tpu.memory_space<vmem>> -> memref<1x8x8x128xf32, #tpu.memory_space<vmem>>
    %dma_start3A_299 = tpu.memref_squeeze %dma_start3A_298 : memref<1x8x8x128xf32, #tpu.memory_space<vmem>> -> memref<8x8x128xf32, #tpu.memory_space<vmem>>
    tpu.enqueue_dma source(%dma_start3A_299 : memref<8x8x128xf32, #tpu.memory_space<vmem>>) target(%dma_start3A_294 : memref<8x8x128xf32, #tpu.memory_space<hbm>>) target_semaphore(%dma_start3A_289 : memref<!tpu.dma_semaphore, #tpu.memory_space<semaphore_mem>>)
    %dma_wait3A_300 = arith.constant 0 : i32
    %dma_wait3A_301 = arith.constant 1 : i32
    %dma_wait3A_302 = arith.constant 1 : i32
    %dma_wait3A_303 = arith.constant 0 : i32
    %dma_wait3A_304 = arith.constant 0 : i32
    %dma_wait3A_305 = tpu.memref_slice %arg6[%dma_wait3A_301, %dma_wait3A_303, %dma_wait3A_304] : memref<3x128x64xf32, #tpu.memory_space<vmem>> -> memref<1x128x64xf32, #tpu.memory_space<vmem>>
    %dma_wait3A_306 = tpu.memref_squeeze %dma_wait3A_305 : memref<1x128x64xf32, #tpu.memory_space<vmem>> -> memref<128x64xf32, #tpu.memory_space<vmem>>
    %dma_wait3A_307 = arith.constant 0 : i32
    %dma_wait3A_308 = tpu.memref_slice %arg5[%dma_wait3A_300, %dma_wait3A_307] : memref<200x128xi32, #tpu.memory_space<vmem>> -> memref<1x128xi32, #tpu.memory_space<vmem>>
    %dma_wait3A_309 = tpu.memref_squeeze %dma_wait3A_308 : memref<1x128xi32, #tpu.memory_space<vmem>> -> memref<128xi32, #tpu.memory_space<vmem>>
    %dma_wait3A_310 = arith.constant 0 : i32
    %dma_wait3A_311 = arith.constant 0 : i32
    %dma_wait3A_312 = tpu.memref_slice %arg3[%dma_wait3A_310, %dma_wait3A_311] : memref<1015808x64xf32, #tpu.memory_space<hbm>> -> memref<1015808x64xf32, #tpu.memory_space<hbm>>
    %dma_wait3A_313 = tpu.memref_slice %arg8[%dma_wait3A_302] : memref<3x!tpu.dma_semaphore, #tpu.memory_space<semaphore_mem>> -> memref<1x!tpu.dma_semaphore, #tpu.memory_space<semaphore_mem>>
    %dma_wait3A_314 = tpu.memref_squeeze %dma_wait3A_313 : memref<1x!tpu.dma_semaphore, #tpu.memory_space<semaphore_mem>> -> memref<!tpu.dma_semaphore, #tpu.memory_space<semaphore_mem>>
    tpu.wait_indirect_dma semaphore(%dma_wait3A_314 : memref<!tpu.dma_semaphore, #tpu.memory_space<semaphore_mem>>) src(%dma_wait3A_312 : memref<1015808x64xf32, #tpu.memory_space<hbm>>) dst(%dma_wait3A_306 : memref<128x64xf32, #tpu.memory_space<vmem>>)
    %dma_start3A_315 = arith.constant 3 : i32
    %dma_start3A_316 = arith.constant 0 : i32
    %dma_start3A_317 = arith.constant 0 : i32
    %dma_start3A_318 = arith.constant 0 : i32
    %dma_start3A_319 = arith.constant 0 : i32
    %dma_start3A_320 = tpu.memref_slice %arg6[%dma_start3A_316, %dma_start3A_318, %dma_start3A_319] : memref<3x128x64xf32, #tpu.memory_space<vmem>> -> memref<1x128x64xf32, #tpu.memory_space<vmem>>
    %dma_start3A_321 = tpu.memref_squeeze %dma_start3A_320 : memref<1x128x64xf32, #tpu.memory_space<vmem>> -> memref<128x64xf32, #tpu.memory_space<vmem>>
    %dma_start3A_322 = arith.constant 0 : i32
    %dma_start3A_323 = tpu.memref_slice %arg5[%dma_start3A_315, %dma_start3A_322] : memref<200x128xi32, #tpu.memory_space<vmem>> -> memref<1x128xi32, #tpu.memory_space<vmem>>
    %dma_start3A_324 = tpu.memref_squeeze %dma_start3A_323 : memref<1x128xi32, #tpu.memory_space<vmem>> -> memref<128xi32, #tpu.memory_space<vmem>>
    %dma_start3A_325 = arith.constant 0 : i32
    %dma_start3A_326 = arith.constant 0 : i32
    %dma_start3A_327 = tpu.memref_slice %arg3[%dma_start3A_325, %dma_start3A_326] : memref<1015808x64xf32, #tpu.memory_space<hbm>> -> memref<1015808x64xf32, #tpu.memory_space<hbm>>
    %dma_start3A_328 = tpu.memref_slice %arg8[%dma_start3A_317] : memref<3x!tpu.dma_semaphore, #tpu.memory_space<semaphore_mem>> -> memref<1x!tpu.dma_semaphore, #tpu.memory_space<semaphore_mem>>
    %dma_start3A_329 = tpu.memref_squeeze %dma_start3A_328 : memref<1x!tpu.dma_semaphore, #tpu.memory_space<semaphore_mem>> -> memref<!tpu.dma_semaphore, #tpu.memory_space<semaphore_mem>>
    tpu.enqueue_indirect_dma source(%dma_start3A_327 : memref<1015808x64xf32, #tpu.memory_space<hbm>>) target(%dma_start3A_321 : memref<128x64xf32, #tpu.memory_space<vmem>>) offsets(%dma_start3A_324 : memref<128xi32, #tpu.memory_space<vmem>>) semaphore(%dma_start3A_329 : memref<!tpu.dma_semaphore, #tpu.memory_space<semaphore_mem>>)
    %parallel_loop3A_330 = arith.constant 0 : i32
    %parallel_loop3A_331 = arith.constant 128 : i32
    %parallel_loop3A_332 = arith.constant 1 : i32
    scf.for %parallel_loop3A_553 = %parallel_loop3A_330 to %parallel_loop3A_331 step %parallel_loop3A_332  : i32 {
      %parallel_loop3A_554 = arith.constant 0 : i32
      %parallel_loop3A_555 = vector.broadcast %parallel_loop3A_554 : i32 to vector<16xi32>
      %parallel_loop3A_556 = vector.broadcast %parallel_loop3A_553 : i32 to vector<16xi32>
      %parallel_loop3A_557 = arith.addi %parallel_loop3A_555, %parallel_loop3A_556 : vector<16xi32>
      %parallel_loop3A_558 = arith.constant 1 : i32
      %parallel_loop3A_559 = arith.index_cast %parallel_loop3A_558 : i32 to index
      %parallel_loop3A_560 = arith.index_cast %parallel_loop3A_553 : i32 to index
      %parallel_loop3A_561 = arith.constant 0 : index
      %parallel_loop3A_562 = tpu.vector_load %arg6[%parallel_loop3A_559, %parallel_loop3A_560, %parallel_loop3A_561] {strides = array<i32>} : memref<3x128x64xf32, #tpu.memory_space<vmem>>, vector<16xf32>,
      %parallel_loop3A_563 = arith.constant 1 : i32
      %parallel_loop3A_564 = arith.constant 0 : i32
      %parallel_loop3A_565 = arith.constant 0 : i32
      %parallel_loop3A_566 = arith.constant 0 : i32
      %parallel_loop3A_567 = tpu.memref_slice %arg7[%parallel_loop3A_563, %parallel_loop3A_564, %parallel_loop3A_565, %parallel_loop3A_566] : memref<2x8x8x129xf32, #tpu.memory_space<vmem>> -> memref<1x8x8x129xf32, #tpu.memory_space<vmem>>
      %parallel_loop3A_568 = tpu.memref_squeeze %parallel_loop3A_567 : memref<1x8x8x129xf32, #tpu.memory_space<vmem>> -> memref<8x8x129xf32, #tpu.memory_space<vmem>>
      tpu.vector_store_idx %parallel_loop3A_568[%select_n3A, %select_n3A_148, %parallel_loop3A_557], %parallel_loop3A_562 : memref<8x8x129xf32, #tpu.memory_space<vmem>>[vector<16xi32>, vector<16xi32>, vector<16xi32>], vector<16xf32>,
      %parallel_loop3A_569 = arith.constant 1 : i32
      %parallel_loop3A_570 = arith.index_cast %parallel_loop3A_569 : i32 to index
      %parallel_loop3A_571 = arith.index_cast %parallel_loop3A_553 : i32 to index
      %parallel_loop3A_572 = arith.constant 16 : index
      %parallel_loop3A_573 = tpu.vector_load %arg6[%parallel_loop3A_570, %parallel_loop3A_571, %parallel_loop3A_572] {strides = array<i32>} : memref<3x128x64xf32, #tpu.memory_space<vmem>>, vector<16xf32>,
      %parallel_loop3A_574 = arith.constant 1 : i32
      %parallel_loop3A_575 = arith.constant 0 : i32
      %parallel_loop3A_576 = arith.constant 0 : i32
      %parallel_loop3A_577 = arith.constant 0 : i32
      %parallel_loop3A_578 = tpu.memref_slice %arg7[%parallel_loop3A_574, %parallel_loop3A_575, %parallel_loop3A_576, %parallel_loop3A_577] : memref<2x8x8x129xf32, #tpu.memory_space<vmem>> -> memref<1x8x8x129xf32, #tpu.memory_space<vmem>>
      %parallel_loop3A_579 = tpu.memref_squeeze %parallel_loop3A_578 : memref<1x8x8x129xf32, #tpu.memory_space<vmem>> -> memref<8x8x129xf32, #tpu.memory_space<vmem>>
      tpu.vector_store_idx %parallel_loop3A_579[%select_n3A_66, %select_n3A_170, %parallel_loop3A_557], %parallel_loop3A_573 : memref<8x8x129xf32, #tpu.memory_space<vmem>>[vector<16xi32>, vector<16xi32>, vector<16xi32>], vector<16xf32>,
      %parallel_loop3A_580 = arith.constant 1 : i32
      %parallel_loop3A_581 = arith.index_cast %parallel_loop3A_580 : i32 to index
      %parallel_loop3A_582 = arith.index_cast %parallel_loop3A_553 : i32 to index
      %parallel_loop3A_583 = arith.constant 32 : index
      %parallel_loop3A_584 = tpu.vector_load %arg6[%parallel_loop3A_581, %parallel_loop3A_582, %parallel_loop3A_583] {strides = array<i32>} : memref<3x128x64xf32, #tpu.memory_space<vmem>>, vector<16xf32>,
      %parallel_loop3A_585 = arith.constant 1 : i32
      %parallel_loop3A_586 = arith.constant 0 : i32
      %parallel_loop3A_587 = arith.constant 0 : i32
      %parallel_loop3A_588 = arith.constant 0 : i32
      %parallel_loop3A_589 = tpu.memref_slice %arg7[%parallel_loop3A_585, %parallel_loop3A_586, %parallel_loop3A_587, %parallel_loop3A_588] : memref<2x8x8x129xf32, #tpu.memory_space<vmem>> -> memref<1x8x8x129xf32, #tpu.memory_space<vmem>>
      %parallel_loop3A_590 = tpu.memref_squeeze %parallel_loop3A_589 : memref<1x8x8x129xf32, #tpu.memory_space<vmem>> -> memref<8x8x129xf32, #tpu.memory_space<vmem>>
      tpu.vector_store_idx %parallel_loop3A_590[%select_n3A_97, %select_n3A_192, %parallel_loop3A_557], %parallel_loop3A_584 : memref<8x8x129xf32, #tpu.memory_space<vmem>>[vector<16xi32>, vector<16xi32>, vector<16xi32>], vector<16xf32>,
      %parallel_loop3A_591 = arith.constant 1 : i32
      %parallel_loop3A_592 = arith.index_cast %parallel_loop3A_591 : i32 to index
      %parallel_loop3A_593 = arith.index_cast %parallel_loop3A_553 : i32 to index
      %parallel_loop3A_594 = arith.constant 48 : index
      %parallel_loop3A_595 = tpu.vector_load %arg6[%parallel_loop3A_592, %parallel_loop3A_593, %parallel_loop3A_594] {strides = array<i32>} : memref<3x128x64xf32, #tpu.memory_space<vmem>>, vector<16xf32>,
      %parallel_loop3A_596 = arith.constant 1 : i32
      %parallel_loop3A_597 = arith.constant 0 : i32
      %parallel_loop3A_598 = arith.constant 0 : i32
      %parallel_loop3A_599 = arith.constant 0 : i32
      %parallel_loop3A_600 = tpu.memref_slice %arg7[%parallel_loop3A_596, %parallel_loop3A_597, %parallel_loop3A_598, %parallel_loop3A_599] : memref<2x8x8x129xf32, #tpu.memory_space<vmem>> -> memref<1x8x8x129xf32, #tpu.memory_space<vmem>>
      %parallel_loop3A_601 = tpu.memref_squeeze %parallel_loop3A_600 : memref<1x8x8x129xf32, #tpu.memory_space<vmem>> -> memref<8x8x129xf32, #tpu.memory_space<vmem>>
      tpu.vector_store_idx %parallel_loop3A_601[%select_n3A_128, %select_n3A_214, %parallel_loop3A_557], %parallel_loop3A_595 : memref<8x8x129xf32, #tpu.memory_space<vmem>>[vector<16xi32>, vector<16xi32>, vector<16xi32>], vector<16xf32>,
    } {sc.loop_unroll_factor = 4 : i64, sc.parallel_access}
    %dma_start3A_333 = arith.constant 1 : i32
    %dma_start3A_334 = arith.constant 1 : i32
    %dma_start3A_335 = arith.constant 1 : i32
    %dma_start3A_336 = arith.constant 0 : i32
    %dma_start3A_337 = arith.constant 0 : i32
    %dma_start3A_338 = arith.constant 0 : i32
    %dma_start3A_339 = tpu.memref_slice %arg7[%dma_start3A_333, %dma_start3A_336, %dma_start3A_337, %dma_start3A_338] : memref<2x8x8x129xf32, #tpu.memory_space<vmem>> -> memref<1x8x8x128xf32, #tpu.memory_space<vmem>>
    %dma_start3A_340 = tpu.memref_squeeze %dma_start3A_339 : memref<1x8x8x128xf32, #tpu.memory_space<vmem>> -> memref<8x8x128xf32, #tpu.memory_space<vmem>>
    %dma_start3A_341 = arith.constant 0 : i32
    %dma_start3A_342 = arith.constant 0 : i32
    %dma_start3A_343 = arith.constant 0 : i32
    %dma_start3A_344 = tpu.memref_slice %arg4[%dma_start3A_334, %dma_start3A_341, %add3A, %dma_start3A_342, %dma_start3A_343] : memref<200x8x32x8x128xf32, #tpu.memory_space<hbm>> -> memref<1x8x1x8x128xf32, #tpu.memory_space<hbm>>
    %dma_start3A_345 = tpu.memref_squeeze %dma_start3A_344 : memref<1x8x1x8x128xf32, #tpu.memory_space<hbm>> -> memref<8x8x128xf32, #tpu.memory_space<hbm>>
    %dma_start3A_346 = tpu.memref_slice %arg9[%dma_start3A_335] : memref<2x!tpu.dma_semaphore, #tpu.memory_space<semaphore_mem>> -> memref<1x!tpu.dma_semaphore, #tpu.memory_space<semaphore_mem>>
    %dma_start3A_347 = tpu.memref_squeeze %dma_start3A_346 : memref<1x!tpu.dma_semaphore, #tpu.memory_space<semaphore_mem>> -> memref<!tpu.dma_semaphore, #tpu.memory_space<semaphore_mem>>
    %dma_start3A_348 = arith.constant 0 : i32
    %dma_start3A_349 = arith.constant 0 : i32
    %dma_start3A_350 = arith.constant 0 : i32
    %dma_start3A_351 = tpu.memref_slice %arg4[%dma_start3A_334, %dma_start3A_348, %add3A, %dma_start3A_349, %dma_start3A_350] : memref<200x8x32x8x128xf32, #tpu.memory_space<hbm>> -> memref<1x8x1x8x128xf32, #tpu.memory_space<hbm>>
    %dma_start3A_352 = tpu.memref_squeeze %dma_start3A_351 : memref<1x8x1x8x128xf32, #tpu.memory_space<hbm>> -> memref<8x8x128xf32, #tpu.memory_space<hbm>>
    %dma_start3A_353 = arith.constant 0 : i32
    %dma_start3A_354 = arith.constant 0 : i32
    %dma_start3A_355 = arith.constant 0 : i32
    %dma_start3A_356 = tpu.memref_slice %arg7[%dma_start3A_333, %dma_start3A_353, %dma_start3A_354, %dma_start3A_355] : memref<2x8x8x129xf32, #tpu.memory_space<vmem>> -> memref<1x8x8x128xf32, #tpu.memory_space<vmem>>
    %dma_start3A_357 = tpu.memref_squeeze %dma_start3A_356 : memref<1x8x8x128xf32, #tpu.memory_space<vmem>> -> memref<8x8x128xf32, #tpu.memory_space<vmem>>
    tpu.enqueue_dma source(%dma_start3A_357 : memref<8x8x128xf32, #tpu.memory_space<vmem>>) target(%dma_start3A_352 : memref<8x8x128xf32, #tpu.memory_space<hbm>>) target_semaphore(%dma_start3A_347 : memref<!tpu.dma_semaphore, #tpu.memory_space<semaphore_mem>>)
    %scan3A = arith.constant 0 : i32
    %scan3A_358 = arith.constant 2 : i32
    %scan3A_359 = arith.constant 196 : i32
    %scan3A_360 = arith.addi %scan3A_358, %scan3A_359 : i32
    %scan3A_361 = arith.constant 1 : i32
    scf.for %scan3A_553 = %scan3A_358 to %scan3A_360 step %scan3A_361  : i32 {
      %rem3A_554 = arith.constant 3 : i32
      %rem3A_555 = arith.remsi %scan3A_553, %rem3A_554 : i32
      %rem3A_556 = arith.constant 2 : i32
      %rem3A_557 = arith.remsi %scan3A_553, %rem3A_556 : i32
      %dma_wait3A_558 = arith.constant 0 : i32
      %dma_wait3A_559 = arith.constant 0 : i32
      %dma_wait3A_560 = arith.constant 0 : i32
      %dma_wait3A_561 = tpu.memref_slice %arg6[%rem3A_555, %dma_wait3A_559, %dma_wait3A_560] : memref<3x128x64xf32, #tpu.memory_space<vmem>> -> memref<1x128x64xf32, #tpu.memory_space<vmem>>
      %dma_wait3A_562 = tpu.memref_squeeze %dma_wait3A_561 : memref<1x128x64xf32, #tpu.memory_space<vmem>> -> memref<128x64xf32, #tpu.memory_space<vmem>>
      %dma_wait3A_563 = arith.constant 0 : i32
      %dma_wait3A_564 = tpu.memref_slice %arg5[%dma_wait3A_558, %dma_wait3A_563] : memref<200x128xi32, #tpu.memory_space<vmem>> -> memref<1x128xi32, #tpu.memory_space<vmem>>
      %dma_wait3A_565 = tpu.memref_squeeze %dma_wait3A_564 : memref<1x128xi32, #tpu.memory_space<vmem>> -> memref<128xi32, #tpu.memory_space<vmem>>
      %dma_wait3A_566 = arith.constant 0 : i32
      %dma_wait3A_567 = arith.constant 0 : i32
      %dma_wait3A_568 = tpu.memref_slice %arg3[%dma_wait3A_566, %dma_wait3A_567] : memref<1015808x64xf32, #tpu.memory_space<hbm>> -> memref<1015808x64xf32, #tpu.memory_space<hbm>>
      %dma_wait3A_569 = tpu.memref_slice %arg8[%rem3A_555] : memref<3x!tpu.dma_semaphore, #tpu.memory_space<semaphore_mem>> -> memref<1x!tpu.dma_semaphore, #tpu.memory_space<semaphore_mem>>
      %dma_wait3A_570 = tpu.memref_squeeze %dma_wait3A_569 : memref<1x!tpu.dma_semaphore, #tpu.memory_space<semaphore_mem>> -> memref<!tpu.dma_semaphore, #tpu.memory_space<semaphore_mem>>
      tpu.wait_indirect_dma semaphore(%dma_wait3A_570 : memref<!tpu.dma_semaphore, #tpu.memory_space<semaphore_mem>>) src(%dma_wait3A_568 : memref<1015808x64xf32, #tpu.memory_space<hbm>>) dst(%dma_wait3A_562 : memref<128x64xf32, #tpu.memory_space<vmem>>)
      %add3A_571 = arith.constant 2 : i32
      %add3A_572 = arith.addi %scan3A_553, %add3A_571 : i32
      %add3A_573 = arith.constant 2 : i32
      %add3A_574 = arith.addi %scan3A_553, %add3A_573 : i32
      %rem3A_575 = arith.constant 3 : i32
      %rem3A_576 = arith.remsi %add3A_574, %rem3A_575 : i32
      %dma_start3A_577 = arith.constant 0 : i32
      %dma_start3A_578 = arith.constant 0 : i32
      %dma_start3A_579 = tpu.memref_slice %arg6[%rem3A_576, %dma_start3A_577, %dma_start3A_578] : memref<3x128x64xf32, #tpu.memory_space<vmem>> -> memref<1x128x64xf32, #tpu.memory_space<vmem>>
      %dma_start3A_580 = tpu.memref_squeeze %dma_start3A_579 : memref<1x128x64xf32, #tpu.memory_space<vmem>> -> memref<128x64xf32, #tpu.memory_space<vmem>>
      %dma_start3A_581 = arith.constant 0 : i32
      %dma_start3A_582 = tpu.memref_slice %arg5[%add3A_572, %dma_start3A_581] : memref<200x128xi32, #tpu.memory_space<vmem>> -> memref<1x128xi32, #tpu.memory_space<vmem>>
      %dma_start3A_583 = tpu.memref_squeeze %dma_start3A_582 : memref<1x128xi32, #tpu.memory_space<vmem>> -> memref<128xi32, #tpu.memory_space<vmem>>
      %dma_start3A_584 = arith.constant 0 : i32
      %dma_start3A_585 = arith.constant 0 : i32
      %dma_start3A_586 = tpu.memref_slice %arg3[%dma_start3A_584, %dma_start3A_585] : memref<1015808x64xf32, #tpu.memory_space<hbm>> -> memref<1015808x64xf32, #tpu.memory_space<hbm>>
      %dma_start3A_587 = tpu.memref_slice %arg8[%rem3A_576] : memref<3x!tpu.dma_semaphore, #tpu.memory_space<semaphore_mem>> -> memref<1x!tpu.dma_semaphore, #tpu.memory_space<semaphore_mem>>
      %dma_start3A_588 = tpu.memref_squeeze %dma_start3A_587 : memref<1x!tpu.dma_semaphore, #tpu.memory_space<semaphore_mem>> -> memref<!tpu.dma_semaphore, #tpu.memory_space<semaphore_mem>>
      tpu.enqueue_indirect_dma source(%dma_start3A_586 : memref<1015808x64xf32, #tpu.memory_space<hbm>>) target(%dma_start3A_580 : memref<128x64xf32, #tpu.memory_space<vmem>>) offsets(%dma_start3A_583 : memref<128xi32, #tpu.memory_space<vmem>>) semaphore(%dma_start3A_588 : memref<!tpu.dma_semaphore, #tpu.memory_space<semaphore_mem>>)
      %dma_wait3A_589 = arith.constant 0 : i32
      %dma_wait3A_590 = arith.constant 0 : i32
      %dma_wait3A_591 = arith.constant 0 : i32
      %dma_wait3A_592 = arith.constant 0 : i32
      %dma_wait3A_593 = arith.constant 0 : i32
      %dma_wait3A_594 = tpu.memref_slice %arg7[%rem3A_557, %dma_wait3A_591, %dma_wait3A_592, %dma_wait3A_593] : memref<2x8x8x129xf32, #tpu.memory_space<vmem>> -> memref<1x8x8x128xf32, #tpu.memory_space<vmem>>
      %dma_wait3A_595 = tpu.memref_squeeze %dma_wait3A_594 : memref<1x8x8x128xf32, #tpu.memory_space<vmem>> -> memref<8x8x128xf32, #tpu.memory_space<vmem>>
      %dma_wait3A_596 = arith.constant 0 : i32
      %dma_wait3A_597 = arith.constant 0 : i32
      %dma_wait3A_598 = arith.constant 0 : i32
      %dma_wait3A_599 = tpu.memref_slice %arg4[%dma_wait3A_589, %dma_wait3A_596, %dma_wait3A_590, %dma_wait3A_597, %dma_wait3A_598] : memref<200x8x32x8x128xf32, #tpu.memory_space<hbm>> -> memref<1x8x1x8x128xf32, #tpu.memory_space<hbm>>
      %dma_wait3A_600 = tpu.memref_squeeze %dma_wait3A_599 : memref<1x8x1x8x128xf32, #tpu.memory_space<hbm>> -> memref<8x8x128xf32, #tpu.memory_space<hbm>>
      %dma_wait3A_601 = tpu.memref_slice %arg9[%rem3A_557] : memref<2x!tpu.dma_semaphore, #tpu.memory_space<semaphore_mem>> -> memref<1x!tpu.dma_semaphore, #tpu.memory_space<semaphore_mem>>
      %dma_wait3A_602 = tpu.memref_squeeze %dma_wait3A_601 : memref<1x!tpu.dma_semaphore, #tpu.memory_space<semaphore_mem>> -> memref<!tpu.dma_semaphore, #tpu.memory_space<semaphore_mem>>
      %dma_wait3A_603 = arith.constant 0 : i32
      %dma_wait3A_604 = arith.constant 0 : i32
      %dma_wait3A_605 = arith.constant 0 : i32
      %dma_wait3A_606 = tpu.memref_slice %arg4[%dma_wait3A_589, %dma_wait3A_603, %dma_wait3A_590, %dma_wait3A_604, %dma_wait3A_605] : memref<200x8x32x8x128xf32, #tpu.memory_space<hbm>> -> memref<1x8x1x8x128xf32, #tpu.memory_space<hbm>>
      %dma_wait3A_607 = tpu.memref_squeeze %dma_wait3A_606 : memref<1x8x1x8x128xf32, #tpu.memory_space<hbm>> -> memref<8x8x128xf32, #tpu.memory_space<hbm>>
      %dma_wait3A_608 = arith.constant 0 : i32
      %dma_wait3A_609 = arith.constant 0 : i32
      %dma_wait3A_610 = arith.constant 0 : i32
      %dma_wait3A_611 = tpu.memref_slice %arg7[%rem3A_557, %dma_wait3A_608, %dma_wait3A_609, %dma_wait3A_610] : memref<2x8x8x129xf32, #tpu.memory_space<vmem>> -> memref<1x8x8x128xf32, #tpu.memory_space<vmem>>
      %dma_wait3A_612 = tpu.memref_squeeze %dma_wait3A_611 : memref<1x8x8x128xf32, #tpu.memory_space<vmem>> -> memref<8x8x128xf32, #tpu.memory_space<vmem>>
      tpu.wait_dma2 semaphore(%dma_wait3A_602 : memref<!tpu.dma_semaphore, #tpu.memory_space<semaphore_mem>>) src(%dma_wait3A_612 : memref<8x8x128xf32, #tpu.memory_space<vmem>>) dst(%dma_wait3A_607 : memref<8x8x128xf32, #tpu.memory_space<hbm>>)
      %parallel_loop3A_613 = arith.constant 0 : i32
      %parallel_loop3A_614 = arith.constant 128 : i32
      %parallel_loop3A_615 = arith.constant 1 : i32
      scf.for %parallel_loop3A_638 = %parallel_loop3A_613 to %parallel_loop3A_614 step %parallel_loop3A_615  : i32 {
        %parallel_loop3A_639 = arith.constant 0 : i32
        %parallel_loop3A_640 = vector.broadcast %parallel_loop3A_639 : i32 to vector<16xi32>
        %parallel_loop3A_641 = vector.broadcast %parallel_loop3A_638 : i32 to vector<16xi32>
        %parallel_loop3A_642 = arith.addi %parallel_loop3A_640, %parallel_loop3A_641 : vector<16xi32>
        %parallel_loop3A_643 = arith.index_cast %rem3A_555 : i32 to index
        %parallel_loop3A_644 = arith.index_cast %parallel_loop3A_638 : i32 to index
        %parallel_loop3A_645 = arith.constant 0 : index
        %parallel_loop3A_646 = tpu.vector_load %arg6[%parallel_loop3A_643, %parallel_loop3A_644, %parallel_loop3A_645] {strides = array<i32>} : memref<3x128x64xf32, #tpu.memory_space<vmem>>, vector<16xf32>,
        %parallel_loop3A_647 = arith.constant 0 : i32
        %parallel_loop3A_648 = arith.constant 0 : i32
        %parallel_loop3A_649 = arith.constant 0 : i32
        %parallel_loop3A_650 = tpu.memref_slice %arg7[%rem3A_557, %parallel_loop3A_647, %parallel_loop3A_648, %parallel_loop3A_649] : memref<2x8x8x129xf32, #tpu.memory_space<vmem>> -> memref<1x8x8x129xf32, #tpu.memory_space<vmem>>
        %parallel_loop3A_651 = tpu.memref_squeeze %parallel_loop3A_650 : memref<1x8x8x129xf32, #tpu.memory_space<vmem>> -> memref<8x8x129xf32, #tpu.memory_space<vmem>>
        tpu.vector_store_idx %parallel_loop3A_651[%select_n3A, %select_n3A_148, %parallel_loop3A_642], %parallel_loop3A_646 : memref<8x8x129xf32, #tpu.memory_space<vmem>>[vector<16xi32>, vector<16xi32>, vector<16xi32>], vector<16xf32>,
        %parallel_loop3A_652 = arith.index_cast %rem3A_555 : i32 to index
        %parallel_loop3A_653 = arith.index_cast %parallel_loop3A_638 : i32 to index
        %parallel_loop3A_654 = arith.constant 16 : index
        %parallel_loop3A_655 = tpu.vector_load %arg6[%parallel_loop3A_652, %parallel_loop3A_653, %parallel_loop3A_654] {strides = array<i32>} : memref<3x128x64xf32, #tpu.memory_space<vmem>>, vector<16xf32>,
        %parallel_loop3A_656 = arith.constant 0 : i32
        %parallel_loop3A_657 = arith.constant 0 : i32
        %parallel_loop3A_658 = arith.constant 0 : i32
        %parallel_loop3A_659 = tpu.memref_slice %arg7[%rem3A_557, %parallel_loop3A_656, %parallel_loop3A_657, %parallel_loop3A_658] : memref<2x8x8x129xf32, #tpu.memory_space<vmem>> -> memref<1x8x8x129xf32, #tpu.memory_space<vmem>>
        %parallel_loop3A_660 = tpu.memref_squeeze %parallel_loop3A_659 : memref<1x8x8x129xf32, #tpu.memory_space<vmem>> -> memref<8x8x129xf32, #tpu.memory_space<vmem>>
        tpu.vector_store_idx %parallel_loop3A_660[%select_n3A_66, %select_n3A_170, %parallel_loop3A_642], %parallel_loop3A_655 : memref<8x8x129xf32, #tpu.memory_space<vmem>>[vector<16xi32>, vector<16xi32>, vector<16xi32>], vector<16xf32>,
        %parallel_loop3A_661 = arith.index_cast %rem3A_555 : i32 to index
        %parallel_loop3A_662 = arith.index_cast %parallel_loop3A_638 : i32 to index
        %parallel_loop3A_663 = arith.constant 32 : index
        %parallel_loop3A_664 = tpu.vector_load %arg6[%parallel_loop3A_661, %parallel_loop3A_662, %parallel_loop3A_663] {strides = array<i32>} : memref<3x128x64xf32, #tpu.memory_space<vmem>>, vector<16xf32>,
        %parallel_loop3A_665 = arith.constant 0 : i32
        %parallel_loop3A_666 = arith.constant 0 : i32
        %parallel_loop3A_667 = arith.constant 0 : i32
        %parallel_loop3A_668 = tpu.memref_slice %arg7[%rem3A_557, %parallel_loop3A_665, %parallel_loop3A_666, %parallel_loop3A_667] : memref<2x8x8x129xf32, #tpu.memory_space<vmem>> -> memref<1x8x8x129xf32, #tpu.memory_space<vmem>>
        %parallel_loop3A_669 = tpu.memref_squeeze %parallel_loop3A_668 : memref<1x8x8x129xf32, #tpu.memory_space<vmem>> -> memref<8x8x129xf32, #tpu.memory_space<vmem>>
        tpu.vector_store_idx %parallel_loop3A_669[%select_n3A_97, %select_n3A_192, %parallel_loop3A_642], %parallel_loop3A_664 : memref<8x8x129xf32, #tpu.memory_space<vmem>>[vector<16xi32>, vector<16xi32>, vector<16xi32>], vector<16xf32>,
        %parallel_loop3A_670 = arith.index_cast %rem3A_555 : i32 to index
        %parallel_loop3A_671 = arith.index_cast %parallel_loop3A_638 : i32 to index
        %parallel_loop3A_672 = arith.constant 48 : index
        %parallel_loop3A_673 = tpu.vector_load %arg6[%parallel_loop3A_670, %parallel_loop3A_671, %parallel_loop3A_672] {strides = array<i32>} : memref<3x128x64xf32, #tpu.memory_space<vmem>>, vector<16xf32>,
        %parallel_loop3A_674 = arith.constant 0 : i32
        %parallel_loop3A_675 = arith.constant 0 : i32
        %parallel_loop3A_676 = arith.constant 0 : i32
        %parallel_loop3A_677 = tpu.memref_slice %arg7[%rem3A_557, %parallel_loop3A_674, %parallel_loop3A_675, %parallel_loop3A_676] : memref<2x8x8x129xf32, #tpu.memory_space<vmem>> -> memref<1x8x8x129xf32, #tpu.memory_space<vmem>>
        %parallel_loop3A_678 = tpu.memref_squeeze %parallel_loop3A_677 : memref<1x8x8x129xf32, #tpu.memory_space<vmem>> -> memref<8x8x129xf32, #tpu.memory_space<vmem>>
        tpu.vector_store_idx %parallel_loop3A_678[%select_n3A_128, %select_n3A_214, %parallel_loop3A_642], %parallel_loop3A_673 : memref<8x8x129xf32, #tpu.memory_space<vmem>>[vector<16xi32>, vector<16xi32>, vector<16xi32>], vector<16xf32>,
      } {sc.loop_unroll_factor = 4 : i64, sc.parallel_access}
      %dma_start3A_616 = arith.constant 0 : i32
      %dma_start3A_617 = arith.constant 0 : i32
      %dma_start3A_618 = arith.constant 0 : i32
      %dma_start3A_619 = tpu.memref_slice %arg7[%rem3A_557, %dma_start3A_616, %dma_start3A_617, %dma_start3A_618] : memref<2x8x8x129xf32, #tpu.memory_space<vmem>> -> memref<1x8x8x128xf32, #tpu.memory_space<vmem>>
      %dma_start3A_620 = tpu.memref_squeeze %dma_start3A_619 : memref<1x8x8x128xf32, #tpu.memory_space<vmem>> -> memref<8x8x128xf32, #tpu.memory_space<vmem>>
      %dma_start3A_621 = arith.constant 0 : i32
      %dma_start3A_622 = arith.constant 0 : i32
      %dma_start3A_623 = arith.constant 0 : i32
      %dma_start3A_624 = tpu.memref_slice %arg4[%scan3A_553, %dma_start3A_621, %add3A, %dma_start3A_622, %dma_start3A_623] : memref<200x8x32x8x128xf32, #tpu.memory_space<hbm>> -> memref<1x8x1x8x128xf32, #tpu.memory_space<hbm>>
      %dma_start3A_625 = tpu.memref_squeeze %dma_start3A_624 : memref<1x8x1x8x128xf32, #tpu.memory_space<hbm>> -> memref<8x8x128xf32, #tpu.memory_space<hbm>>
      %dma_start3A_626 = tpu.memref_slice %arg9[%rem3A_557] : memref<2x!tpu.dma_semaphore, #tpu.memory_space<semaphore_mem>> -> memref<1x!tpu.dma_semaphore, #tpu.memory_space<semaphore_mem>>
      %dma_start3A_627 = tpu.memref_squeeze %dma_start3A_626 : memref<1x!tpu.dma_semaphore, #tpu.memory_space<semaphore_mem>> -> memref<!tpu.dma_semaphore, #tpu.memory_space<semaphore_mem>>
      %dma_start3A_628 = arith.constant 0 : i32
      %dma_start3A_629 = arith.constant 0 : i32
      %dma_start3A_630 = arith.constant 0 : i32
      %dma_start3A_631 = tpu.memref_slice %arg4[%scan3A_553, %dma_start3A_628, %add3A, %dma_start3A_629, %dma_start3A_630] : memref<200x8x32x8x128xf32, #tpu.memory_space<hbm>> -> memref<1x8x1x8x128xf32, #tpu.memory_space<hbm>>
      %dma_start3A_632 = tpu.memref_squeeze %dma_start3A_631 : memref<1x8x1x8x128xf32, #tpu.memory_space<hbm>> -> memref<8x8x128xf32, #tpu.memory_space<hbm>>
      %dma_start3A_633 = arith.constant 0 : i32
      %dma_start3A_634 = arith.constant 0 : i32
      %dma_start3A_635 = arith.constant 0 : i32
      %dma_start3A_636 = tpu.memref_slice %arg7[%rem3A_557, %dma_start3A_633, %dma_start3A_634, %dma_start3A_635] : memref<2x8x8x129xf32, #tpu.memory_space<vmem>> -> memref<1x8x8x128xf32, #tpu.memory_space<vmem>>
      %dma_start3A_637 = tpu.memref_squeeze %dma_start3A_636 : memref<1x8x8x128xf32, #tpu.memory_space<vmem>> -> memref<8x8x128xf32, #tpu.memory_space<vmem>>
      tpu.enqueue_dma source(%dma_start3A_637 : memref<8x8x128xf32, #tpu.memory_space<vmem>>) target(%dma_start3A_632 : memref<8x8x128xf32, #tpu.memory_space<hbm>>) target_semaphore(%dma_start3A_627 : memref<!tpu.dma_semaphore, #tpu.memory_space<semaphore_mem>>)
    }
    %scan3A_362 = arith.constant 196 : i32
    %dma_wait3A_363 = arith.constant 0 : i32
    %dma_wait3A_364 = arith.constant 0 : i32
    %dma_wait3A_365 = arith.constant 0 : i32
    %dma_wait3A_366 = arith.constant 0 : i32
    %dma_wait3A_367 = arith.constant 0 : i32
    %dma_wait3A_368 = tpu.memref_slice %arg6[%dma_wait3A_364, %dma_wait3A_366, %dma_wait3A_367] : memref<3x128x64xf32, #tpu.memory_space<vmem>> -> memref<1x128x64xf32, #tpu.memory_space<vmem>>
    %dma_wait3A_369 = tpu.memref_squeeze %dma_wait3A_368 : memref<1x128x64xf32, #tpu.memory_space<vmem>> -> memref<128x64xf32, #tpu.memory_space<vmem>>
    %dma_wait3A_370 = arith.constant 0 : i32
    %dma_wait3A_371 = tpu.memref_slice %arg5[%dma_wait3A_363, %dma_wait3A_370] : memref<200x128xi32, #tpu.memory_space<vmem>> -> memref<1x128xi32, #tpu.memory_space<vmem>>
    %dma_wait3A_372 = tpu.memref_squeeze %dma_wait3A_371 : memref<1x128xi32, #tpu.memory_space<vmem>> -> memref<128xi32, #tpu.memory_space<vmem>>
    %dma_wait3A_373 = arith.constant 0 : i32
    %dma_wait3A_374 = arith.constant 0 : i32
    %dma_wait3A_375 = tpu.memref_slice %arg3[%dma_wait3A_373, %dma_wait3A_374] : memref<1015808x64xf32, #tpu.memory_space<hbm>> -> memref<1015808x64xf32, #tpu.memory_space<hbm>>
    %dma_wait3A_376 = tpu.memref_slice %arg8[%dma_wait3A_365] : memref<3x!tpu.dma_semaphore, #tpu.memory_space<semaphore_mem>> -> memref<1x!tpu.dma_semaphore, #tpu.memory_space<semaphore_mem>>
    %dma_wait3A_377 = tpu.memref_squeeze %dma_wait3A_376 : memref<1x!tpu.dma_semaphore, #tpu.memory_space<semaphore_mem>> -> memref<!tpu.dma_semaphore, #tpu.memory_space<semaphore_mem>>
    tpu.wait_indirect_dma semaphore(%dma_wait3A_377 : memref<!tpu.dma_semaphore, #tpu.memory_space<semaphore_mem>>) src(%dma_wait3A_375 : memref<1015808x64xf32, #tpu.memory_space<hbm>>) dst(%dma_wait3A_369 : memref<128x64xf32, #tpu.memory_space<vmem>>)
    %dma_wait3A_378 = arith.constant 0 : i32
    %dma_wait3A_379 = arith.constant 0 : i32
    %dma_wait3A_380 = arith.constant 0 : i32
    %dma_wait3A_381 = arith.constant 0 : i32
    %dma_wait3A_382 = arith.constant 0 : i32
    %dma_wait3A_383 = arith.constant 0 : i32
    %dma_wait3A_384 = arith.constant 0 : i32
    %dma_wait3A_385 = tpu.memref_slice %arg7[%dma_wait3A_378, %dma_wait3A_382, %dma_wait3A_383, %dma_wait3A_384] : memref<2x8x8x129xf32, #tpu.memory_space<vmem>> -> memref<1x8x8x128xf32, #tpu.memory_space<vmem>>
    %dma_wait3A_386 = tpu.memref_squeeze %dma_wait3A_385 : memref<1x8x8x128xf32, #tpu.memory_space<vmem>> -> memref<8x8x128xf32, #tpu.memory_space<vmem>>
    %dma_wait3A_387 = arith.constant 0 : i32
    %dma_wait3A_388 = arith.constant 0 : i32
    %dma_wait3A_389 = arith.constant 0 : i32
    %dma_wait3A_390 = tpu.memref_slice %arg4[%dma_wait3A_379, %dma_wait3A_387, %dma_wait3A_380, %dma_wait3A_388, %dma_wait3A_389] : memref<200x8x32x8x128xf32, #tpu.memory_space<hbm>> -> memref<1x8x1x8x128xf32, #tpu.memory_space<hbm>>
    %dma_wait3A_391 = tpu.memref_squeeze %dma_wait3A_390 : memref<1x8x1x8x128xf32, #tpu.memory_space<hbm>> -> memref<8x8x128xf32, #tpu.memory_space<hbm>>
    %dma_wait3A_392 = tpu.memref_slice %arg9[%dma_wait3A_381] : memref<2x!tpu.dma_semaphore, #tpu.memory_space<semaphore_mem>> -> memref<1x!tpu.dma_semaphore, #tpu.memory_space<semaphore_mem>>
    %dma_wait3A_393 = tpu.memref_squeeze %dma_wait3A_392 : memref<1x!tpu.dma_semaphore, #tpu.memory_space<semaphore_mem>> -> memref<!tpu.dma_semaphore, #tpu.memory_space<semaphore_mem>>
    %dma_wait3A_394 = arith.constant 0 : i32
    %dma_wait3A_395 = arith.constant 0 : i32
    %dma_wait3A_396 = arith.constant 0 : i32
    %dma_wait3A_397 = tpu.memref_slice %arg4[%dma_wait3A_379, %dma_wait3A_394, %dma_wait3A_380, %dma_wait3A_395, %dma_wait3A_396] : memref<200x8x32x8x128xf32, #tpu.memory_space<hbm>> -> memref<1x8x1x8x128xf32, #tpu.memory_space<hbm>>
    %dma_wait3A_398 = tpu.memref_squeeze %dma_wait3A_397 : memref<1x8x1x8x128xf32, #tpu.memory_space<hbm>> -> memref<8x8x128xf32, #tpu.memory_space<hbm>>
    %dma_wait3A_399 = arith.constant 0 : i32
    %dma_wait3A_400 = arith.constant 0 : i32
    %dma_wait3A_401 = arith.constant 0 : i32
    %dma_wait3A_402 = tpu.memref_slice %arg7[%dma_wait3A_378, %dma_wait3A_399, %dma_wait3A_400, %dma_wait3A_401] : memref<2x8x8x129xf32, #tpu.memory_space<vmem>> -> memref<1x8x8x128xf32, #tpu.memory_space<vmem>>
    %dma_wait3A_403 = tpu.memref_squeeze %dma_wait3A_402 : memref<1x8x8x128xf32, #tpu.memory_space<vmem>> -> memref<8x8x128xf32, #tpu.memory_space<vmem>>
    tpu.wait_dma2 semaphore(%dma_wait3A_393 : memref<!tpu.dma_semaphore, #tpu.memory_space<semaphore_mem>>) src(%dma_wait3A_403 : memref<8x8x128xf32, #tpu.memory_space<vmem>>) dst(%dma_wait3A_398 : memref<8x8x128xf32, #tpu.memory_space<hbm>>)
    %parallel_loop3A_404 = arith.constant 0 : i32
    %parallel_loop3A_405 = arith.constant 128 : i32
    %parallel_loop3A_406 = arith.constant 1 : i32
    scf.for %parallel_loop3A_553 = %parallel_loop3A_404 to %parallel_loop3A_405 step %parallel_loop3A_406  : i32 {
      %parallel_loop3A_554 = arith.constant 0 : i32
      %parallel_loop3A_555 = vector.broadcast %parallel_loop3A_554 : i32 to vector<16xi32>
      %parallel_loop3A_556 = vector.broadcast %parallel_loop3A_553 : i32 to vector<16xi32>
      %parallel_loop3A_557 = arith.addi %parallel_loop3A_555, %parallel_loop3A_556 : vector<16xi32>
      %parallel_loop3A_558 = arith.constant 0 : i32
      %parallel_loop3A_559 = arith.index_cast %parallel_loop3A_558 : i32 to index
      %parallel_loop3A_560 = arith.index_cast %parallel_loop3A_553 : i32 to index
      %parallel_loop3A_561 = arith.constant 0 : index
      %parallel_loop3A_562 = tpu.vector_load %arg6[%parallel_loop3A_559, %parallel_loop3A_560, %parallel_loop3A_561] {strides = array<i32>} : memref<3x128x64xf32, #tpu.memory_space<vmem>>, vector<16xf32>,
      %parallel_loop3A_563 = arith.constant 0 : i32
      %parallel_loop3A_564 = arith.constant 0 : i32
      %parallel_loop3A_565 = arith.constant 0 : i32
      %parallel_loop3A_566 = arith.constant 0 : i32
      %parallel_loop3A_567 = tpu.memref_slice %arg7[%parallel_loop3A_563, %parallel_loop3A_564, %parallel_loop3A_565, %parallel_loop3A_566] : memref<2x8x8x129xf32, #tpu.memory_space<vmem>> -> memref<1x8x8x129xf32, #tpu.memory_space<vmem>>
      %parallel_loop3A_568 = tpu.memref_squeeze %parallel_loop3A_567 : memref<1x8x8x129xf32, #tpu.memory_space<vmem>> -> memref<8x8x129xf32, #tpu.memory_space<vmem>>
      tpu.vector_store_idx %parallel_loop3A_568[%select_n3A, %select_n3A_148, %parallel_loop3A_557], %parallel_loop3A_562 : memref<8x8x129xf32, #tpu.memory_space<vmem>>[vector<16xi32>, vector<16xi32>, vector<16xi32>], vector<16xf32>,
      %parallel_loop3A_569 = arith.constant 0 : i32
      %parallel_loop3A_570 = arith.index_cast %parallel_loop3A_569 : i32 to index
      %parallel_loop3A_571 = arith.index_cast %parallel_loop3A_553 : i32 to index
      %parallel_loop3A_572 = arith.constant 16 : index
      %parallel_loop3A_573 = tpu.vector_load %arg6[%parallel_loop3A_570, %parallel_loop3A_571, %parallel_loop3A_572] {strides = array<i32>} : memref<3x128x64xf32, #tpu.memory_space<vmem>>, vector<16xf32>,
      %parallel_loop3A_574 = arith.constant 0 : i32
      %parallel_loop3A_575 = arith.constant 0 : i32
      %parallel_loop3A_576 = arith.constant 0 : i32
      %parallel_loop3A_577 = arith.constant 0 : i32
      %parallel_loop3A_578 = tpu.memref_slice %arg7[%parallel_loop3A_574, %parallel_loop3A_575, %parallel_loop3A_576, %parallel_loop3A_577] : memref<2x8x8x129xf32, #tpu.memory_space<vmem>> -> memref<1x8x8x129xf32, #tpu.memory_space<vmem>>
      %parallel_loop3A_579 = tpu.memref_squeeze %parallel_loop3A_578 : memref<1x8x8x129xf32, #tpu.memory_space<vmem>> -> memref<8x8x129xf32, #tpu.memory_space<vmem>>
      tpu.vector_store_idx %parallel_loop3A_579[%select_n3A_66, %select_n3A_170, %parallel_loop3A_557], %parallel_loop3A_573 : memref<8x8x129xf32, #tpu.memory_space<vmem>>[vector<16xi32>, vector<16xi32>, vector<16xi32>], vector<16xf32>,
      %parallel_loop3A_580 = arith.constant 0 : i32
      %parallel_loop3A_581 = arith.index_cast %parallel_loop3A_580 : i32 to index
      %parallel_loop3A_582 = arith.index_cast %parallel_loop3A_553 : i32 to index
      %parallel_loop3A_583 = arith.constant 32 : index
      %parallel_loop3A_584 = tpu.vector_load %arg6[%parallel_loop3A_581, %parallel_loop3A_582, %parallel_loop3A_583] {strides = array<i32>} : memref<3x128x64xf32, #tpu.memory_space<vmem>>, vector<16xf32>,
      %parallel_loop3A_585 = arith.constant 0 : i32
      %parallel_loop3A_586 = arith.constant 0 : i32
      %parallel_loop3A_587 = arith.constant 0 : i32
      %parallel_loop3A_588 = arith.constant 0 : i32
      %parallel_loop3A_589 = tpu.memref_slice %arg7[%parallel_loop3A_585, %parallel_loop3A_586, %parallel_loop3A_587, %parallel_loop3A_588] : memref<2x8x8x129xf32, #tpu.memory_space<vmem>> -> memref<1x8x8x129xf32, #tpu.memory_space<vmem>>
      %parallel_loop3A_590 = tpu.memref_squeeze %parallel_loop3A_589 : memref<1x8x8x129xf32, #tpu.memory_space<vmem>> -> memref<8x8x129xf32, #tpu.memory_space<vmem>>
      tpu.vector_store_idx %parallel_loop3A_590[%select_n3A_97, %select_n3A_192, %parallel_loop3A_557], %parallel_loop3A_584 : memref<8x8x129xf32, #tpu.memory_space<vmem>>[vector<16xi32>, vector<16xi32>, vector<16xi32>], vector<16xf32>,
      %parallel_loop3A_591 = arith.constant 0 : i32
      %parallel_loop3A_592 = arith.index_cast %parallel_loop3A_591 : i32 to index
      %parallel_loop3A_593 = arith.index_cast %parallel_loop3A_553 : i32 to index
      %parallel_loop3A_594 = arith.constant 48 : index
      %parallel_loop3A_595 = tpu.vector_load %arg6[%parallel_loop3A_592, %parallel_loop3A_593, %parallel_loop3A_594] {strides = array<i32>} : memref<3x128x64xf32, #tpu.memory_space<vmem>>, vector<16xf32>,
      %parallel_loop3A_596 = arith.constant 0 : i32
      %parallel_loop3A_597 = arith.constant 0 : i32
      %parallel_loop3A_598 = arith.constant 0 : i32
      %parallel_loop3A_599 = arith.constant 0 : i32
      %parallel_loop3A_600 = tpu.memref_slice %arg7[%parallel_loop3A_596, %parallel_loop3A_597, %parallel_loop3A_598, %parallel_loop3A_599] : memref<2x8x8x129xf32, #tpu.memory_space<vmem>> -> memref<1x8x8x129xf32, #tpu.memory_space<vmem>>
      %parallel_loop3A_601 = tpu.memref_squeeze %parallel_loop3A_600 : memref<1x8x8x129xf32, #tpu.memory_space<vmem>> -> memref<8x8x129xf32, #tpu.memory_space<vmem>>
      tpu.vector_store_idx %parallel_loop3A_601[%select_n3A_128, %select_n3A_214, %parallel_loop3A_557], %parallel_loop3A_595 : memref<8x8x129xf32, #tpu.memory_space<vmem>>[vector<16xi32>, vector<16xi32>, vector<16xi32>], vector<16xf32>,
    } {sc.loop_unroll_factor = 4 : i64, sc.parallel_access}
    %dma_start3A_407 = arith.constant 0 : i32
    %dma_start3A_408 = arith.constant 198 : i32
    %dma_start3A_409 = arith.constant 0 : i32
    %dma_start3A_410 = arith.constant 0 : i32
    %dma_start3A_411 = arith.constant 0 : i32
    %dma_start3A_412 = arith.constant 0 : i32
    %dma_start3A_413 = tpu.memref_slice %arg7[%dma_start3A_407, %dma_start3A_410, %dma_start3A_411, %dma_start3A_412] : memref<2x8x8x129xf32, #tpu.memory_space<vmem>> -> memref<1x8x8x128xf32, #tpu.memory_space<vmem>>
    %dma_start3A_414 = tpu.memref_squeeze %dma_start3A_413 : memref<1x8x8x128xf32, #tpu.memory_space<vmem>> -> memref<8x8x128xf32, #tpu.memory_space<vmem>>
    %dma_start3A_415 = arith.constant 0 : i32
    %dma_start3A_416 = arith.constant 0 : i32
    %dma_start3A_417 = arith.constant 0 : i32
    %dma_start3A_418 = tpu.memref_slice %arg4[%dma_start3A_408, %dma_start3A_415, %add3A, %dma_start3A_416, %dma_start3A_417] : memref<200x8x32x8x128xf32, #tpu.memory_space<hbm>> -> memref<1x8x1x8x128xf32, #tpu.memory_space<hbm>>
    %dma_start3A_419 = tpu.memref_squeeze %dma_start3A_418 : memref<1x8x1x8x128xf32, #tpu.memory_space<hbm>> -> memref<8x8x128xf32, #tpu.memory_space<hbm>>
    %dma_start3A_420 = tpu.memref_slice %arg9[%dma_start3A_409] : memref<2x!tpu.dma_semaphore, #tpu.memory_space<semaphore_mem>> -> memref<1x!tpu.dma_semaphore, #tpu.memory_space<semaphore_mem>>
    %dma_start3A_421 = tpu.memref_squeeze %dma_start3A_420 : memref<1x!tpu.dma_semaphore, #tpu.memory_space<semaphore_mem>> -> memref<!tpu.dma_semaphore, #tpu.memory_space<semaphore_mem>>
    %dma_start3A_422 = arith.constant 0 : i32
    %dma_start3A_423 = arith.constant 0 : i32
    %dma_start3A_424 = arith.constant 0 : i32
    %dma_start3A_425 = tpu.memref_slice %arg4[%dma_start3A_408, %dma_start3A_422, %add3A, %dma_start3A_423, %dma_start3A_424] : memref<200x8x32x8x128xf32, #tpu.memory_space<hbm>> -> memref<1x8x1x8x128xf32, #tpu.memory_space<hbm>>
    %dma_start3A_426 = tpu.memref_squeeze %dma_start3A_425 : memref<1x8x1x8x128xf32, #tpu.memory_space<hbm>> -> memref<8x8x128xf32, #tpu.memory_space<hbm>>
    %dma_start3A_427 = arith.constant 0 : i32
    %dma_start3A_428 = arith.constant 0 : i32
    %dma_start3A_429 = arith.constant 0 : i32
    %dma_start3A_430 = tpu.memref_slice %arg7[%dma_start3A_407, %dma_start3A_427, %dma_start3A_428, %dma_start3A_429] : memref<2x8x8x129xf32, #tpu.memory_space<vmem>> -> memref<1x8x8x128xf32, #tpu.memory_space<vmem>>
    %dma_start3A_431 = tpu.memref_squeeze %dma_start3A_430 : memref<1x8x8x128xf32, #tpu.memory_space<vmem>> -> memref<8x8x128xf32, #tpu.memory_space<vmem>>
    tpu.enqueue_dma source(%dma_start3A_431 : memref<8x8x128xf32, #tpu.memory_space<vmem>>) target(%dma_start3A_426 : memref<8x8x128xf32, #tpu.memory_space<hbm>>) target_semaphore(%dma_start3A_421 : memref<!tpu.dma_semaphore, #tpu.memory_space<semaphore_mem>>)
    %dma_wait3A_432 = arith.constant 0 : i32
    %dma_wait3A_433 = arith.constant 1 : i32
    %dma_wait3A_434 = arith.constant 1 : i32
    %dma_wait3A_435 = arith.constant 0 : i32
    %dma_wait3A_436 = arith.constant 0 : i32
    %dma_wait3A_437 = tpu.memref_slice %arg6[%dma_wait3A_433, %dma_wait3A_435, %dma_wait3A_436] : memref<3x128x64xf32, #tpu.memory_space<vmem>> -> memref<1x128x64xf32, #tpu.memory_space<vmem>>
    %dma_wait3A_438 = tpu.memref_squeeze %dma_wait3A_437 : memref<1x128x64xf32, #tpu.memory_space<vmem>> -> memref<128x64xf32, #tpu.memory_space<vmem>>
    %dma_wait3A_439 = arith.constant 0 : i32
    %dma_wait3A_440 = tpu.memref_slice %arg5[%dma_wait3A_432, %dma_wait3A_439] : memref<200x128xi32, #tpu.memory_space<vmem>> -> memref<1x128xi32, #tpu.memory_space<vmem>>
    %dma_wait3A_441 = tpu.memref_squeeze %dma_wait3A_440 : memref<1x128xi32, #tpu.memory_space<vmem>> -> memref<128xi32, #tpu.memory_space<vmem>>
    %dma_wait3A_442 = arith.constant 0 : i32
    %dma_wait3A_443 = arith.constant 0 : i32
    %dma_wait3A_444 = tpu.memref_slice %arg3[%dma_wait3A_442, %dma_wait3A_443] : memref<1015808x64xf32, #tpu.memory_space<hbm>> -> memref<1015808x64xf32, #tpu.memory_space<hbm>>
    %dma_wait3A_445 = tpu.memref_slice %arg8[%dma_wait3A_434] : memref<3x!tpu.dma_semaphore, #tpu.memory_space<semaphore_mem>> -> memref<1x!tpu.dma_semaphore, #tpu.memory_space<semaphore_mem>>
    %dma_wait3A_446 = tpu.memref_squeeze %dma_wait3A_445 : memref<1x!tpu.dma_semaphore, #tpu.memory_space<semaphore_mem>> -> memref<!tpu.dma_semaphore, #tpu.memory_space<semaphore_mem>>
    tpu.wait_indirect_dma semaphore(%dma_wait3A_446 : memref<!tpu.dma_semaphore, #tpu.memory_space<semaphore_mem>>) src(%dma_wait3A_444 : memref<1015808x64xf32, #tpu.memory_space<hbm>>) dst(%dma_wait3A_438 : memref<128x64xf32, #tpu.memory_space<vmem>>)
    %dma_wait3A_447 = arith.constant 1 : i32
    %dma_wait3A_448 = arith.constant 0 : i32
    %dma_wait3A_449 = arith.constant 0 : i32
    %dma_wait3A_450 = arith.constant 1 : i32
    %dma_wait3A_451 = arith.constant 0 : i32
    %dma_wait3A_452 = arith.constant 0 : i32
    %dma_wait3A_453 = arith.constant 0 : i32
    %dma_wait3A_454 = tpu.memref_slice %arg7[%dma_wait3A_447, %dma_wait3A_451, %dma_wait3A_452, %dma_wait3A_453] : memref<2x8x8x129xf32, #tpu.memory_space<vmem>> -> memref<1x8x8x128xf32, #tpu.memory_space<vmem>>
    %dma_wait3A_455 = tpu.memref_squeeze %dma_wait3A_454 : memref<1x8x8x128xf32, #tpu.memory_space<vmem>> -> memref<8x8x128xf32, #tpu.memory_space<vmem>>
    %dma_wait3A_456 = arith.constant 0 : i32
    %dma_wait3A_457 = arith.constant 0 : i32
    %dma_wait3A_458 = arith.constant 0 : i32
    %dma_wait3A_459 = tpu.memref_slice %arg4[%dma_wait3A_448, %dma_wait3A_456, %dma_wait3A_449, %dma_wait3A_457, %dma_wait3A_458] : memref<200x8x32x8x128xf32, #tpu.memory_space<hbm>> -> memref<1x8x1x8x128xf32, #tpu.memory_space<hbm>>
    %dma_wait3A_460 = tpu.memref_squeeze %dma_wait3A_459 : memref<1x8x1x8x128xf32, #tpu.memory_space<hbm>> -> memref<8x8x128xf32, #tpu.memory_space<hbm>>
    %dma_wait3A_461 = tpu.memref_slice %arg9[%dma_wait3A_450] : memref<2x!tpu.dma_semaphore, #tpu.memory_space<semaphore_mem>> -> memref<1x!tpu.dma_semaphore, #tpu.memory_space<semaphore_mem>>
    %dma_wait3A_462 = tpu.memref_squeeze %dma_wait3A_461 : memref<1x!tpu.dma_semaphore, #tpu.memory_space<semaphore_mem>> -> memref<!tpu.dma_semaphore, #tpu.memory_space<semaphore_mem>>
    %dma_wait3A_463 = arith.constant 0 : i32
    %dma_wait3A_464 = arith.constant 0 : i32
    %dma_wait3A_465 = arith.constant 0 : i32
    %dma_wait3A_466 = tpu.memref_slice %arg4[%dma_wait3A_448, %dma_wait3A_463, %dma_wait3A_449, %dma_wait3A_464, %dma_wait3A_465] : memref<200x8x32x8x128xf32, #tpu.memory_space<hbm>> -> memref<1x8x1x8x128xf32, #tpu.memory_space<hbm>>
    %dma_wait3A_467 = tpu.memref_squeeze %dma_wait3A_466 : memref<1x8x1x8x128xf32, #tpu.memory_space<hbm>> -> memref<8x8x128xf32, #tpu.memory_space<hbm>>
    %dma_wait3A_468 = arith.constant 0 : i32
    %dma_wait3A_469 = arith.constant 0 : i32
    %dma_wait3A_470 = arith.constant 0 : i32
    %dma_wait3A_471 = tpu.memref_slice %arg7[%dma_wait3A_447, %dma_wait3A_468, %dma_wait3A_469, %dma_wait3A_470] : memref<2x8x8x129xf32, #tpu.memory_space<vmem>> -> memref<1x8x8x128xf32, #tpu.memory_space<vmem>>
    %dma_wait3A_472 = tpu.memref_squeeze %dma_wait3A_471 : memref<1x8x8x128xf32, #tpu.memory_space<vmem>> -> memref<8x8x128xf32, #tpu.memory_space<vmem>>
    tpu.wait_dma2 semaphore(%dma_wait3A_462 : memref<!tpu.dma_semaphore, #tpu.memory_space<semaphore_mem>>) src(%dma_wait3A_472 : memref<8x8x128xf32, #tpu.memory_space<vmem>>) dst(%dma_wait3A_467 : memref<8x8x128xf32, #tpu.memory_space<hbm>>)
    %parallel_loop3A_473 = arith.constant 0 : i32
    %parallel_loop3A_474 = arith.constant 128 : i32
    %parallel_loop3A_475 = arith.constant 1 : i32
    scf.for %parallel_loop3A_553 = %parallel_loop3A_473 to %parallel_loop3A_474 step %parallel_loop3A_475  : i32 {
      %parallel_loop3A_554 = arith.constant 0 : i32
      %parallel_loop3A_555 = vector.broadcast %parallel_loop3A_554 : i32 to vector<16xi32>
      %parallel_loop3A_556 = vector.broadcast %parallel_loop3A_553 : i32 to vector<16xi32>
      %parallel_loop3A_557 = arith.addi %parallel_loop3A_555, %parallel_loop3A_556 : vector<16xi32>
      %parallel_loop3A_558 = arith.constant 1 : i32
      %parallel_loop3A_559 = arith.index_cast %parallel_loop3A_558 : i32 to index
      %parallel_loop3A_560 = arith.index_cast %parallel_loop3A_553 : i32 to index
      %parallel_loop3A_561 = arith.constant 0 : index
      %parallel_loop3A_562 = tpu.vector_load %arg6[%parallel_loop3A_559, %parallel_loop3A_560, %parallel_loop3A_561] {strides = array<i32>} : memref<3x128x64xf32, #tpu.memory_space<vmem>>, vector<16xf32>,
      %parallel_loop3A_563 = arith.constant 1 : i32
      %parallel_loop3A_564 = arith.constant 0 : i32
      %parallel_loop3A_565 = arith.constant 0 : i32
      %parallel_loop3A_566 = arith.constant 0 : i32
      %parallel_loop3A_567 = tpu.memref_slice %arg7[%parallel_loop3A_563, %parallel_loop3A_564, %parallel_loop3A_565, %parallel_loop3A_566] : memref<2x8x8x129xf32, #tpu.memory_space<vmem>> -> memref<1x8x8x129xf32, #tpu.memory_space<vmem>>
      %parallel_loop3A_568 = tpu.memref_squeeze %parallel_loop3A_567 : memref<1x8x8x129xf32, #tpu.memory_space<vmem>> -> memref<8x8x129xf32, #tpu.memory_space<vmem>>
      tpu.vector_store_idx %parallel_loop3A_568[%select_n3A, %select_n3A_148, %parallel_loop3A_557], %parallel_loop3A_562 : memref<8x8x129xf32, #tpu.memory_space<vmem>>[vector<16xi32>, vector<16xi32>, vector<16xi32>], vector<16xf32>,
      %parallel_loop3A_569 = arith.constant 1 : i32
      %parallel_loop3A_570 = arith.index_cast %parallel_loop3A_569 : i32 to index
      %parallel_loop3A_571 = arith.index_cast %parallel_loop3A_553 : i32 to index
      %parallel_loop3A_572 = arith.constant 16 : index
      %parallel_loop3A_573 = tpu.vector_load %arg6[%parallel_loop3A_570, %parallel_loop3A_571, %parallel_loop3A_572] {strides = array<i32>} : memref<3x128x64xf32, #tpu.memory_space<vmem>>, vector<16xf32>,
      %parallel_loop3A_574 = arith.constant 1 : i32
      %parallel_loop3A_575 = arith.constant 0 : i32
      %parallel_loop3A_576 = arith.constant 0 : i32
      %parallel_loop3A_577 = arith.constant 0 : i32
      %parallel_loop3A_578 = tpu.memref_slice %arg7[%parallel_loop3A_574, %parallel_loop3A_575, %parallel_loop3A_576, %parallel_loop3A_577] : memref<2x8x8x129xf32, #tpu.memory_space<vmem>> -> memref<1x8x8x129xf32, #tpu.memory_space<vmem>>
      %parallel_loop3A_579 = tpu.memref_squeeze %parallel_loop3A_578 : memref<1x8x8x129xf32, #tpu.memory_space<vmem>> -> memref<8x8x129xf32, #tpu.memory_space<vmem>>
      tpu.vector_store_idx %parallel_loop3A_579[%select_n3A_66, %select_n3A_170, %parallel_loop3A_557], %parallel_loop3A_573 : memref<8x8x129xf32, #tpu.memory_space<vmem>>[vector<16xi32>, vector<16xi32>, vector<16xi32>], vector<16xf32>,
      %parallel_loop3A_580 = arith.constant 1 : i32
      %parallel_loop3A_581 = arith.index_cast %parallel_loop3A_580 : i32 to index
      %parallel_loop3A_582 = arith.index_cast %parallel_loop3A_553 : i32 to index
      %parallel_loop3A_583 = arith.constant 32 : index
      %parallel_loop3A_584 = tpu.vector_load %arg6[%parallel_loop3A_581, %parallel_loop3A_582, %parallel_loop3A_583] {strides = array<i32>} : memref<3x128x64xf32, #tpu.memory_space<vmem>>, vector<16xf32>,
      %parallel_loop3A_585 = arith.constant 1 : i32
      %parallel_loop3A_586 = arith.constant 0 : i32
      %parallel_loop3A_587 = arith.constant 0 : i32
      %parallel_loop3A_588 = arith.constant 0 : i32
      %parallel_loop3A_589 = tpu.memref_slice %arg7[%parallel_loop3A_585, %parallel_loop3A_586, %parallel_loop3A_587, %parallel_loop3A_588] : memref<2x8x8x129xf32, #tpu.memory_space<vmem>> -> memref<1x8x8x129xf32, #tpu.memory_space<vmem>>
      %parallel_loop3A_590 = tpu.memref_squeeze %parallel_loop3A_589 : memref<1x8x8x129xf32, #tpu.memory_space<vmem>> -> memref<8x8x129xf32, #tpu.memory_space<vmem>>
      tpu.vector_store_idx %parallel_loop3A_590[%select_n3A_97, %select_n3A_192, %parallel_loop3A_557], %parallel_loop3A_584 : memref<8x8x129xf32, #tpu.memory_space<vmem>>[vector<16xi32>, vector<16xi32>, vector<16xi32>], vector<16xf32>,
      %parallel_loop3A_591 = arith.constant 1 : i32
      %parallel_loop3A_592 = arith.index_cast %parallel_loop3A_591 : i32 to index
      %parallel_loop3A_593 = arith.index_cast %parallel_loop3A_553 : i32 to index
      %parallel_loop3A_594 = arith.constant 48 : index
      %parallel_loop3A_595 = tpu.vector_load %arg6[%parallel_loop3A_592, %parallel_loop3A_593, %parallel_loop3A_594] {strides = array<i32>} : memref<3x128x64xf32, #tpu.memory_space<vmem>>, vector<16xf32>,
      %parallel_loop3A_596 = arith.constant 1 : i32
      %parallel_loop3A_597 = arith.constant 0 : i32
      %parallel_loop3A_598 = arith.constant 0 : i32
      %parallel_loop3A_599 = arith.constant 0 : i32
      %parallel_loop3A_600 = tpu.memref_slice %arg7[%parallel_loop3A_596, %parallel_loop3A_597, %parallel_loop3A_598, %parallel_loop3A_599] : memref<2x8x8x129xf32, #tpu.memory_space<vmem>> -> memref<1x8x8x129xf32, #tpu.memory_space<vmem>>
      %parallel_loop3A_601 = tpu.memref_squeeze %parallel_loop3A_600 : memref<1x8x8x129xf32, #tpu.memory_space<vmem>> -> memref<8x8x129xf32, #tpu.memory_space<vmem>>
      tpu.vector_store_idx %parallel_loop3A_601[%select_n3A_128, %select_n3A_214, %parallel_loop3A_557], %parallel_loop3A_595 : memref<8x8x129xf32, #tpu.memory_space<vmem>>[vector<16xi32>, vector<16xi32>, vector<16xi32>], vector<16xf32>,
    } {sc.loop_unroll_factor = 4 : i64, sc.parallel_access}
    %dma_start3A_476 = arith.constant 1 : i32
    %dma_start3A_477 = arith.constant 199 : i32
    %dma_start3A_478 = arith.constant 1 : i32
    %dma_start3A_479 = arith.constant 0 : i32
    %dma_start3A_480 = arith.constant 0 : i32
    %dma_start3A_481 = arith.constant 0 : i32
    %dma_start3A_482 = tpu.memref_slice %arg7[%dma_start3A_476, %dma_start3A_479, %dma_start3A_480, %dma_start3A_481] : memref<2x8x8x129xf32, #tpu.memory_space<vmem>> -> memref<1x8x8x128xf32, #tpu.memory_space<vmem>>
    %dma_start3A_483 = tpu.memref_squeeze %dma_start3A_482 : memref<1x8x8x128xf32, #tpu.memory_space<vmem>> -> memref<8x8x128xf32, #tpu.memory_space<vmem>>
    %dma_start3A_484 = arith.constant 0 : i32
    %dma_start3A_485 = arith.constant 0 : i32
    %dma_start3A_486 = arith.constant 0 : i32
    %dma_start3A_487 = tpu.memref_slice %arg4[%dma_start3A_477, %dma_start3A_484, %add3A, %dma_start3A_485, %dma_start3A_486] : memref<200x8x32x8x128xf32, #tpu.memory_space<hbm>> -> memref<1x8x1x8x128xf32, #tpu.memory_space<hbm>>
    %dma_start3A_488 = tpu.memref_squeeze %dma_start3A_487 : memref<1x8x1x8x128xf32, #tpu.memory_space<hbm>> -> memref<8x8x128xf32, #tpu.memory_space<hbm>>
    %dma_start3A_489 = tpu.memref_slice %arg9[%dma_start3A_478] : memref<2x!tpu.dma_semaphore, #tpu.memory_space<semaphore_mem>> -> memref<1x!tpu.dma_semaphore, #tpu.memory_space<semaphore_mem>>
    %dma_start3A_490 = tpu.memref_squeeze %dma_start3A_489 : memref<1x!tpu.dma_semaphore, #tpu.memory_space<semaphore_mem>> -> memref<!tpu.dma_semaphore, #tpu.memory_space<semaphore_mem>>
    %dma_start3A_491 = arith.constant 0 : i32
    %dma_start3A_492 = arith.constant 0 : i32
    %dma_start3A_493 = arith.constant 0 : i32
    %dma_start3A_494 = tpu.memref_slice %arg4[%dma_start3A_477, %dma_start3A_491, %add3A, %dma_start3A_492, %dma_start3A_493] : memref<200x8x32x8x128xf32, #tpu.memory_space<hbm>> -> memref<1x8x1x8x128xf32, #tpu.memory_space<hbm>>
    %dma_start3A_495 = tpu.memref_squeeze %dma_start3A_494 : memref<1x8x1x8x128xf32, #tpu.memory_space<hbm>> -> memref<8x8x128xf32, #tpu.memory_space<hbm>>
    %dma_start3A_496 = arith.constant 0 : i32
    %dma_start3A_497 = arith.constant 0 : i32
    %dma_start3A_498 = arith.constant 0 : i32
    %dma_start3A_499 = tpu.memref_slice %arg7[%dma_start3A_476, %dma_start3A_496, %dma_start3A_497, %dma_start3A_498] : memref<2x8x8x129xf32, #tpu.memory_space<vmem>> -> memref<1x8x8x128xf32, #tpu.memory_space<vmem>>
    %dma_start3A_500 = tpu.memref_squeeze %dma_start3A_499 : memref<1x8x8x128xf32, #tpu.memory_space<vmem>> -> memref<8x8x128xf32, #tpu.memory_space<vmem>>
    tpu.enqueue_dma source(%dma_start3A_500 : memref<8x8x128xf32, #tpu.memory_space<vmem>>) target(%dma_start3A_495 : memref<8x8x128xf32, #tpu.memory_space<hbm>>) target_semaphore(%dma_start3A_490 : memref<!tpu.dma_semaphore, #tpu.memory_space<semaphore_mem>>)
    %dma_wait3A_501 = arith.constant 0 : i32
    %dma_wait3A_502 = arith.constant 0 : i32
    %dma_wait3A_503 = arith.constant 0 : i32
    %dma_wait3A_504 = arith.constant 0 : i32
    %dma_wait3A_505 = arith.constant 0 : i32
    %dma_wait3A_506 = arith.constant 0 : i32
    %dma_wait3A_507 = arith.constant 0 : i32
    %dma_wait3A_508 = tpu.memref_slice %arg7[%dma_wait3A_501, %dma_wait3A_505, %dma_wait3A_506, %dma_wait3A_507] : memref<2x8x8x129xf32, #tpu.memory_space<vmem>> -> memref<1x8x8x128xf32, #tpu.memory_space<vmem>>
    %dma_wait3A_509 = tpu.memref_squeeze %dma_wait3A_508 : memref<1x8x8x128xf32, #tpu.memory_space<vmem>> -> memref<8x8x128xf32, #tpu.memory_space<vmem>>
    %dma_wait3A_510 = arith.constant 0 : i32
    %dma_wait3A_511 = arith.constant 0 : i32
    %dma_wait3A_512 = arith.constant 0 : i32
    %dma_wait3A_513 = tpu.memref_slice %arg4[%dma_wait3A_502, %dma_wait3A_510, %dma_wait3A_503, %dma_wait3A_511, %dma_wait3A_512] : memref<200x8x32x8x128xf32, #tpu.memory_space<hbm>> -> memref<1x8x1x8x128xf32, #tpu.memory_space<hbm>>
    %dma_wait3A_514 = tpu.memref_squeeze %dma_wait3A_513 : memref<1x8x1x8x128xf32, #tpu.memory_space<hbm>> -> memref<8x8x128xf32, #tpu.memory_space<hbm>>
    %dma_wait3A_515 = tpu.memref_slice %arg9[%dma_wait3A_504] : memref<2x!tpu.dma_semaphore, #tpu.memory_space<semaphore_mem>> -> memref<1x!tpu.dma_semaphore, #tpu.memory_space<semaphore_mem>>
    %dma_wait3A_516 = tpu.memref_squeeze %dma_wait3A_515 : memref<1x!tpu.dma_semaphore, #tpu.memory_space<semaphore_mem>> -> memref<!tpu.dma_semaphore, #tpu.memory_space<semaphore_mem>>
    %dma_wait3A_517 = arith.constant 0 : i32
    %dma_wait3A_518 = arith.constant 0 : i32
    %dma_wait3A_519 = arith.constant 0 : i32
    %dma_wait3A_520 = tpu.memref_slice %arg4[%dma_wait3A_502, %dma_wait3A_517, %dma_wait3A_503, %dma_wait3A_518, %dma_wait3A_519] : memref<200x8x32x8x128xf32, #tpu.memory_space<hbm>> -> memref<1x8x1x8x128xf32, #tpu.memory_space<hbm>>
    %dma_wait3A_521 = tpu.memref_squeeze %dma_wait3A_520 : memref<1x8x1x8x128xf32, #tpu.memory_space<hbm>> -> memref<8x8x128xf32, #tpu.memory_space<hbm>>
    %dma_wait3A_522 = arith.constant 0 : i32
    %dma_wait3A_523 = arith.constant 0 : i32
    %dma_wait3A_524 = arith.constant 0 : i32
    %dma_wait3A_525 = tpu.memref_slice %arg7[%dma_wait3A_501, %dma_wait3A_522, %dma_wait3A_523, %dma_wait3A_524] : memref<2x8x8x129xf32, #tpu.memory_space<vmem>> -> memref<1x8x8x128xf32, #tpu.memory_space<vmem>>
    %dma_wait3A_526 = tpu.memref_squeeze %dma_wait3A_525 : memref<1x8x8x128xf32, #tpu.memory_space<vmem>> -> memref<8x8x128xf32, #tpu.memory_space<vmem>>
    tpu.wait_dma2 semaphore(%dma_wait3A_516 : memref<!tpu.dma_semaphore, #tpu.memory_space<semaphore_mem>>) src(%dma_wait3A_526 : memref<8x8x128xf32, #tpu.memory_space<vmem>>) dst(%dma_wait3A_521 : memref<8x8x128xf32, #tpu.memory_space<hbm>>)
    %dma_wait3A_527 = arith.constant 1 : i32
    %dma_wait3A_528 = arith.constant 0 : i32
    %dma_wait3A_529 = arith.constant 0 : i32
    %dma_wait3A_530 = arith.constant 1 : i32
    %dma_wait3A_531 = arith.constant 0 : i32
    %dma_wait3A_532 = arith.constant 0 : i32
    %dma_wait3A_533 = arith.constant 0 : i32
    %dma_wait3A_534 = tpu.memref_slice %arg7[%dma_wait3A_527, %dma_wait3A_531, %dma_wait3A_532, %dma_wait3A_533] : memref<2x8x8x129xf32, #tpu.memory_space<vmem>> -> memref<1x8x8x128xf32, #tpu.memory_space<vmem>>
    %dma_wait3A_535 = tpu.memref_squeeze %dma_wait3A_534 : memref<1x8x8x128xf32, #tpu.memory_space<vmem>> -> memref<8x8x128xf32, #tpu.memory_space<vmem>>
    %dma_wait3A_536 = arith.constant 0 : i32
    %dma_wait3A_537 = arith.constant 0 : i32
    %dma_wait3A_538 = arith.constant 0 : i32
    %dma_wait3A_539 = tpu.memref_slice %arg4[%dma_wait3A_528, %dma_wait3A_536, %dma_wait3A_529, %dma_wait3A_537, %dma_wait3A_538] : memref<200x8x32x8x128xf32, #tpu.memory_space<hbm>> -> memref<1x8x1x8x128xf32, #tpu.memory_space<hbm>>
    %dma_wait3A_540 = tpu.memref_squeeze %dma_wait3A_539 : memref<1x8x1x8x128xf32, #tpu.memory_space<hbm>> -> memref<8x8x128xf32, #tpu.memory_space<hbm>>
    %dma_wait3A_541 = tpu.memref_slice %arg9[%dma_wait3A_530] : memref<2x!tpu.dma_semaphore, #tpu.memory_space<semaphore_mem>> -> memref<1x!tpu.dma_semaphore, #tpu.memory_space<semaphore_mem>>
    %dma_wait3A_542 = tpu.memref_squeeze %dma_wait3A_541 : memref<1x!tpu.dma_semaphore, #tpu.memory_space<semaphore_mem>> -> memref<!tpu.dma_semaphore, #tpu.memory_space<semaphore_mem>>
    %dma_wait3A_543 = arith.constant 0 : i32
    %dma_wait3A_544 = arith.constant 0 : i32
    %dma_wait3A_545 = arith.constant 0 : i32
    %dma_wait3A_546 = tpu.memref_slice %arg4[%dma_wait3A_528, %dma_wait3A_543, %dma_wait3A_529, %dma_wait3A_544, %dma_wait3A_545] : memref<200x8x32x8x128xf32, #tpu.memory_space<hbm>> -> memref<1x8x1x8x128xf32, #tpu.memory_space<hbm>>
    %dma_wait3A_547 = tpu.memref_squeeze %dma_wait3A_546 : memref<1x8x1x8x128xf32, #tpu.memory_space<hbm>> -> memref<8x8x128xf32, #tpu.memory_space<hbm>>
    %dma_wait3A_548 = arith.constant 0 : i32
    %dma_wait3A_549 = arith.constant 0 : i32
    %dma_wait3A_550 = arith.constant 0 : i32
    %dma_wait3A_551 = tpu.memref_slice %arg7[%dma_wait3A_527, %dma_wait3A_548, %dma_wait3A_549, %dma_wait3A_550] : memref<2x8x8x129xf32, #tpu.memory_space<vmem>> -> memref<1x8x8x128xf32, #tpu.memory_space<vmem>>
    %dma_wait3A_552 = tpu.memref_squeeze %dma_wait3A_551 : memref<1x8x8x128xf32, #tpu.memory_space<vmem>> -> memref<8x8x128xf32, #tpu.memory_space<vmem>>
    tpu.wait_dma2 semaphore(%dma_wait3A_542 : memref<!tpu.dma_semaphore, #tpu.memory_space<semaphore_mem>>) src(%dma_wait3A_552 : memref<8x8x128xf32, #tpu.memory_space<vmem>>) dst(%dma_wait3A_547 : memref<8x8x128xf32, #tpu.memory_space<hbm>>)
    return
  }
}

</mosaic_0001>

<sc_bundles>
// kernel: _sc_gather.3.cloned.1.call-start
scs
__scs_entry_jumppad:
0x0: {  	(pc) =	sbr.rel $0x88, $3  }
0x1: {  	(tag) =	ssettag $0x0;
	lr =	simm.s32 $0x1  }
0x2: {  	[smem:$0x3F9F] =	sst lr;
	_ =	strace $0xD0000000  }
0x3: {  	_ = 	snop  }
0x4: {  	_ = 	snop  }
0x5: {  	_ = 	snop  }
0x6: {  	_ = 	snop  }
0x7: {  	_ = 	snop  }
__scs_overlays_trampoline_lowered:
0x8: {  	[smem:$0x3FAE] =	sst s0  }
0x9: {  	[smem:$0x3FAF] =	sst s1  }
0xa: {  	[smem:$0x3FB0] =	sst s2  }
0xb: {  	[smem:$0x3FB1] =	sst s3  }
0xc: {  	[smem:$0x3FB2] =	sst s4  }
0xd: {  	[smem:$0x3FB3] =	sst s5  }
0xe: {  	[smem:$0x3FB4] =	sst s6  }
0xf: {  	[smem:$0x3FB5] =	sst s7  }
0x10: {  	[smem:$0x3FB6] =	sst s8  }
0x11: {  	[smem:$0x3FB7] =	sst s9;
	s0 =	simm.s32 @!p0 $0x0  }
0x12: {  	s1 =	sld [smem:$0x3F9D];
	s0 =	simm.s32 @p0 $0x1  }
0x13: {  	[smem:$0x3FB8] =	sst s0;
	s0 =	simm.s32 @!p1 $0x0  }
0x14: {  	s2 =	sld [smem:$0x3F9C];
	s0 =	simm.s32 @p1 $0x1  }
0x15: {  	[smem:$0x3FB9] =	sst s0;
	s0 =	simm.s32 @!p2 $0x0  }
0x16: {  	s3 =	sld [smem:$0x3FDB];
	s0 =	simm.s32 @p2 $0x1  }
0x17: {  	s4 =	simm.s32 $0x1BF5;
	[smem:$0x3FBB] =	sst s0  }
0x18: {  	s0 =	sld [smem:$0x3F9E];
	_ =	swait.ge [sflag:s4], $0x0  }
0x19: {  	s7 =	sld [smem:$0x3F9F]  }
0x1a: {  	s8 =	sadd.s32 $0xFFFFE003, lr  }
0x1b: {  	s9 =	sadd.s32 $0xFFFFFEF7, lr;
	s5 =	simm.s32 $0xFFFFFFFF;
	p2 =	slt.u32 s8, $0xFFFFF086  }
0x1c: {  	p1 =	slt.u32 s9, $0xF7A;
	s5 =	simm.s32 @!p2 $0x0  }
0x1d: {  	s5 =	simm.s32 @p1 $0x1;
	p0 =	seq.s32 s7, s2  }
0x1e: {  	s7 =	smul.u32 @!p0 $0xF7A, s2;
	p2 =	seq.s32 @!p0 s5, $0x0  }
0x1f: {  	s9 =	smul.u32 $0xF7A, s1;
	s8 =	simm.s32 @!p0 $0x1BF5;
	p2 =	por !p2, p0  }
0x20: {  	[sflag:s8] =	ssyncset.s32 @!p0 $0xFFFFF086;
	s6 =	sadd.s32 @!p0 s3, s7;
	s7 =	simm.s32 @!p0 $0x108  }
0x21: {  	s3 =	sadd.s32 s3, s9;
	s6 =	sadd.s32 @!p0 $0x88, s6;
	s7 =	simm.s32 @p2 $0x1082  }
0x22: {  	[simem:s7], [sflag:s8] =	dma.local @!p0 [hbm:s6], $0xF7A  }
0x23: {  	s9 =	sor.u32 $0xD0000000, s2;
	s6 =	simm.s32 $0x108;
	_ =	swait.ge @!p0 [sflag:s8], $0x0  }
0x24: {  	s3 =	sadd.s32 $0x88, s3;
	s6 =	simm.s32 @!p1 $0x1082;
	[sflag:s4] =	ssyncset.s32 $0xFFFFF086  }
0x25: {  	[simem:s6], [sflag:s4] =	dma.local [hbm:s3], $0xF7A  }
0x26: {  	[smem:$0x3F9F] =	sst s1;
	(tag) =	ssettag s2;
	_ =	strace s9  }
0x27: {  	s1 =	sld [smem:$0x3FAF]  }
0x28: {  	s2 =	sld [smem:$0x3FB0]  }
0x29: {  	s4 =	sld [smem:$0x3FB2]  }
0x2a: {  	p0 =	seq.s32 s5, $0x0;
	s5 =	sld [smem:$0x3FB3]  }
0x2b: {  	s6 =	sld [smem:$0x3FB4]  }
0x2c: {  	s7 =	sld [smem:$0x3FB5]  }
0x2d: {  	s3 =	simm.s32 $0x108;
	s8 =	sld [smem:$0x3FB6]  }
0x2e: {  	s3 =	simm.s32 @!p0 $0x1082;
	s9 =	sld [smem:$0x3FB7]  }
0x2f: {  	lr =	sadd.s32 s0, s3;
	s0 =	sld [smem:$0x3FAE]  }
0x30: {  	s3 =	sld [smem:$0x3FB1]  }
0x31: {  	[smem:$0x3FBA] =	sst s10  }
0x32: {  	s10 =	sld [smem:$0x3FB8];
	_ =	sdelay $0x3  }
0x33: {  	p0 =	seq.s32 s10, $0x1;
	s10 =	sld [smem:$0x3FBA];
	_ =	sdelay $0x3  }
0x34: {  	[smem:$0x3FBA] =	sst s10  }
0x35: {  	s10 =	sld [smem:$0x3FB9];
	_ =	sdelay $0x3  }
0x36: {  	p1 =	seq.s32 s10, $0x1;
	s10 =	sld [smem:$0x3FBA];
	_ =	sdelay $0x3  }
0x37: {  	[smem:$0x3FBA] =	sst s10  }
0x38: {  	s10 =	sld [smem:$0x3FBB]  }
0x39: {  	_ = 	snop;
	(pc) =	sbr.ind lr, $3  }
0x3a: {  	_ = 	snop  }
0x3b: {  	_ = 	snop  }
0x3c: {  	p2 =	seq.s32 s10, $0x1;
	s10 =	sld [smem:$0x3FBA]  }
0x3d: {  	_ =	shalt  }
0x3e: {  	_ =	shalt  }
0x3f: {  	_ =	shalt  }
0x40: {  	_ =	shalt  }
0x41: {  	_ =	shalt  }
0x42: {  	_ =	shalt  }
0x43: {  	_ =	shalt  }
0x44: {  	_ =	shalt  }
0x45: {  	_ =	shalt  }
0x46: {  	_ =	shalt  }
0x47: {  	_ =	shalt  }
0x48: {  	_ =	shalt  }
0x49: {  	_ =	shalt  }
0x4a: {  	_ =	shalt  }
0x4b: {  	_ =	shalt  }
0x4c: {  	_ =	shalt  }
0x4d: {  	_ =	shalt  }
0x4e: {  	_ =	shalt  }
0x4f: {  	_ =	shalt  }
0x50: {  	_ =	shalt  }
0x51: {  	_ =	shalt  }
0x52: {  	_ =	shalt  }
0x53: {  	_ =	shalt  }
0x54: {  	_ =	shalt  }
0x55: {  	_ =	shalt  }
0x56: {  	_ =	shalt  }
0x57: {  	_ =	shalt  }
0x58: {  	_ =	shalt  }
0x59: {  	_ =	shalt  }
0x5a: {  	_ =	shalt  }
0x5b: {  	_ =	shalt  }
0x5c: {  	_ =	shalt  }
0x5d: {  	_ =	shalt  }
0x5e: {  	_ =	shalt  }
0x5f: {  	_ =	shalt  }
0x60: {  	_ =	shalt  }
0x61: {  	_ =	shalt  }
0x62: {  	_ =	shalt  }
0x63: {  	_ =	shalt  }
0x64: {  	_ =	shalt  }
0x65: {  	_ =	shalt  }
0x66: {  	_ =	shalt  }
0x67: {  	_ =	shalt  }
0x68: {  	_ =	shalt  }
0x69: {  	_ =	shalt  }
0x6a: {  	_ =	shalt  }
0x6b: {  	_ =	shalt  }
0x6c: {  	_ =	shalt  }
0x6d: {  	_ =	shalt  }
0x6e: {  	_ =	shalt  }
0x6f: {  	_ =	shalt  }
0x70: {  	_ =	shalt  }
0x71: {  	_ =	shalt  }
0x72: {  	_ =	shalt  }
0x73: {  	_ =	shalt  }
0x74: {  	_ =	shalt  }
0x75: {  	_ =	shalt  }
0x76: {  	_ =	shalt  }
0x77: {  	_ =	shalt  }
0x78: {  	_ =	shalt  }
0x79: {  	_ =	shalt  }
0x7a: {  	_ =	shalt  }
0x7b: {  	_ =	shalt  }
0x7c: {  	_ =	shalt  }
0x7d: {  	_ =	shalt  }
0x7e: {  	_ =	shalt  }
0x7f: {  	_ =	shalt  }
0x80: {  	_ =	shalt  }
0x81: {  	_ =	shalt  }
0x82: {  	_ =	shalt  }
0x83: {  	_ =	shalt  }
0x84: {  	_ =	shalt  }
0x85: {  	_ =	shalt  }
0x86: {  	_ =	shalt  }
0x87: {  	_ =	shalt  }
.Lfunc_end0:
.L_simem_size_0:
called_computation_lowered:
.L_overlay_start_0:
0x88: {  	s2 =	sld [smem:$0x3FD9]  }
0x89: {  	s3 =	sld [smem:$0x3FFE];
	_ =	sdelay $0x1  }
0x8a: {  	s1 =	srdreg.scid  }
0x8b: {  	s0 =	sand.u32 $0x1, s1  }
0x8c: {  	s17 =	sshll.u32 s0, $0xA;
	s2 =	sadd.s32 s3, s2  }
0x8d: {  	s2 =	sadd.s32 s2, s17  }
0x8e: {  	[smem:$0x3FC6] =	sst s2  }
0x8f: {  	_ = 	snop  }
0x90: {  	s2 =	sld [smem:$0x3FC9]  }
0x91: {  	s18 =	sld [smem:$0x3FD0];
	(tm) =	ssettm $0x1  }
0x92: {  	s4 =	sld [smem:$0x3FFB];
	_ =	sdelay $0x3  }
0x93: {  	_ =	strace s4  }
0x94: {  	s4 =	sld [smem:$0x3FFC];
	_ =	sdelay $0x3  }
0x95: {  	_ =	strace s4  }
0x96: {  	s4 =	sld [smem:$0x3FFD];
	_ =	sdelay $0x3  }
0x97: {  	_ =	strace s4  }
0x98: {  	_ =	strace $0x8FFFFFFF  }
0x99: {  	s19 =	sld [smem:$0x3FDB];
	_ =	sdelay $0x1  }
0x9a: {  	s5 =	simm.s32 $_scs_section_size  }
0x9b: {  	s6 =	simm.s32 $_size__tile_overlayer_lowered;
	s7 =	simm.s32 $_tile_overlayer_lowered  }
0x9c: {  	s22 =	simm.s32 $0x1BFF;
	s21 =	sshll.u32 s7, $0x1;
	s4 =	sadd.s32 s5, s19  }
0x9d: {  	s8 =	simm.s32 $0x0;
	s20 =	sshll.u32 s6, $0x1;
	s6 =	sadd.s32 s21, s4  }
0x9e: {  	[timem:s8], [sflag:s22] =	dma.local [hbm:s6], s20  }
0x9f: {  	_ =	swait.ge [sflag:s22], s20  }
0xa0: {  	s5 =	ssub.s32 $0x0, s20;
	[sflag:s22] =	ssyncset.done $0x0  }
0xa1: {  	[sflag:s22] =	ssyncadd.s32 s5;
	_ =	sdelay $0x1  }
0xa2: {  	s23 =	simm.s32 $0x1B8B  }
0xa3: {  	_ =	swait.ge [sflag:s23], $0x1  }
0xa4: {  	[sflag:s23] =	ssyncset.done $0x0  }
0xa5: {  	s25 =	simm.s32 $0x1B8E;
	s24 =	sld [smem:$0x3FFE];
	[sflag:s23] =	ssyncadd.s32 $0xFFFFFFFF  }
0xa6: {  	s26 =	simm.s32 $execute0_lowered;
	[smem:$0x3FD2] =	sst s25  }
0xa7: {  	s6 =	sshll.u32 s26, $0x1;
	_ =	strace $0x80000046;
	[dreg:$0x1] =	wrdreg $0xFFFFFFFF  }
0xa8: {  	s28 =	simm.s32 $_size_execute0_lowered;
	s4 =	sadd.s32 s4, s6;
	[dreg:$0x0] =	wrdreg $0x0  }
0xa9: {  	s6 =	sshll.u32 s28, $0x1;
	[dreg:$0x2] =	wrdreg s4  }
0xaa: {  	[dreg:$0x3] =	wrdreg s6  }
0xab: {  	[dreg:$0x4] =	wrdreg $0xC0  }
0xac: {  	_ =	task [dreg:s8], $0x5FFFF  }
0xad: {  	[dreg:$0x1] =	wrdreg $0xFFFFFFFF  }
0xae: {  	[dreg:$0x0] =	wrdreg $0x60  }
0xaf: {  	[dreg:$0x2] =	wrdreg s2  }
0xb0: {  	[dreg:$0x3] =	wrdreg s24  }
0xb1: {  	[dreg:$0x4] =	wrdreg s18  }
0xb2: {  	[dreg:$0x5] =	wrdreg $0x9  }
0xb3: {  	_ =	task.clear_ibuf [dreg:s8], $0x6FFFF;
	_ =	strace $0x90000046  }
0xb4: {  	s29 =	simm.s32 $0x9;
	_ =	strace $0x80000048  }
0xb5: {  	_ =	swait.ge [sflag:s29], $0x1  }
0xb6: {  	[sflag:s29] =	ssyncadd.s32 $0xFFFFFFFF  }
0xb7: {  	_ =	strace $0x90000048  }
0xb8: {  	_ =	sfence  }
0xb9: {  	s30 =	sld [smem:$0x0];
	_ =	sdelay $0x2  }
0xba: {  	s31 =	sshll.u32 s1, $0xD;
	s1 =	sshrl.u32 s1, $0x2  }
0xbb: {  	s3 =	sand.u32 $0x4000, s31;
	s1 =	sadd.s32 s1, s30  }
0xbc: {  	s0 =	sor.u32 s3, s0;
	s1 =	sshll.u32 s1, $0x11  }
0xbd: {  	s0 =	sor.u32 s1, s0  }
0xbe: {  	s0 =	sadd.s32 $0x8F2B, s0  }
0xbf: {  	[sflag:s0] =	ssyncadd.remote.s32 $0x1  }
0xc0: {  	_ =	sfence.sel $0xFFFF  }
0xc1: {  	[dreg:$0x0] =	wrdreg $0xFFFFFFFF;
	(pc) =	sbr.abs _section_cstart, $3  }
0xc2: {  	[dreg:$0x1] =	wrdreg $0xFFFFFFFF  }
0xc3: {  	_ =	task.clear_ibuf [dreg:s8], $0x2FFFF;
	_ =	strace $0x9FFFFFFF  }
0xc4: {  	(tm) =	ssettm $0x7FFFFFFF  }
0xc5: {  	_ =	shalt  }
tec
execute0_lowered:
.L_overlay_start_1:
0x0: {  	(tag) =	ssettag $0x1  }
0x1: {  	s0 =	rddreg [dreg:$0x0]  }
0x2: {  	s1 =	rddreg [dreg:$0x1]  }
0x3: {  	s5 =	rddreg [dreg:$0x2]  }
0x4: {  	s3 =	srdreg.scid;
	s4 =	stileid.u32;
	s2 =	simm.s32 $0x0  }
0x5: {  	s10 =	simm.s32 $0x6;
	s11 =	simm.s32 $0x80;
	s12 =	simm.s32 $0x6400  }
0x6: {  	s14 =	simm.s32 $0x1;
	s15 =	simm.s32 $0x100;
	s16 =	simm.s32 $0xA400  }
0x7: {  	s17 =	simm.s32 $0xC400;
	s18 =	simm.s32 $0x2;
	s19 =	simm.s32 $0x180  }
0x8: {  	s20 =	simm.s32 $0xE600;
	s21 =	simm.s32 $0x4;
	s22 =	simm.s32 $0x5  }
0x9: {  	s3 =	sand.u32 $0x1, s3;
	s4 =	sshll.u32 s4, $0x1;
	[smem:$0x7FF] =	sst s2  }
0xa: {  	s23 =	simm.s32 $0x0;
	s4 =	sor.u32 s3, s4;
	_ =	strace $0x80000047  }
0xb: {  	v0 =	vlaneseq.u32;
	s6 =	ssub.s32 $0x2, s3;
	s7 =	smul.u32 $0xC80, s4;
	s8 =	sshll.u32 s4, $0x7  }
0xc: {  	v0 =	vmul.u32 $0x88, v0;
	s3 =	sadd.s32 $0xF80400, s1;
	s31 =	sshrl.u32 s6, $0x1;
	s5 =	sadd.s32 s5, s8  }
0xd: {  	s1 =	ssub.s32 s6, s31;
	s4 =	sadd.s32 s0, s7;
	s6 =	sadd.s32 $0x8000, s5  }
0xe: {  	v1 =	vadd.s32 $0x880, v0;
	v2 =	vadd.s32 $0x1100, v0;
	v3 =	vadd.s32 $0x1980, v0;
	s7 =	sadd.s32 $0x630000, s5;
	s8 =	sadd.s32 $0x638000, s5;
	s9 =	smax.u32 s1, $0x1  }
.LBB2_1:
0xf: {  	[tilespmem:s2], [sflag:$0x6] =	stream.linear.gather [hbm4b:s4+s2], $0x6400, $0x38;
	[tilespmem:$0x10800] =	vst v63  }
0x10: {  	_ =	swait.ge [sflag:s10], $0x6400  }
0x11: {  	[sflag:s10] =	ssyncset.done $0x0  }
0x12: {  	[sflag:s10] =	ssyncadd.s32 $0xFFFF9C00  }
0x13: {  	[tilespmem:s12], [sflag:$0x1] =	stream.indirect.gather [hbm4b:s3+s11], $0x40, s2, s11, $0xb8;
	[tilespmem:$0x10800] =	vst v63  }
0x14: {  	s0 =	simm.s32 $0x8400  }
0x15: {  	[tilespmem:s0], [sflag:$0x2] =	stream.indirect.gather [hbm4b:s3+s11], $0x40, s11, s11, $0xb8;
	[tilespmem:$0x10800] =	vst v63  }
0x16: {  	_ =	swait.ge [sflag:s14], $0x2000  }
0x17: {  	s25 =	simm.s32 $0x3;
	[sflag:s14] =	ssyncset.done $0x0  }
0x18: {  	s26 =	simm.s32 $0x1;
	v4 =	vmov s25;
	s25 =	simm.s32 $0x6480;
	[sflag:s14] =	ssyncadd.s32 $0xFFFFE000  }
0x19: {  	v5 =	vand.u32 $0x7F, v4;
	v4 =	vmov s2;
	[tilespmem:s16], [sflag:$0x3] =	stream.indirect.gather [hbm4b:s3+s11], $0x40, s15, s11, $0xb8;
	[tilespmem:$0x10800] =	vst v63  }
0x1a: {  	v8 =	vadd.s32 v0, v5;
	v6 =	vand.u32 $0x7C, v4;
	v4 =	vmov s26;
	v7 =	vld [tilespmem:s25+$0x40]  }
0x1b: {  	v10 =	vadd.s32 v0, v6;
	v11 =	vand.u32 $0x7D, v4;
	v9 =	vld [tilespmem:s25+$0xFFFFFF80]  }
0x1c: {  	s28 =	simm.s32 $0x2;
	v12 =	vadd.s32 v0, v11;
	v4 =	vld [tilespmem:s25+$0xFFFFFFC0]  }
0x1d: {  	v13 =	vmov s28  }
0x1e: {  	v13 =	vand.u32 $0x7E, v13  }
0x1f: {  	v15 =	vadd.s32 v0, v13;
	v14 =	vld [tilespmem:s25+$0x0];
	[tilespmem:v8+s17+$0x0] =	vst.idx.msk $0xffff, v7  }
0x20: {  	v8 =	vadd.s32 v1, v5;
	[tilespmem:v10+s17+$0x0] =	vst.idx.msk $0xffff, v9;
	v7 =	vld [tilespmem:s25+$0x50]  }
0x21: {  	v10 =	vadd.s32 v1, v6;
	[tilespmem:v12+s17+$0x0] =	vst.idx.msk $0xffff, v4;
	v9 =	vld [tilespmem:s25+$0xFFFFFF90]  }
0x22: {  	v12 =	vadd.s32 v1, v11;
	v4 =	vld [tilespmem:s25+$0xFFFFFFD0];
	_ =	sdelay $0x1  }
0x23: {  	[tilespmem:v15+s17+$0x0] =	vst.idx.msk $0xffff, v14  }
0x24: {  	v16 =	vadd.s32 v1, v13;
	v15 =	vld [tilespmem:s25+$0x10];
	[tilespmem:v8+s17+$0x0] =	vst.idx.msk $0xffff, v7  }
0x25: {  	s29 =	simm.s32 $0x7;
	v14 =	vadd.s32 v2, v5;
	[tilespmem:v10+s17+$0x0] =	vst.idx.msk $0xffff, v9;
	v7 =	vld [tilespmem:s25+$0x60]  }
0x26: {  	v10 =	vadd.s32 v2, v6;
	v8 =	vmov s29;
	[tilespmem:v12+s17+$0x0] =	vst.idx.msk $0xffff, v4;
	v9 =	vld [tilespmem:s25+$0xFFFFFFA0]  }
0x27: {  	s24 =	simm.s32 $0x6580;
	v17 =	vadd.s32 v2, v11;
	v8 =	vand.u32 $0x7F, v8;
	v12 =	vld [tilespmem:s25+$0xFFFFFFE0]  }
0x28: {  	s1 =	simm.s32 $0x4;
	v18 =	vld [tilespmem:s24+$0x40];
	v19 =	vadd.s32 v0, v8  }
0x29: {  	s30 =	simm.s32 $0x5;
	v4 =	vmov s1;
	[tilespmem:v16+s17+$0x0] =	vst.idx.msk $0xffff, v15  }
0x2a: {  	v22 =	vmov s30;
	v4 =	vand.u32 $0x7C, v4;
	[tilespmem:v14+s17+$0x0] =	vst.idx.msk $0xffff, v7  }
0x2b: {  	s31 =	simm.s32 $0x6;
	v20 =	vld [tilespmem:s24+$0xFFFFFF80];
	v21 =	vadd.s32 v0, v4;
	v7 =	vand.u32 $0x7D, v22;
	[tilespmem:v10+s17+$0x0] =	vst.idx.msk $0xffff, v9  }
0x2c: {  	v14 =	vmov s31;
	v9 =	vld [tilespmem:s24+$0xFFFFFFC0];
	[tilespmem:v17+s17+$0x0] =	vst.idx.msk $0xffff, v12;
	v10 =	vadd.s32 v0, v7  }
0x2d: {  	v16 =	vadd.s32 v3, v5;
	v12 =	vld [tilespmem:s25+$0x20];
	v5 =	vand.u32 $0x7E, v14;
	[tilespmem:v19+s17+$0x0] =	vst.idx.msk $0xffff, v18;
	v18 =	vadd.s32 v2, v13  }
0x2e: {  	v14 =	vld [tilespmem:s24+$0x0];
	v63 =	vadd.s32 v0, v5  }
0x2f: {  	v15 =	vld [tilespmem:s25+$0x70]  }
0x30: {  	[tilespmem:v21+s17+$0x0] =	vst.idx.msk $0xffff, v20;
	v20 =	vadd.s32 v1, v8;
	v19 =	vld [tilespmem:s24+$0x50]  }
0x31: {  	v23 =	vadd.s32 v1, v4;
	v21 =	vld [tilespmem:s24+$0xFFFFFF90];
	[tilespmem:v10+s17+$0x0] =	vst.idx.msk $0xffff, v9  }
0x32: {  	v25 =	vadd.s32 v3, v11;
	v24 =	vld [tilespmem:s25+$0xFFFFFFF0];
	[tilespmem:v18+s17+$0x0] =	vst.idx.msk $0xffff, v12  }
0x33: {  	v18 =	vadd.s32 v1, v7;
	v17 =	vld [tilespmem:s24+$0xFFFFFFD0];
	[tilespmem:v63+s17+$0x0] =	vst.idx.msk $0xffff, v14  }
0x34: {  	[tilespmem:v16+s17+$0x0] =	vst.idx.msk $0xffff, v15;
	v16 =	vadd.s32 v1, v5;
	v15 =	vld [tilespmem:s24+$0x10]  }
0x35: {  	[tilespmem:v20+s17+$0x0] =	vst.idx.msk $0xffff, v19;
	v11 =	vld [tilespmem:s25+$0x30];
	v14 =	vadd.s32 v3, v13  }
0x36: {  	v12 =	vadd.s32 v2, v8;
	[tilespmem:v23+s17+$0x0] =	vst.idx.msk $0xffff, v21;
	v9 =	vld [tilespmem:s24+$0x60]  }
0x37: {  	s26 =	simm.s32 $0x8;
	s0 =	simm.s32 $0xC;
	s1 =	simm.s32 $0xB;
	[tilespmem:v25+s17+$0x0] =	vst.idx.msk $0xffff, v24;
	v13 =	vadd.s32 v2, v4;
	v10 =	vld [tilespmem:s24+$0xFFFFFFA0]  }
.LBB2_2:
0x38: {  	p0 =	slt.u32 s0, $0x7C;
	v19 =	vmov s1;
	[tilespmem:v18+s17+$0x0] =	vst.idx.msk $0xffff, v17;
	v17 =	vld [tilespmem:s25+$0xFFFFFFB0];
	v18 =	vadd.s32 v3, v6;
	v6 =	vmov v4;
	s25 =	smov.u32 s24  }
0x39: {  	v4 =	vmov s26;
	v21 =	vadd.s32 v2, v7;
	s24 =	sadd.s32 $0x100, s24;
	v19 =	vand.u32 $0x7F, v19;
	v20 =	vld [tilespmem:s25+$0xFFFFFFE0];
	[tilespmem:v16+s17+$0x0] =	vst.idx.msk $0xffff, v15  }
0x3a: {  	s1 =	sadd.s32 $0x1, s26;
	v4 =	vand.u32 $0x7C, v4;
	v15 =	vld [tilespmem:s24+$0x40];
	v16 =	vadd.s32 v0, v19;
	[tilespmem:v14+s17+$0x0] =	vst.idx.msk $0xffff, v11  }
0x3b: {  	v22 =	vmov s1;
	s1 =	sadd.s32 $0x2, s26;
	s26 =	smov.u32 s0;
	v14 =	vadd.s32 v0, v4;
	v11 =	vld [tilespmem:s24+$0xFFFFFF80];
	[tilespmem:v12+s17+$0x0] =	vst.idx.msk $0xffff, v9  }
0x3c: {  	v9 =	vand.u32 $0x7D, v22;
	v12 =	vmov s1;
	[tilespmem:v13+s17+$0x0] =	vst.idx.msk $0xffff, v10;
	v10 =	vld [tilespmem:s25+$0x70];
	v13 =	vadd.s32 v3, v8;
	v8 =	vmovc v19  }
0x3d: {  	v22 =	vadd.s32 v0, v9;
	v12 =	vand.u32 $0x7E, v12;
	v19 =	vld [tilespmem:s24+$0xFFFFFFC0];
	[tilespmem:v18+s17+$0x0] =	vst.idx.msk $0xffff, v17  }
0x3e: {  	v24 =	vadd.s32 v0, v12;
	v23 =	vld [tilespmem:s24+$0x0];
	[tilespmem:v21+s17+$0x0] =	vst.idx.msk $0xffff, v20  }
0x3f: {  	v21 =	vadd.s32 v2, v5;
	[tilespmem:v16+s17+$0x0] =	vst.idx.msk $0xffff, v15;
	v20 =	vld [tilespmem:s25+$0x20]  }
0x40: {  	[tilespmem:v14+s17+$0x0] =	vst.idx.msk $0xffff, v11;
	v11 =	vld [tilespmem:s24+$0x50];
	v14 =	vadd.s32 v1, v8  }
0x41: {  	v26 =	vadd.s32 v1, v4;
	v25 =	vld [tilespmem:s24+$0xFFFFFF90];
	[tilespmem:v13+s17+$0x0] =	vst.idx.msk $0xffff, v10  }
0x42: {  	[tilespmem:v22+s17+$0x0] =	vst.idx.msk $0xffff, v19;
	v19 =	vld [tilespmem:s25+$0xFFFFFFF0];
	v22 =	vadd.s32 v3, v7;
	v7 =	vmov v9  }
.Ltmp0:
0x43: {  	v17 =	vld [tilespmem:s24+$0xFFFFFFD0];
	v18 =	vadd.s32 v1, v7;
	[tilespmem:v24+s17+$0x0] =	vst.idx.msk $0xffff, v23;
	(pc) =	sbr.rel @p0 .LBB2_2-.Ltmp0, $4  }
0x44: {  	v16 =	vadd.s32 v1, v12;
	v15 =	vld [tilespmem:s24+$0x10];
	[tilespmem:v21+s17+$0x0] =	vst.idx.msk $0xffff, v20  }
0x45: {  	[tilespmem:v14+s17+$0x0] =	vst.idx.msk $0xffff, v11;
	v11 =	vld [tilespmem:s25+$0x30];
	v14 =	vadd.s32 v3, v5;
	v5 =	vmov v12  }
0x46: {  	v12 =	vadd.s32 v2, v8;
	[tilespmem:v26+s17+$0x0] =	vst.idx.msk $0xffff, v25;
	v9 =	vld [tilespmem:s24+$0x60]  }
0x47: {  	s0 =	sadd.s32 $0x4, s0;
	s1 =	sadd.s32 $0x3, s26;
	v13 =	vadd.s32 v2, v4;
	v10 =	vld [tilespmem:s24+$0xFFFFFFA0];
	[tilespmem:v22+s17+$0x0] =	vst.idx.msk $0xffff, v19  }
0x48: {  	_ =	sdelay $0x2  }
0x49: {  	v19 =	vmov s1  }
0x4a: {  	s13 =	sadd.s32 $0x1, s26;
	[tilespmem:v18+s17+$0x0] =	vst.idx.msk $0xffff, v17;
	v30 =	vld [tilespmem:s25+$0xFFFFFFB0];
	v6 =	vadd.s32 v3, v6;
	s0 =	sadd.s32 $0x100, s24;
	v21 =	vmov s26;
	v31 =	vand.u32 $0x7F, v19  }
0x4b: {  	s25 =	sadd.s32 $0x2, s26;
	v32 =	vmov s13;
	[tilespmem:v16+s17+$0x0] =	vst.idx.msk $0xffff, v15;
	v33 =	vld [tilespmem:s0+$0x40];
	v21 =	vand.u32 $0x7C, v21;
	v34 =	vadd.s32 v0, v31  }
0x4c: {  	v20 =	vmov s25;
	v22 =	vld [tilespmem:s0+$0xFFFFFF80];
	v19 =	vand.u32 $0x7D, v32;
	[tilespmem:v14+s17+$0x0] =	vst.idx.msk $0xffff, v11;
	v39 =	vadd.s32 v0, v21  }
0x4d: {  	v35 =	vld [tilespmem:s0+$0xFFFFFFC0];
	v20 =	vand.u32 $0x7E, v20;
	v36 =	vadd.s32 v0, v19;
	[tilespmem:v12+s17+$0x0] =	vst.idx.msk $0xffff, v9  }
0x4e: {  	v37 =	vld [tilespmem:s0+$0x0];
	v38 =	vadd.s32 v0, v20;
	[tilespmem:v13+s17+$0x0] =	vst.idx.msk $0xffff, v10  }
0x4f: {  	v41 =	vadd.s32 v2, v7;
	v40 =	vld [tilespmem:s24+$0xFFFFFFE0];
	[tilespmem:v6+s17+$0x0] =	vst.idx.msk $0xffff, v30  }
0x50: {  	v49 =	vadd.s32 v2, v5;
	v48 =	vld [tilespmem:s24+$0x20];
	[tilespmem:v34+s17+$0x0] =	vst.idx.msk $0xffff, v33  }
0x51: {  	v43 =	vadd.s32 v1, v31;
	[tilespmem:v39+s17+$0x0] =	vst.idx.msk $0xffff, v22;
	v15 =	vld [tilespmem:s0+$0x50]  }
0x52: {  	v47 =	vadd.s32 v1, v21;
	[tilespmem:v36+s17+$0x0] =	vst.idx.msk $0xffff, v35;
	v46 =	vld [tilespmem:s0+$0xFFFFFF90]  }
0x53: {  	v44 =	vadd.s32 v1, v19;
	[tilespmem:v38+s17+$0x0] =	vst.idx.msk $0xffff, v37;
	v11 =	vld [tilespmem:s0+$0xFFFFFFD0]  }
0x54: {  	v45 =	vadd.s32 v1, v20;
	[tilespmem:v41+s17+$0x0] =	vst.idx.msk $0xffff, v40;
	v9 =	vld [tilespmem:s0+$0x10]  }
0x55: {  	v8 =	vadd.s32 v3, v8;
	v42 =	vld [tilespmem:s24+$0x70];
	[tilespmem:v49+s17+$0x0] =	vst.idx.msk $0xffff, v48  }
0x56: {  	v5 =	vadd.s32 v3, v5;
	v13 =	vld [tilespmem:s24+$0x30];
	[tilespmem:v43+s17+$0x0] =	vst.idx.msk $0xffff, v15  }
0x57: {  	v52 =	vadd.s32 v2, v31;
	[tilespmem:v47+s17+$0x0] =	vst.idx.msk $0xffff, v46;
	v15 =	vld [tilespmem:s0+$0x60]  }
0x58: {  	v57 =	vadd.s32 v2, v21;
	[tilespmem:v44+s17+$0x0] =	vst.idx.msk $0xffff, v11;
	v56 =	vld [tilespmem:s0+$0xFFFFFFA0]  }
0x59: {  	v53 =	vadd.s32 v2, v19;
	[tilespmem:v45+s17+$0x0] =	vst.idx.msk $0xffff, v9;
	v11 =	vld [tilespmem:s0+$0xFFFFFFE0]  }
0x5a: {  	v55 =	vadd.s32 v2, v20;
	[tilespmem:v8+s17+$0x0] =	vst.idx.msk $0xffff, v42;
	v54 =	vld [tilespmem:s0+$0x20]  }
0x5b: {  	v4 =	vadd.s32 v3, v4;
	v58 =	vld [tilespmem:s24+$0xFFFFFFB0];
	[tilespmem:v5+s17+$0x0] =	vst.idx.msk $0xffff, v13  }
0x5c: {  	v51 =	vadd.s32 v3, v7;
	v50 =	vld [tilespmem:s24+$0xFFFFFFF0];
	[tilespmem:v52+s17+$0x0] =	vst.idx.msk $0xffff, v15  }
0x5d: {  	v60 =	vadd.s32 v3, v31;
	[tilespmem:v57+s17+$0x0] =	vst.idx.msk $0xffff, v56;
	v59 =	vld [tilespmem:s0+$0x70]  }
0x5e: {  	v63 =	vadd.s32 v3, v21;
	[tilespmem:v53+s17+$0x0] =	vst.idx.msk $0xffff, v11;
	v5 =	vld [tilespmem:s0+$0xFFFFFFB0]  }
0x5f: {  	v61 =	vadd.s32 v3, v19;
	[tilespmem:v55+s17+$0x0] =	vst.idx.msk $0xffff, v54;
	v11 =	vld [tilespmem:s0+$0xFFFFFFF0]  }
0x60: {  	v62 =	vadd.s32 v3, v20;
	[tilespmem:v4+s17+$0x0] =	vst.idx.msk $0xffff, v58;
	v6 =	vld [tilespmem:s0+$0x30]  }
0x61: {  	[tilespmem:v51+s17+$0x0] =	vst.idx.msk $0xffff, v50  }
0x62: {  	[tilespmem:v60+s17+$0x0] =	vst.idx.msk $0xffff, v59  }
0x63: {  	[tilespmem:v63+s17+$0x0] =	vst.idx.msk $0xffff, v5  }
0x64: {  	[tilespmem:v61+s17+$0x0] =	vst.idx.msk $0xffff, v11  }
0x65: {  	s26 =	simm.s32 $0xC400;
	[tilespmem:v62+s17+$0x0] =	vst.idx.msk $0xffff, v6  }
0x66: {  	[hbm4b:s5+s2] =	stream.linear.scatter [tilespmem:s26], [sflag:$0x4], $0x80, $0x38;
	[tilespmem:$0x10800] =	vst v63  }
0x67: {  	s28 =	simm.s32 $0xC488;
	s29 =	sadd.s32 $0x10, s5  }
0x68: {  	[hbm4b:s29+s2] =	stream.linear.scatter [tilespmem:s28], [sflag:$0x4], $0x80, $0x38;
	[tilespmem:$0x10800] =	vst v63  }
0x69: {  	s30 =	simm.s32 $0xC510;
	s31 =	sadd.s32 $0x20, s5;
	s1 =	sadd.s32 $0x1000, s5  }
0x6a: {  	[hbm4b:s31+s2] =	stream.linear.scatter [tilespmem:s30], [sflag:$0x4], $0x80, $0x38;
	[tilespmem:$0x10800] =	vst v63  }
0x6b: {  	s13 =	simm.s32 $0xC598;
	s25 =	simm.s32 $0xC620;
	s24 =	sadd.s32 $0x30, s5  }
0x6c: {  	[hbm4b:s24+s2] =	stream.linear.scatter [tilespmem:s13], [sflag:$0x4], $0x80, $0x38;
	[tilespmem:$0x10800] =	vst v63  }
0x6d: {  	s0 =	simm.s32 $0x440;
	s26 =	sadd.s32 $0x40, s5;
	s28 =	simm.s32 $0xC6A8  }
0x6e: {  	[hbm4b:s26+s2] =	stream.linear.scatter [tilespmem:s25], [sflag:$0x4], $0x80, $0x38;
	[tilespmem:$0x10800] =	vst v63  }
0x6f: {  	s29 =	sadd.s32 $0x50, s5;
	s30 =	simm.s32 $0xC730;
	s31 =	sadd.s32 $0x60, s5  }
0x70: {  	[hbm4b:s29+s2] =	stream.linear.scatter [tilespmem:s28], [sflag:$0x4], $0x80, $0x38;
	[tilespmem:$0x10800] =	vst v63  }
0x71: {  	s24 =	simm.s32 $0x2200;
	s13 =	simm.s32 $0xC7B8;
	s25 =	sadd.s32 $0x70, s5  }
0x72: {  	[hbm4b:s31+s2] =	stream.linear.scatter [tilespmem:s30], [sflag:$0x4], $0x80, $0x38;
	[tilespmem:$0x10800] =	vst v63  }
.LBB2_4:
0x73: {  	[hbm4b:s25+s2] =	stream.linear.scatter [tilespmem:s13], [sflag:$0x4], $0x80, $0x38;
	[tilespmem:$0x10800] =	vst v63  }
0x74: {  	s13 =	smov.u32 s0;
	s0 =	smov.u32 s24  }
0x75: {  	s26 =	sadd.s32 $0x1100, s24;
	s0 =	sshra.s32 s0, $0x2;
	s25 =	sadd.s32 $0xC400, s13  }
0x76: {  	[hbm4b:s1+s2] =	stream.linear.scatter [tilespmem:s25], [sflag:$0x4], $0x80, $0x38;
	[tilespmem:$0x10800] =	vst v63  }
0x77: {  	p0 =	sne.s32 s24, $0x7700;
	s24 =	sadd.s32 $0xC488, s13;
	s25 =	sadd.s32 $0x10, s1  }
0x78: {  	[hbm4b:s25+s2] =	stream.linear.scatter [tilespmem:s24], [sflag:$0x4], $0x80, $0x38;
	[tilespmem:$0x10800] =	vst v63  }
0x79: {  	s24 =	sadd.s32 $0xC510, s13;
	s25 =	sadd.s32 $0x20, s1  }
0x7a: {  	[hbm4b:s25+s2] =	stream.linear.scatter [tilespmem:s24], [sflag:$0x4], $0x80, $0x38;
	[tilespmem:$0x10800] =	vst v63  }
0x7b: {  	s24 =	sadd.s32 $0xC598, s13;
	s25 =	sadd.s32 $0x30, s1  }
0x7c: {  	[hbm4b:s25+s2] =	stream.linear.scatter [tilespmem:s24], [sflag:$0x4], $0x80, $0x38;
	[tilespmem:$0x10800] =	vst v63  }
0x7d: {  	s24 =	sadd.s32 $0xC620, s13;
	s25 =	sadd.s32 $0x40, s1  }
0x7e: {  	[hbm4b:s25+s2] =	stream.linear.scatter [tilespmem:s24], [sflag:$0x4], $0x80, $0x38;
	[tilespmem:$0x10800] =	vst v63  }
.Ltmp1:
0x7f: {  	s24 =	sadd.s32 $0xC6A8, s13;
	s25 =	sadd.s32 $0x50, s1;
	(pc) =	sbr.rel @p0 .LBB2_4-.Ltmp1, $4  }
0x80: {  	[hbm4b:s25+s2] =	stream.linear.scatter [tilespmem:s24], [sflag:$0x4], $0x80, $0x38;
	[tilespmem:$0x10800] =	vst v63  }
0x81: {  	s24 =	sadd.s32 $0xC730, s13;
	s25 =	sadd.s32 $0x60, s1;
	s13 =	sadd.s32 $0xC7B8, s13  }
0x82: {  	[hbm4b:s25+s2] =	stream.linear.scatter [tilespmem:s24], [sflag:$0x4], $0x80, $0x38;
	[tilespmem:$0x10800] =	vst v63  }
0x83: {  	s25 =	sadd.s32 $0x70, s1;
	s1 =	sadd.s32 $0x1000, s1;
	s24 =	smov.u32 s26  }
0x84: {  	[hbm4b:s25+s2] =	stream.linear.scatter [tilespmem:s13], [sflag:$0x4], $0x80, $0x38;
	[tilespmem:$0x10800] =	vst v63  }
0x85: {  	s30 =	sadd.s32 $0xC400, s0  }
0x86: {  	[hbm4b:s1+s2] =	stream.linear.scatter [tilespmem:s30], [sflag:$0x4], $0x80, $0x38;
	[tilespmem:$0x10800] =	vst v63  }
0x87: {  	s31 =	sadd.s32 $0xC488, s0;
	s24 =	sadd.s32 $0x10, s1  }
0x88: {  	[hbm4b:s24+s2] =	stream.linear.scatter [tilespmem:s31], [sflag:$0x4], $0x80, $0x38;
	[tilespmem:$0x10800] =	vst v63  }
0x89: {  	s25 =	sadd.s32 $0xC510, s0;
	s26 =	sadd.s32 $0x20, s1  }
0x8a: {  	[hbm4b:s26+s2] =	stream.linear.scatter [tilespmem:s25], [sflag:$0x4], $0x80, $0x38;
	[tilespmem:$0x10800] =	vst v63  }
0x8b: {  	s28 =	sadd.s32 $0xC598, s0;
	s29 =	sadd.s32 $0x30, s1  }
0x8c: {  	[hbm4b:s29+s2] =	stream.linear.scatter [tilespmem:s28], [sflag:$0x4], $0x80, $0x38;
	[tilespmem:$0x10800] =	vst v63  }
0x8d: {  	s30 =	sadd.s32 $0xC620, s0;
	s31 =	sadd.s32 $0x40, s1  }
0x8e: {  	[hbm4b:s31+s2] =	stream.linear.scatter [tilespmem:s30], [sflag:$0x4], $0x80, $0x38;
	[tilespmem:$0x10800] =	vst v63  }
0x8f: {  	s25 =	sadd.s32 $0xC6A8, s0;
	s26 =	sadd.s32 $0x50, s1  }
0x90: {  	[hbm4b:s26+s2] =	stream.linear.scatter [tilespmem:s25], [sflag:$0x4], $0x80, $0x38;
	[tilespmem:$0x10800] =	vst v63  }
0x91: {  	s28 =	sadd.s32 $0xC730, s0;
	s29 =	sadd.s32 $0x60, s1  }
0x92: {  	[hbm4b:s29+s2] =	stream.linear.scatter [tilespmem:s28], [sflag:$0x4], $0x80, $0x38;
	[tilespmem:$0x10800] =	vst v63  }
0x93: {  	s30 =	sadd.s32 $0xC7B8, s0;
	s31 =	sadd.s32 $0x70, s1  }
0x94: {  	[hbm4b:s31+s2] =	stream.linear.scatter [tilespmem:s30], [sflag:$0x4], $0x80, $0x38;
	[tilespmem:$0x10800] =	vst v63  }
0x95: {  	_ =	swait.ge [sflag:s18], $0x2000  }
0x96: {  	s13 =	simm.s32 $0x0;
	s1 =	simm.s32 $0x3;
	[sflag:s18] =	ssyncset.done $0x0  }
0x97: {  	s24 =	simm.s32 $0x1;
	v4 =	vmov s1;
	s25 =	simm.s32 $0x84F0;
	[sflag:s18] =	ssyncadd.s32 $0xFFFFE000  }
0x98: {  	v5 =	vand.u32 $0x7F, v4;
	v4 =	vmov s13;
	[tilespmem:s12], [sflag:$0x1] =	stream.indirect.gather [hbm4b:s3+s11], $0x40, s19, s11, $0xb8;
	[tilespmem:$0x10800] =	vst v63  }
0x99: {  	v8 =	vadd.s32 v0, v5;
	v6 =	vand.u32 $0x7C, v4;
	v4 =	vmov s24;
	v7 =	vld [tilespmem:s25+$0xFFFFFFD0]  }
0x9a: {  	v10 =	vadd.s32 v0, v6;
	v11 =	vand.u32 $0x7D, v4;
	v9 =	vld [tilespmem:s25+$0xFFFFFF10]  }
0x9b: {  	s26 =	simm.s32 $0x2;
	v12 =	vadd.s32 v0, v11;
	v4 =	vld [tilespmem:s25+$0xFFFFFF50]  }
0x9c: {  	v13 =	vmov s26  }
0x9d: {  	v13 =	vand.u32 $0x7E, v13  }
0x9e: {  	v15 =	vadd.s32 v0, v13;
	v14 =	vld [tilespmem:s25+$0xFFFFFF90];
	[tilespmem:v8+s20+$0x0] =	vst.idx.msk $0xffff, v7  }
0x9f: {  	v8 =	vadd.s32 v1, v5;
	[tilespmem:v10+s20+$0x0] =	vst.idx.msk $0xffff, v9;
	v7 =	vld [tilespmem:s25+$0xFFFFFFE0]  }
0xa0: {  	v10 =	vadd.s32 v1, v6;
	[tilespmem:v12+s20+$0x0] =	vst.idx.msk $0xffff, v4;
	v9 =	vld [tilespmem:s25+$0xFFFFFF20]  }
0xa1: {  	v12 =	vadd.s32 v1, v11;
	v4 =	vld [tilespmem:s25+$0xFFFFFF60];
	_ =	sdelay $0x1  }
0xa2: {  	[tilespmem:v15+s20+$0x0] =	vst.idx.msk $0xffff, v14  }
0xa3: {  	v16 =	vadd.s32 v1, v13;
	v15 =	vld [tilespmem:s25+$0xFFFFFFA0];
	[tilespmem:v8+s20+$0x0] =	vst.idx.msk $0xffff, v7  }
0xa4: {  	s28 =	simm.s32 $0x7;
	v14 =	vadd.s32 v2, v5;
	[tilespmem:v10+s20+$0x0] =	vst.idx.msk $0xffff, v9;
	v7 =	vld [tilespmem:s25+$0xFFFFFFF0]  }
0xa5: {  	v10 =	vadd.s32 v2, v6;
	v8 =	vmov s28;
	[tilespmem:v12+s20+$0x0] =	vst.idx.msk $0xffff, v4;
	v9 =	vld [tilespmem:s25+$0xFFFFFF30]  }
0xa6: {  	s24 =	simm.s32 $0x85F0;
	v17 =	vadd.s32 v2, v11;
	v8 =	vand.u32 $0x7F, v8;
	v12 =	vld [tilespmem:s25+$0xFFFFFF70]  }
0xa7: {  	s29 =	simm.s32 $0x4;
	v18 =	vld [tilespmem:s24+$0xFFFFFFD0];
	v19 =	vadd.s32 v0, v8  }
0xa8: {  	s30 =	simm.s32 $0x5;
	v4 =	vmov s29;
	[tilespmem:v16+s20+$0x0] =	vst.idx.msk $0xffff, v15  }
0xa9: {  	v22 =	vmov s30;
	v4 =	vand.u32 $0x7C, v4;
	[tilespmem:v14+s20+$0x0] =	vst.idx.msk $0xffff, v7  }
0xaa: {  	s31 =	simm.s32 $0x6;
	v20 =	vld [tilespmem:s24+$0xFFFFFF10];
	v21 =	vadd.s32 v0, v4;
	v7 =	vand.u32 $0x7D, v22;
	[tilespmem:v10+s20+$0x0] =	vst.idx.msk $0xffff, v9  }
0xab: {  	v14 =	vmov s31;
	v9 =	vld [tilespmem:s24+$0xFFFFFF50];
	[tilespmem:v17+s20+$0x0] =	vst.idx.msk $0xffff, v12;
	v10 =	vadd.s32 v0, v7  }
0xac: {  	v16 =	vadd.s32 v3, v5;
	v12 =	vld [tilespmem:s25+$0xFFFFFFB0];
	v5 =	vand.u32 $0x7E, v14;
	[tilespmem:v19+s20+$0x0] =	vst.idx.msk $0xffff, v18;
	v18 =	vadd.s32 v2, v13  }
0xad: {  	v14 =	vld [tilespmem:s24+$0xFFFFFF90];
	v63 =	vadd.s32 v0, v5  }
0xae: {  	v15 =	vld [tilespmem:s25+$0x0]  }
0xaf: {  	[tilespmem:v21+s20+$0x0] =	vst.idx.msk $0xffff, v20;
	v20 =	vadd.s32 v1, v8;
	v19 =	vld [tilespmem:s24+$0xFFFFFFE0]  }
0xb0: {  	v23 =	vadd.s32 v1, v4;
	v21 =	vld [tilespmem:s24+$0xFFFFFF20];
	[tilespmem:v10+s20+$0x0] =	vst.idx.msk $0xffff, v9  }
0xb1: {  	v25 =	vadd.s32 v3, v11;
	v24 =	vld [tilespmem:s25+$0xFFFFFF80];
	[tilespmem:v18+s20+$0x0] =	vst.idx.msk $0xffff, v12  }
0xb2: {  	v18 =	vadd.s32 v1, v7;
	v17 =	vld [tilespmem:s24+$0xFFFFFF60];
	[tilespmem:v63+s20+$0x0] =	vst.idx.msk $0xffff, v14  }
0xb3: {  	[tilespmem:v16+s20+$0x0] =	vst.idx.msk $0xffff, v15;
	v16 =	vadd.s32 v1, v5;
	v15 =	vld [tilespmem:s24+$0xFFFFFFA0]  }
0xb4: {  	[tilespmem:v20+s20+$0x0] =	vst.idx.msk $0xffff, v19;
	v11 =	vld [tilespmem:s25+$0xFFFFFFC0];
	v14 =	vadd.s32 v3, v13  }
0xb5: {  	v12 =	vadd.s32 v2, v8;
	[tilespmem:v23+s20+$0x0] =	vst.idx.msk $0xffff, v21;
	v9 =	vld [tilespmem:s24+$0xFFFFFFF0]  }
0xb6: {  	s0 =	simm.s32 $0xC;
	s1 =	simm.s32 $0xB;
	s26 =	simm.s32 $0x8;
	[tilespmem:v25+s20+$0x0] =	vst.idx.msk $0xffff, v24;
	v13 =	vadd.s32 v2, v4;
	v10 =	vld [tilespmem:s24+$0xFFFFFF30]  }
.LBB2_6:
0xb7: {  	p0 =	slt.u32 s0, $0x7C;
	v19 =	vmov s1;
	[tilespmem:v18+s20+$0x0] =	vst.idx.msk $0xffff, v17;
	v17 =	vld [tilespmem:s25+$0xFFFFFF40];
	v18 =	vadd.s32 v3, v6;
	v6 =	vmov v4;
	s25 =	smov.u32 s24  }
0xb8: {  	v4 =	vmov s26;
	v21 =	vadd.s32 v2, v7;
	s24 =	sadd.s32 $0x100, s24;
	v19 =	vand.u32 $0x7F, v19;
	v20 =	vld [tilespmem:s25+$0xFFFFFF70];
	[tilespmem:v16+s20+$0x0] =	vst.idx.msk $0xffff, v15  }
0xb9: {  	s1 =	sadd.s32 $0x1, s26;
	v4 =	vand.u32 $0x7C, v4;
	v15 =	vld [tilespmem:s24+$0xFFFFFFD0];
	v16 =	vadd.s32 v0, v19;
	[tilespmem:v14+s20+$0x0] =	vst.idx.msk $0xffff, v11  }
0xba: {  	v22 =	vmov s1;
	s1 =	sadd.s32 $0x2, s26;
	s26 =	smov.u32 s0;
	v14 =	vadd.s32 v0, v4;
	v11 =	vld [tilespmem:s24+$0xFFFFFF10];
	[tilespmem:v12+s20+$0x0] =	vst.idx.msk $0xffff, v9  }
0xbb: {  	v9 =	vand.u32 $0x7D, v22;
	v12 =	vmov s1;
	[tilespmem:v13+s20+$0x0] =	vst.idx.msk $0xffff, v10;
	v10 =	vld [tilespmem:s25+$0x0];
	v13 =	vadd.s32 v3, v8;
	v8 =	vmovc v19  }
0xbc: {  	v22 =	vadd.s32 v0, v9;
	v12 =	vand.u32 $0x7E, v12;
	v19 =	vld [tilespmem:s24+$0xFFFFFF50];
	[tilespmem:v18+s20+$0x0] =	vst.idx.msk $0xffff, v17  }
0xbd: {  	v24 =	vadd.s32 v0, v12;
	v23 =	vld [tilespmem:s24+$0xFFFFFF90];
	[tilespmem:v21+s20+$0x0] =	vst.idx.msk $0xffff, v20  }
0xbe: {  	v21 =	vadd.s32 v2, v5;
	[tilespmem:v16+s20+$0x0] =	vst.idx.msk $0xffff, v15;
	v20 =	vld [tilespmem:s25+$0xFFFFFFB0]  }
0xbf: {  	[tilespmem:v14+s20+$0x0] =	vst.idx.msk $0xffff, v11;
	v11 =	vld [tilespmem:s24+$0xFFFFFFE0];
	v14 =	vadd.s32 v1, v8  }
0xc0: {  	v26 =	vadd.s32 v1, v4;
	v25 =	vld [tilespmem:s24+$0xFFFFFF20];
	[tilespmem:v13+s20+$0x0] =	vst.idx.msk $0xffff, v10  }
0xc1: {  	[tilespmem:v22+s20+$0x0] =	vst.idx.msk $0xffff, v19;
	v19 =	vld [tilespmem:s25+$0xFFFFFF80];
	v22 =	vadd.s32 v3, v7;
	v7 =	vmov v9  }
.Ltmp2:
0xc2: {  	v17 =	vld [tilespmem:s24+$0xFFFFFF60];
	v18 =	vadd.s32 v1, v7;
	[tilespmem:v24+s20+$0x0] =	vst.idx.msk $0xffff, v23;
	(pc) =	sbr.rel @p0 .LBB2_6-.Ltmp2, $4  }
0xc3: {  	v16 =	vadd.s32 v1, v12;
	v15 =	vld [tilespmem:s24+$0xFFFFFFA0];
	[tilespmem:v21+s20+$0x0] =	vst.idx.msk $0xffff, v20  }
0xc4: {  	[tilespmem:v14+s20+$0x0] =	vst.idx.msk $0xffff, v11;
	v11 =	vld [tilespmem:s25+$0xFFFFFFC0];
	v14 =	vadd.s32 v3, v5;
	v5 =	vmov v12  }
0xc5: {  	v12 =	vadd.s32 v2, v8;
	[tilespmem:v26+s20+$0x0] =	vst.idx.msk $0xffff, v25;
	v9 =	vld [tilespmem:s24+$0xFFFFFFF0]  }
0xc6: {  	s0 =	sadd.s32 $0x4, s0;
	s1 =	sadd.s32 $0x3, s26;
	v13 =	vadd.s32 v2, v4;
	v10 =	vld [tilespmem:s24+$0xFFFFFF30];
	[tilespmem:v22+s20+$0x0] =	vst.idx.msk $0xffff, v19  }
0xc7: {  	_ =	sdelay $0x2  }
0xc8: {  	v19 =	vmov s1  }
0xc9: {  	s13 =	sadd.s32 $0x1, s26;
	[tilespmem:v18+s20+$0x0] =	vst.idx.msk $0xffff, v17;
	v30 =	vld [tilespmem:s25+$0xFFFFFF40];
	v6 =	vadd.s32 v3, v6;
	s0 =	sadd.s32 $0x100, s24;
	v21 =	vmov s26;
	v31 =	vand.u32 $0x7F, v19  }
0xca: {  	s25 =	sadd.s32 $0x2, s26;
	v32 =	vmov s13;
	[tilespmem:v16+s20+$0x0] =	vst.idx.msk $0xffff, v15;
	v33 =	vld [tilespmem:s0+$0xFFFFFFD0];
	v21 =	vand.u32 $0x7C, v21;
	v34 =	vadd.s32 v0, v31  }
0xcb: {  	v20 =	vmov s25;
	v22 =	vld [tilespmem:s0+$0xFFFFFF10];
	v19 =	vand.u32 $0x7D, v32;
	[tilespmem:v14+s20+$0x0] =	vst.idx.msk $0xffff, v11;
	v39 =	vadd.s32 v0, v21  }
0xcc: {  	v35 =	vld [tilespmem:s0+$0xFFFFFF50];
	v20 =	vand.u32 $0x7E, v20;
	v36 =	vadd.s32 v0, v19;
	[tilespmem:v12+s20+$0x0] =	vst.idx.msk $0xffff, v9  }
0xcd: {  	v37 =	vld [tilespmem:s0+$0xFFFFFF90];
	v38 =	vadd.s32 v0, v20;
	[tilespmem:v13+s20+$0x0] =	vst.idx.msk $0xffff, v10  }
0xce: {  	v41 =	vadd.s32 v2, v7;
	v40 =	vld [tilespmem:s24+$0xFFFFFF70];
	[tilespmem:v6+s20+$0x0] =	vst.idx.msk $0xffff, v30  }
0xcf: {  	v49 =	vadd.s32 v2, v5;
	v48 =	vld [tilespmem:s24+$0xFFFFFFB0];
	[tilespmem:v34+s20+$0x0] =	vst.idx.msk $0xffff, v33  }
0xd0: {  	v43 =	vadd.s32 v1, v31;
	[tilespmem:v39+s20+$0x0] =	vst.idx.msk $0xffff, v22;
	v15 =	vld [tilespmem:s0+$0xFFFFFFE0]  }
0xd1: {  	v47 =	vadd.s32 v1, v21;
	[tilespmem:v36+s20+$0x0] =	vst.idx.msk $0xffff, v35;
	v46 =	vld [tilespmem:s0+$0xFFFFFF20]  }
0xd2: {  	v44 =	vadd.s32 v1, v19;
	[tilespmem:v38+s20+$0x0] =	vst.idx.msk $0xffff, v37;
	v11 =	vld [tilespmem:s0+$0xFFFFFF60]  }
0xd3: {  	v45 =	vadd.s32 v1, v20;
	[tilespmem:v41+s20+$0x0] =	vst.idx.msk $0xffff, v40;
	v9 =	vld [tilespmem:s0+$0xFFFFFFA0]  }
0xd4: {  	v8 =	vadd.s32 v3, v8;
	v42 =	vld [tilespmem:s24+$0x0];
	[tilespmem:v49+s20+$0x0] =	vst.idx.msk $0xffff, v48  }
0xd5: {  	v5 =	vadd.s32 v3, v5;
	v13 =	vld [tilespmem:s24+$0xFFFFFFC0];
	[tilespmem:v43+s20+$0x0] =	vst.idx.msk $0xffff, v15  }
0xd6: {  	v52 =	vadd.s32 v2, v31;
	[tilespmem:v47+s20+$0x0] =	vst.idx.msk $0xffff, v46;
	v15 =	vld [tilespmem:s0+$0xFFFFFFF0]  }
0xd7: {  	v57 =	vadd.s32 v2, v21;
	[tilespmem:v44+s20+$0x0] =	vst.idx.msk $0xffff, v11;
	v56 =	vld [tilespmem:s0+$0xFFFFFF30]  }
0xd8: {  	v53 =	vadd.s32 v2, v19;
	[tilespmem:v45+s20+$0x0] =	vst.idx.msk $0xffff, v9;
	v11 =	vld [tilespmem:s0+$0xFFFFFF70]  }
0xd9: {  	v55 =	vadd.s32 v2, v20;
	[tilespmem:v8+s20+$0x0] =	vst.idx.msk $0xffff, v42;
	v54 =	vld [tilespmem:s0+$0xFFFFFFB0]  }
0xda: {  	v4 =	vadd.s32 v3, v4;
	v58 =	vld [tilespmem:s24+$0xFFFFFF40];
	[tilespmem:v5+s20+$0x0] =	vst.idx.msk $0xffff, v13  }
0xdb: {  	v51 =	vadd.s32 v3, v7;
	v50 =	vld [tilespmem:s24+$0xFFFFFF80];
	[tilespmem:v52+s20+$0x0] =	vst.idx.msk $0xffff, v15  }
0xdc: {  	v60 =	vadd.s32 v3, v31;
	[tilespmem:v57+s20+$0x0] =	vst.idx.msk $0xffff, v56;
	v59 =	vld [tilespmem:s0+$0x0]  }
0xdd: {  	v63 =	vadd.s32 v3, v21;
	[tilespmem:v53+s20+$0x0] =	vst.idx.msk $0xffff, v11;
	v5 =	vld [tilespmem:s0+$0xFFFFFF40]  }
0xde: {  	v61 =	vadd.s32 v3, v19;
	[tilespmem:v55+s20+$0x0] =	vst.idx.msk $0xffff, v54;
	v11 =	vld [tilespmem:s0+$0xFFFFFF80]  }
0xdf: {  	v62 =	vadd.s32 v3, v20;
	[tilespmem:v4+s20+$0x0] =	vst.idx.msk $0xffff, v58;
	v6 =	vld [tilespmem:s0+$0xFFFFFFC0]  }
0xe0: {  	[tilespmem:v51+s20+$0x0] =	vst.idx.msk $0xffff, v50  }
0xe1: {  	[tilespmem:v60+s20+$0x0] =	vst.idx.msk $0xffff, v59  }
0xe2: {  	[tilespmem:v63+s20+$0x0] =	vst.idx.msk $0xffff, v5  }
0xe3: {  	[tilespmem:v61+s20+$0x0] =	vst.idx.msk $0xffff, v11  }
0xe4: {  	s26 =	simm.s32 $0xE600;
	[tilespmem:v62+s20+$0x0] =	vst.idx.msk $0xffff, v6  }
0xe5: {  	[hbm4b:s6+s2] =	stream.linear.scatter [tilespmem:s26], [sflag:$0x5], $0x80, $0x38;
	[tilespmem:$0x10800] =	vst v63  }
0xe6: {  	s28 =	simm.s32 $0xE688;
	s29 =	sadd.s32 $0x10, s6  }
0xe7: {  	[hbm4b:s29+s2] =	stream.linear.scatter [tilespmem:s28], [sflag:$0x5], $0x80, $0x38;
	[tilespmem:$0x10800] =	vst v63  }
0xe8: {  	s30 =	simm.s32 $0xE710;
	s31 =	sadd.s32 $0x20, s6;
	s1 =	sadd.s32 $0x1000, s6  }
0xe9: {  	[hbm4b:s31+s2] =	stream.linear.scatter [tilespmem:s30], [sflag:$0x5], $0x80, $0x38;
	[tilespmem:$0x10800] =	vst v63  }
0xea: {  	s13 =	simm.s32 $0xE798;
	s25 =	simm.s32 $0xE820;
	s24 =	sadd.s32 $0x30, s6  }
0xeb: {  	[hbm4b:s24+s2] =	stream.linear.scatter [tilespmem:s13], [sflag:$0x5], $0x80, $0x38;
	[tilespmem:$0x10800] =	vst v63  }
0xec: {  	s0 =	simm.s32 $0x440;
	s26 =	sadd.s32 $0x40, s6;
	s28 =	simm.s32 $0xE8A8  }
0xed: {  	[hbm4b:s26+s2] =	stream.linear.scatter [tilespmem:s25], [sflag:$0x5], $0x80, $0x38;
	[tilespmem:$0x10800] =	vst v63  }
0xee: {  	s29 =	sadd.s32 $0x50, s6;
	s30 =	simm.s32 $0xE930;
	s31 =	sadd.s32 $0x60, s6  }
0xef: {  	[hbm4b:s29+s2] =	stream.linear.scatter [tilespmem:s28], [sflag:$0x5], $0x80, $0x38;
	[tilespmem:$0x10800] =	vst v63  }
0xf0: {  	s13 =	simm.s32 $0x2200;
	s24 =	simm.s32 $0xE9B8;
	s25 =	sadd.s32 $0x70, s6  }
0xf1: {  	[hbm4b:s31+s2] =	stream.linear.scatter [tilespmem:s30], [sflag:$0x5], $0x80, $0x38;
	[tilespmem:$0x10800] =	vst v63  }
.LBB2_8:
0xf2: {  	[hbm4b:s25+s2] =	stream.linear.scatter [tilespmem:s24], [sflag:$0x5], $0x80, $0x38;
	[tilespmem:$0x10800] =	vst v63  }
0xf3: {  	s24 =	smov.u32 s0;
	s0 =	smov.u32 s13  }
0xf4: {  	s26 =	sadd.s32 $0x1100, s13;
	s0 =	sshra.s32 s0, $0x2;
	s25 =	sadd.s32 $0xE600, s24  }
0xf5: {  	[hbm4b:s1+s2] =	stream.linear.scatter [tilespmem:s25], [sflag:$0x5], $0x80, $0x38;
	[tilespmem:$0x10800] =	vst v63  }
0xf6: {  	p0 =	sne.s32 s13, $0x7700;
	s13 =	sadd.s32 $0xE688, s24;
	s25 =	sadd.s32 $0x10, s1  }
0xf7: {  	[hbm4b:s25+s2] =	stream.linear.scatter [tilespmem:s13], [sflag:$0x5], $0x80, $0x38;
	[tilespmem:$0x10800] =	vst v63  }
0xf8: {  	s13 =	sadd.s32 $0xE710, s24;
	s25 =	sadd.s32 $0x20, s1  }
0xf9: {  	[hbm4b:s25+s2] =	stream.linear.scatter [tilespmem:s13], [sflag:$0x5], $0x80, $0x38;
	[tilespmem:$0x10800] =	vst v63  }
0xfa: {  	s13 =	sadd.s32 $0xE798, s24;
	s25 =	sadd.s32 $0x30, s1  }
0xfb: {  	[hbm4b:s25+s2] =	stream.linear.scatter [tilespmem:s13], [sflag:$0x5], $0x80, $0x38;
	[tilespmem:$0x10800] =	vst v63  }
0xfc: {  	s13 =	sadd.s32 $0xE820, s24;
	s25 =	sadd.s32 $0x40, s1  }
0xfd: {  	[hbm4b:s25+s2] =	stream.linear.scatter [tilespmem:s13], [sflag:$0x5], $0x80, $0x38;
	[tilespmem:$0x10800] =	vst v63  }
.Ltmp3:
0xfe: {  	s13 =	sadd.s32 $0xE8A8, s24;
	s25 =	sadd.s32 $0x50, s1;
	(pc) =	sbr.rel @p0 .LBB2_8-.Ltmp3, $4  }
0xff: {  	[hbm4b:s25+s2] =	stream.linear.scatter [tilespmem:s13], [sflag:$0x5], $0x80, $0x38;
	[tilespmem:$0x10800] =	vst v63  }
0x100: {  	s13 =	sadd.s32 $0xE930, s24;
	s25 =	sadd.s32 $0x60, s1;
	s24 =	sadd.s32 $0xE9B8, s24  }
0x101: {  	[hbm4b:s25+s2] =	stream.linear.scatter [tilespmem:s13], [sflag:$0x5], $0x80, $0x38;
	[tilespmem:$0x10800] =	vst v63  }
0x102: {  	s25 =	sadd.s32 $0x70, s1;
	s1 =	sadd.s32 $0x1000, s1;
	s13 =	smov.u32 s26  }
0x103: {  	[hbm4b:s25+s2] =	stream.linear.scatter [tilespmem:s24], [sflag:$0x5], $0x80, $0x38;
	[tilespmem:$0x10800] =	vst v63  }
0x104: {  	s13 =	sadd.s32 $0xE600, s0  }
0x105: {  	[hbm4b:s1+s2] =	stream.linear.scatter [tilespmem:s13], [sflag:$0x5], $0x80, $0x38;
	[tilespmem:$0x10800] =	vst v63  }
0x106: {  	s30 =	sadd.s32 $0xE688, s0;
	s31 =	sadd.s32 $0x10, s1  }
0x107: {  	[hbm4b:s31+s2] =	stream.linear.scatter [tilespmem:s30], [sflag:$0x5], $0x80, $0x38;
	[tilespmem:$0x10800] =	vst v63  }
0x108: {  	s25 =	sadd.s32 $0xE710, s0;
	s26 =	sadd.s32 $0x20, s1  }
0x109: {  	[hbm4b:s26+s2] =	stream.linear.scatter [tilespmem:s25], [sflag:$0x5], $0x80, $0x38;
	[tilespmem:$0x10800] =	vst v63  }
0x10a: {  	s28 =	sadd.s32 $0xE798, s0;
	s29 =	sadd.s32 $0x30, s1  }
0x10b: {  	[hbm4b:s29+s2] =	stream.linear.scatter [tilespmem:s28], [sflag:$0x5], $0x80, $0x38;
	[tilespmem:$0x10800] =	vst v63  }
0x10c: {  	s30 =	sadd.s32 $0xE820, s0;
	s31 =	sadd.s32 $0x40, s1  }
0x10d: {  	[hbm4b:s31+s2] =	stream.linear.scatter [tilespmem:s30], [sflag:$0x5], $0x80, $0x38;
	[tilespmem:$0x10800] =	vst v63  }
0x10e: {  	s24 =	simm.s32 $0x2;
	s25 =	sadd.s32 $0xE8A8, s0;
	s26 =	sadd.s32 $0x50, s1  }
0x10f: {  	[hbm4b:s26+s2] =	stream.linear.scatter [tilespmem:s25], [sflag:$0x5], $0x80, $0x38;
	[tilespmem:$0x10800] =	vst v63  }
0x110: {  	p0 =	por $0x0, $0x0;
	s28 =	sadd.s32 $0xE930, s0;
	s29 =	sadd.s32 $0x60, s1  }
0x111: {  	[hbm4b:s29+s2] =	stream.linear.scatter [tilespmem:s28], [sflag:$0x5], $0x80, $0x38;
	[tilespmem:$0x10800] =	vst v63  }
0x112: {  	s30 =	sadd.s32 $0xE9B8, s0;
	s31 =	sadd.s32 $0x70, s1;
	s25 =	simm.s32 $0xA4F0  }
0x113: {  	[hbm4b:s31+s2] =	stream.linear.scatter [tilespmem:s30], [sflag:$0x5], $0x80, $0x38;
	[tilespmem:$0x10800] =	vst v63  }
.LBB2_10:
0x114: {  	s0 =	smul.u32 $0xAB, s24  }
0x115: {  	s1 =	sadd.s32 $0x2, s24  }
0x116: {  	s26 =	smulhi.u32 $0xAAAAAAAB, s24;
	s13 =	sand.u32 $0xFF, s1;
	s0 =	sshrl.u32 s0, $0x9  }
0x117: {  	s13 =	smul.u32 $0xAB, s13;
	s0 =	sand.u32 $0x7F, s0  }
0x118: {  	s26 =	sshrl.u32 s26, $0x1;
	s0 =	smul.u32 $0x3, s0  }
0x119: {  	s26 =	smul.u32 $0xFFFE8000, s26;
	s13 =	sshrl.u32 s13, $0x9  }
0x11a: {  	s13 =	smul.u32 $0x3, s13;
	s0 =	ssub.s32 s24, s0  }
0x11b: {  	s28 =	sand.u32 $0x1, s24;
	s26 =	sshra.s32 s26, $0x2;
	s0 =	sand.u32 $0xFF, s0  }
0x11c: {  	v4 =	vmov s26;
	s26 =	sor.u32 $0x4, s28;
	s13 =	ssub.s32 s1, s13;
	s0 =	sadd.s32 $0x1, s0  }
0x11d: {  	s1 =	sshll.u32 s1, $0x7;
	s13 =	sand.u32 $0xFF, s13;
	_ =	swait.ge [sflag:s0], $0x2000  }
0x11e: {  	s1 =	sand.u32 $0x3FFFFF80, s1;
	s29 =	sshll.u32 s13, $0xD;
	[sflag:s0] =	ssyncset.done $0x0  }
0x11f: {  	s13 =	sadd.s32 $0x1, s13;
	[sflag:s0] =	ssyncadd.s32 $0xFFFFE000;
	s0 =	sadd.s32 $0x6400, s29  }
0x120: {  	[tilespmem:s0], [sflag:s13] =	stream.indirect.gather [hbm4b:s3+s11], $0x40, s1, s11, $0xb8;
	[tilespmem:$0x10800] =	vst v63  }
0x121: {  	s1 =	simm.s32 $0x3;
	_ =	swait.ge [sflag:s26], $0x2000  }
0x122: {  	s13 =	simm.s32 $0x0;
	v5 =	vmov s1;
	[sflag:s26] =	ssyncset.done $0x0  }
0x123: {  	v6 =	vmov s13;
	v9 =	vand.u32 $0x7F, v5;
	[sflag:s26] =	ssyncadd.s32 $0xFFFFE000  }
0x124: {  	v12 =	vand.u32 $0x7C, v6;
	v6 =	vadd.s32 v0, v9;
	v5 =	vld.idx.msk [tilespmem:v4+s25+$0xFFFFFFD0 ss:$0x1], $0xffff  }
0x125: {  	s0 =	smul.u32 $0x8800, s28;
	s13 =	simm.s32 $0x1;
	v8 =	vadd.s32 v0, v12;
	v7 =	vld.idx.msk [tilespmem:v4+s25+$0xFFFFFF10 ss:$0x1], $0xffff  }
0x126: {  	v10 =	vmov s13;
	s13 =	simm.s32 $0x2  }
0x127: {  	s0 =	sshrl.u32 s0, $0x2;
	v10 =	vand.u32 $0x7D, v10;
	v11 =	vmov s13  }
0x128: {  	s29 =	sadd.s32 $0xC400, s0;
	v13 =	vld.idx.msk [tilespmem:v4+s25+$0xFFFFFF50 ss:$0x1], $0xffff;
	v14 =	vadd.s32 v0, v10;
	v16 =	vand.u32 $0x7E, v11  }
0x129: {  	v11 =	vld.idx.msk [tilespmem:v4+s25+$0xFFFFFF90 ss:$0x1], $0xffff;
	v15 =	vadd.s32 v0, v16;
	[tilespmem:v6+s29+$0x0] =	vst.idx.msk $0xffff, v5  }
0x12a: {  	[tilespmem:v8+s29+$0x0] =	vst.idx.msk $0xffff, v7;
	v6 =	vadd.s32 v1, v9;
	v5 =	vld.idx.msk [tilespmem:v4+s25+$0xFFFFFFE0 ss:$0x1], $0xffff  }
0x12b: {  	v8 =	vadd.s32 v1, v12;
	v7 =	vld.idx.msk [tilespmem:v4+s25+$0xFFFFFF20 ss:$0x1], $0xffff  }
0x12c: {  	s0 =	sadd.s32 $0x100, s25  }
0x12d: {  	v19 =	vld.idx.msk [tilespmem:v4+s0+$0xFFFFFFD0 ss:$0x1], $0xffff;
	[tilespmem:v14+s29+$0x0] =	vst.idx.msk $0xffff, v13  }
0x12e: {  	v13 =	vld.idx.msk [tilespmem:v4+s25+$0xFFFFFF60 ss:$0x1], $0xffff;
	[tilespmem:v15+s29+$0x0] =	vst.idx.msk $0xffff, v11;
	v11 =	vadd.s32 v1, v10  }
0x12f: {  	s1 =	simm.s32 $0x7;
	v14 =	vld.idx.msk [tilespmem:v4+s25+$0xFFFFFFA0 ss:$0x1], $0xffff;
	[tilespmem:v6+s29+$0x0] =	vst.idx.msk $0xffff, v5;
	v6 =	vadd.s32 v1, v16  }
0x130: {  	s13 =	simm.s32 $0x4;
	v18 =	vadd.s32 v2, v9;
	[tilespmem:v8+s29+$0x0] =	vst.idx.msk $0xffff, v7;
	v5 =	vmov s1;
	v15 =	vld.idx.msk [tilespmem:v4+s25+$0xFFFFFFF0 ss:$0x1], $0xffff  }
0x131: {  	v20 =	vadd.s32 v2, v12;
	v7 =	vmov s13;
	s13 =	simm.s32 $0x5;
	v17 =	vld.idx.msk [tilespmem:v4+s25+$0xFFFFFF30 ss:$0x1], $0xffff;
	v8 =	vand.u32 $0x7F, v5  }
0x132: {  	v21 =	vld.idx.msk [tilespmem:v4+s0+$0xFFFFFF10 ss:$0x1], $0xffff;
	v5 =	vand.u32 $0x7C, v7;
	v7 =	vmov s13;
	s13 =	simm.s32 $0x6;
	v22 =	vadd.s32 v0, v8  }
0x133: {  	v24 =	vld.idx.msk [tilespmem:v4+s0+$0xFFFFFF90 ss:$0x1], $0xffff;
	[tilespmem:v11+s29+$0x0] =	vst.idx.msk $0xffff, v13;
	v11 =	vadd.s32 v0, v5;
	v7 =	vand.u32 $0x7D, v7;
	v23 =	vmov s13  }
0x134: {  	v13 =	vld.idx.msk [tilespmem:v4+s0+$0xFFFFFF50 ss:$0x1], $0xffff;
	[tilespmem:v6+s29+$0x0] =	vst.idx.msk $0xffff, v14;
	v14 =	vadd.s32 v0, v7;
	v6 =	vand.u32 $0x7E, v23  }
0x135: {  	v25 =	vld.idx.msk [tilespmem:v4+s25+$0xFFFFFF70 ss:$0x1], $0xffff;
	v23 =	vadd.s32 v0, v6;
	[tilespmem:v18+s29+$0x0] =	vst.idx.msk $0xffff, v15  }
0x136: {  	[tilespmem:v20+s29+$0x0] =	vst.idx.msk $0xffff, v17;
	v15 =	vadd.s32 v2, v10;
	v20 =	vld.idx.msk [tilespmem:v4+s25+$0xFFFFFFB0 ss:$0x1], $0xffff  }
0x137: {  	v9 =	vadd.s32 v3, v9;
	v18 =	vld.idx.msk [tilespmem:v4+s25+$0x0 ss:$0x1], $0xffff;
	[tilespmem:v22+s29+$0x0] =	vst.idx.msk $0xffff, v19  }
0x138: {  	v63 =	vadd.s32 v2, v16;
	[tilespmem:v11+s29+$0x0] =	vst.idx.msk $0xffff, v21;
	v62 =	vld.idx.msk [tilespmem:v4+s0+$0xFFFFFFE0 ss:$0x1], $0xffff  }
0x139: {  	v26 =	vld.idx.msk [tilespmem:v4+s0+$0xFFFFFF20 ss:$0x1], $0xffff;
	[tilespmem:v14+s29+$0x0] =	vst.idx.msk $0xffff, v13;
	v14 =	vadd.s32 v1, v8  }
0x13a: {  	s1 =	simm.s32 $0x1;
	v27 =	vadd.s32 v1, v5;
	v17 =	vld.idx.msk [tilespmem:v4+s0+$0xFFFFFF60 ss:$0x1], $0xffff;
	[tilespmem:v23+s29+$0x0] =	vst.idx.msk $0xffff, v24  }
0x13b: {  	s1 =	simm.s32 @!p0 $0x0;
	v19 =	vadd.s32 v1, v7;
	[tilespmem:v15+s29+$0x0] =	vst.idx.msk $0xffff, v25;
	v13 =	vld.idx.msk [tilespmem:v4+s0+$0xFFFFFFA0 ss:$0x1], $0xffff  }
0x13c: {  	s1 =	smul.u32 $0x8800, s1;
	v11 =	vld.idx.msk [tilespmem:v4+s25+$0xFFFFFF80 ss:$0x1], $0xffff;
	[tilespmem:v9+s29+$0x0] =	vst.idx.msk $0xffff, v18;
	v18 =	vadd.s32 v1, v6  }
0x13d: {  	[tilespmem:v63+s29+$0x0] =	vst.idx.msk $0xffff, v20;
	v15 =	vadd.s32 v3, v10;
	v9 =	vld.idx.msk [tilespmem:v4+s25+$0xFFFFFF40 ss:$0x1], $0xffff  }
0x13e: {  	s31 =	simm.s32 $0x8;
	s30 =	smov.u32 s0;
	s1 =	sshrl.u32 s1, $0x2;
	v10 =	vld.idx.msk [tilespmem:v4+s25+$0xFFFFFFC0 ss:$0x1], $0xffff;
	[tilespmem:v14+s29+$0x0] =	vst.idx.msk $0xffff, v62;
	v14 =	vadd.s32 v3, v12  }
0x13f: {  	v16 =	vadd.s32 v3, v16;
	s13 =	simm.s32 $0xB;
	s28 =	sadd.s32 $0xC400, s1;
	s1 =	simm.s32 $0xC;
	[tilespmem:v27+s29+$0x0] =	vst.idx.msk $0xffff, v26;
	v12 =	vld.idx.msk [tilespmem:v4+s0+$0xFFFFFFF0 ss:$0x1], $0xffff  }
.LBB2_11:
0x140: {  	p1 =	slt.u32 s1, $0x7C;
	v20 =	vmov s13;
	v21 =	vld.idx.msk [tilespmem:v4+s0+$0xFFFFFF30 ss:$0x1], $0xffff;
	[tilespmem:v19+s29+$0x0] =	vst.idx.msk $0xffff, v17;
	v17 =	vadd.s32 v2, v8;
	s30 =	sadd.s32 $0x100, s30  }
0x141: {  	v19 =	vmov s31;
	s13 =	sadd.s32 $0x1, s31;
	v23 =	vadd.s32 v2, v5;
	v22 =	vld.idx.msk [tilespmem:v4+s30+$0xFFFFFFD0 ss:$0x1], $0xffff;
	v20 =	vand.u32 $0x7F, v20;
	[tilespmem:v18+s29+$0x0] =	vst.idx.msk $0xffff, v13  }
0x142: {  	v24 =	vand.u32 $0x7C, v19;
	v18 =	vmov s13;
	s13 =	sadd.s32 $0x2, s31;
	s31 =	smov.u32 s1;
	v13 =	vld.idx.msk [tilespmem:v4+s30+$0xFFFFFF10 ss:$0x1], $0xffff;
	v19 =	vadd.s32 v0, v20;
	[tilespmem:v15+s29+$0x0] =	vst.idx.msk $0xffff, v11  }
0x143: {  	v11 =	vadd.s32 v0, v24;
	v25 =	vand.u32 $0x7D, v18;
	v18 =	vmov s13;
	v15 =	vld.idx.msk [tilespmem:v4+s30+$0xFFFFFF50 ss:$0x1], $0xffff;
	[tilespmem:v14+s29+$0x0] =	vst.idx.msk $0xffff, v9  }
0x144: {  	v9 =	vadd.s32 v0, v25;
	v26 =	vand.u32 $0x7E, v18;
	v14 =	vld.idx.msk [tilespmem:v4+s30+$0xFFFFFF90 ss:$0x1], $0xffff;
	[tilespmem:v16+s29+$0x0] =	vst.idx.msk $0xffff, v10  }
0x145: {  	v10 =	vadd.s32 v0, v26;
	v16 =	vld.idx.msk [tilespmem:v4+s0+$0xFFFFFF70 ss:$0x1], $0xffff;
	[tilespmem:v17+s29+$0x0] =	vst.idx.msk $0xffff, v12  }
0x146: {  	v12 =	vadd.s32 v2, v7;
	[tilespmem:v23+s29+$0x0] =	vst.idx.msk $0xffff, v21;
	v21 =	vld.idx.msk [tilespmem:v4+s0+$0x0 ss:$0x1], $0xffff  }
0x147: {  	v23 =	vadd.s32 v3, v8;
	v8 =	vmov v20;
	[tilespmem:v19+s29+$0x0] =	vst.idx.msk $0xffff, v22;
	v22 =	vld.idx.msk [tilespmem:v4+s0+$0xFFFFFFB0 ss:$0x1], $0xffff  }
0x148: {  	v27 =	vadd.s32 v2, v6;
	[tilespmem:v11+s29+$0x0] =	vst.idx.msk $0xffff, v13;
	v20 =	vld.idx.msk [tilespmem:v4+s30+$0xFFFFFFE0 ss:$0x1], $0xffff  }
0x149: {  	v29 =	vadd.s32 v1, v8;
	v28 =	vld.idx.msk [tilespmem:v4+s30+$0xFFFFFF20 ss:$0x1], $0xffff;
	[tilespmem:v9+s29+$0x0] =	vst.idx.msk $0xffff, v15  }
0x14a: {  	v30 =	vadd.s32 v1, v24;
	v17 =	vld.idx.msk [tilespmem:v4+s30+$0xFFFFFF60 ss:$0x1], $0xffff;
	[tilespmem:v10+s29+$0x0] =	vst.idx.msk $0xffff, v14  }
.Ltmp4:
0x14b: {  	v19 =	vadd.s32 v1, v25;
	v13 =	vld.idx.msk [tilespmem:v4+s30+$0xFFFFFFA0 ss:$0x1], $0xffff;
	[tilespmem:v12+s29+$0x0] =	vst.idx.msk $0xffff, v16;
	(pc) =	sbr.rel @p1 .LBB2_11-.Ltmp4, $4  }
0x14c: {  	v18 =	vadd.s32 v1, v26;
	v11 =	vld.idx.msk [tilespmem:v4+s0+$0xFFFFFF80 ss:$0x1], $0xffff;
	[tilespmem:v23+s29+$0x0] =	vst.idx.msk $0xffff, v21  }
0x14d: {  	v15 =	vadd.s32 v3, v7;
	v7 =	vmov v25;
	v9 =	vld.idx.msk [tilespmem:v4+s0+$0xFFFFFF40 ss:$0x1], $0xffff;
	[tilespmem:v27+s29+$0x0] =	vst.idx.msk $0xffff, v22  }
0x14e: {  	v14 =	vadd.s32 v3, v5;
	v5 =	vmov v24;
	[tilespmem:v29+s29+$0x0] =	vst.idx.msk $0xffff, v20;
	v10 =	vld.idx.msk [tilespmem:v4+s0+$0xFFFFFFC0 ss:$0x1], $0xffff;
	s0 =	smov.u32 s30  }
0x14f: {  	s1 =	sadd.s32 $0x4, s1;
	s13 =	sadd.s32 $0x3, s31;
	v16 =	vadd.s32 v3, v6;
	v6 =	vmov v26;
	[tilespmem:v30+s29+$0x0] =	vst.idx.msk $0xffff, v28;
	v12 =	vld.idx.msk [tilespmem:v4+s30+$0xFFFFFFF0 ss:$0x1], $0xffff  }
0x150: {  	_ =	sdelay $0x3  }
0x151: {  	v20 =	vmov s13;
	[tilespmem:v19+s29+$0x0] =	vst.idx.msk $0xffff, v17;
	v62 =	vadd.s32 v2, v8  }
0x152: {  	s13 =	sadd.s32 $0x1, s31;
	v63 =	vld.idx.msk [tilespmem:v4+s0+$0xFFFFFF30 ss:$0x1], $0xffff;
	s1 =	sadd.s32 $0x100, s30;
	v21 =	vadd.s32 v2, v5;
	[tilespmem:v18+s29+$0x0] =	vst.idx.msk $0xffff, v13;
	v27 =	vmov s31;
	v20 =	vand.u32 $0x7F, v20  }
0x153: {  	s31 =	sadd.s32 $0x2, s31;
	v26 =	vmov s13;
	v22 =	vld.idx.msk [tilespmem:v4+s1+$0xFFFFFFD0 ss:$0x1], $0xffff;
	[tilespmem:v15+s29+$0x0] =	vst.idx.msk $0xffff, v11;
	v29 =	vand.u32 $0x7C, v27;
	v23 =	vadd.s32 v0, v20  }
0x154: {  	v31 =	vmov s31;
	v33 =	vld.idx.msk [tilespmem:v4+s1+$0xFFFFFF10 ss:$0x1], $0xffff;
	v28 =	vand.u32 $0x7D, v26;
	[tilespmem:v14+s29+$0x0] =	vst.idx.msk $0xffff, v9;
	v24 =	vadd.s32 v0, v29  }
0x155: {  	v30 =	vld.idx.msk [tilespmem:v4+s1+$0xFFFFFF50 ss:$0x1], $0xffff;
	v18 =	vand.u32 $0x7E, v31;
	v32 =	vadd.s32 v0, v28;
	[tilespmem:v16+s29+$0x0] =	vst.idx.msk $0xffff, v10  }
0x156: {  	v34 =	vld.idx.msk [tilespmem:v4+s1+$0xFFFFFF90 ss:$0x1], $0xffff;
	v35 =	vadd.s32 v0, v18;
	[tilespmem:v62+s29+$0x0] =	vst.idx.msk $0xffff, v12  }
0x157: {  	v37 =	vadd.s32 v2, v7;
	v36 =	vld.idx.msk [tilespmem:v4+s0+$0xFFFFFF70 ss:$0x1], $0xffff;
	[tilespmem:v21+s29+$0x0] =	vst.idx.msk $0xffff, v63  }
0x158: {  	v48 =	vadd.s32 v2, v6;
	v47 =	vld.idx.msk [tilespmem:v4+s0+$0xFFFFFFB0 ss:$0x1], $0xffff;
	[tilespmem:v23+s29+$0x0] =	vst.idx.msk $0xffff, v22  }
0x159: {  	v41 =	vadd.s32 v1, v20;
	[tilespmem:v24+s29+$0x0] =	vst.idx.msk $0xffff, v33;
	v40 =	vld.idx.msk [tilespmem:v4+s1+$0xFFFFFFE0 ss:$0x1], $0xffff  }
0x15a: {  	v45 =	vadd.s32 v1, v29;
	[tilespmem:v32+s29+$0x0] =	vst.idx.msk $0xffff, v30;
	v44 =	vld.idx.msk [tilespmem:v4+s1+$0xFFFFFF20 ss:$0x1], $0xffff  }
0x15b: {  	v43 =	vadd.s32 v1, v28;
	[tilespmem:v35+s29+$0x0] =	vst.idx.msk $0xffff, v34;
	v42 =	vld.idx.msk [tilespmem:v4+s1+$0xFFFFFF60 ss:$0x1], $0xffff  }
0x15c: {  	v46 =	vadd.s32 v1, v18;
	[tilespmem:v37+s29+$0x0] =	vst.idx.msk $0xffff, v36;
	v10 =	vld.idx.msk [tilespmem:v4+s1+$0xFFFFFFA0 ss:$0x1], $0xffff  }
0x15d: {  	v39 =	vadd.s32 v3, v8;
	v38 =	vld.idx.msk [tilespmem:v4+s0+$0x0 ss:$0x1], $0xffff;
	[tilespmem:v48+s29+$0x0] =	vst.idx.msk $0xffff, v47  }
0x15e: {  	v5 =	vadd.s32 v3, v5;
	v56 =	vld.idx.msk [tilespmem:v4+s0+$0xFFFFFF40 ss:$0x1], $0xffff;
	[tilespmem:v41+s29+$0x0] =	vst.idx.msk $0xffff, v40  }
0x15f: {  	v51 =	vadd.s32 v2, v20;
	[tilespmem:v45+s29+$0x0] =	vst.idx.msk $0xffff, v44;
	v9 =	vld.idx.msk [tilespmem:v4+s1+$0xFFFFFFF0 ss:$0x1], $0xffff  }
0x160: {  	v54 =	vadd.s32 v2, v29;
	[tilespmem:v43+s29+$0x0] =	vst.idx.msk $0xffff, v42;
	v53 =	vld.idx.msk [tilespmem:v4+s1+$0xFFFFFF30 ss:$0x1], $0xffff  }
0x161: {  	v52 =	vadd.s32 v2, v28;
	[tilespmem:v46+s29+$0x0] =	vst.idx.msk $0xffff, v10;
	v15 =	vld.idx.msk [tilespmem:v4+s1+$0xFFFFFF70 ss:$0x1], $0xffff  }
0x162: {  	v55 =	vadd.s32 v2, v18;
	[tilespmem:v39+s29+$0x0] =	vst.idx.msk $0xffff, v38;
	v10 =	vld.idx.msk [tilespmem:v4+s1+$0xFFFFFFB0 ss:$0x1], $0xffff  }
0x163: {  	v50 =	vadd.s32 v3, v7;
	v49 =	vld.idx.msk [tilespmem:v4+s0+$0xFFFFFF80 ss:$0x1], $0xffff;
	[tilespmem:v5+s29+$0x0] =	vst.idx.msk $0xffff, v56  }
0x164: {  	v58 =	vadd.s32 v3, v6;
	v57 =	vld.idx.msk [tilespmem:v4+s0+$0xFFFFFFC0 ss:$0x1], $0xffff;
	[tilespmem:v51+s29+$0x0] =	vst.idx.msk $0xffff, v9  }
0x165: {  	v60 =	vadd.s32 v3, v20;
	[tilespmem:v54+s29+$0x0] =	vst.idx.msk $0xffff, v53;
	v59 =	vld.idx.msk [tilespmem:v4+s1+$0x0 ss:$0x1], $0xffff  }
0x166: {  	v63 =	vadd.s32 v3, v29;
	[tilespmem:v52+s29+$0x0] =	vst.idx.msk $0xffff, v15;
	v62 =	vld.idx.msk [tilespmem:v4+s1+$0xFFFFFF40 ss:$0x1], $0xffff  }
0x167: {  	v11 =	vadd.s32 v3, v28;
	[tilespmem:v55+s29+$0x0] =	vst.idx.msk $0xffff, v10;
	v61 =	vld.idx.msk [tilespmem:v4+s1+$0xFFFFFF80 ss:$0x1], $0xffff  }
0x168: {  	v5 =	vadd.s32 v3, v18;
	[tilespmem:v50+s29+$0x0] =	vst.idx.msk $0xffff, v49;
	v4 =	vld.idx.msk [tilespmem:v4+s1+$0xFFFFFFC0 ss:$0x1], $0xffff  }
0x169: {  	[tilespmem:v58+s29+$0x0] =	vst.idx.msk $0xffff, v57  }
0x16a: {  	[tilespmem:v60+s29+$0x0] =	vst.idx.msk $0xffff, v59  }
0x16b: {  	[tilespmem:v63+s29+$0x0] =	vst.idx.msk $0xffff, v62  }
0x16c: {  	s1 =	sshll.u32 s24, $0xF;
	[tilespmem:v11+s29+$0x0] =	vst.idx.msk $0xffff, v61  }
0x16d: {  	s0 =	sadd.s32 s1, s5;
	[tilespmem:v5+s29+$0x0] =	vst.idx.msk $0xffff, v4;
	s29 =	sadd.s32 $0x0, s28  }
0x16e: {  	[hbm4b:s0+s2] =	stream.linear.scatter [tilespmem:s29], [sflag:s26], $0x80, $0x38;
	[tilespmem:$0x10800] =	vst v63  }
0x16f: {  	s31 =	sadd.s32 $0x10, s0;
	s13 =	sadd.s32 $0x88, s29  }
0x170: {  	[hbm4b:s31+s2] =	stream.linear.scatter [tilespmem:s13], [sflag:s26], $0x80, $0x38;
	[tilespmem:$0x10800] =	vst v63  }
0x171: {  	s13 =	sadd.s32 $0x110, s29;
	s31 =	sadd.s32 $0x20, s0  }
0x172: {  	[hbm4b:s31+s2] =	stream.linear.scatter [tilespmem:s13], [sflag:s26], $0x80, $0x38;
	[tilespmem:$0x10800] =	vst v63  }
0x173: {  	s13 =	sadd.s32 $0x198, s29;
	s31 =	sadd.s32 $0x30, s0  }
0x174: {  	[hbm4b:s31+s2] =	stream.linear.scatter [tilespmem:s13], [sflag:s26], $0x80, $0x38;
	[tilespmem:$0x10800] =	vst v63  }
0x175: {  	s13 =	sadd.s32 $0x220, s29;
	s31 =	sadd.s32 $0x40, s0  }
0x176: {  	[hbm4b:s31+s2] =	stream.linear.scatter [tilespmem:s13], [sflag:s26], $0x80, $0x38;
	[tilespmem:$0x10800] =	vst v63  }
0x177: {  	s1 =	simm.s32 $0x440;
	s13 =	sadd.s32 $0x2A8, s29;
	s31 =	sadd.s32 $0x50, s0  }
0x178: {  	[hbm4b:s31+s2] =	stream.linear.scatter [tilespmem:s13], [sflag:s26], $0x80, $0x38;
	[tilespmem:$0x10800] =	vst v63  }
0x179: {  	s30 =	sadd.s32 $0x70, s0;
	s13 =	sadd.s32 $0x330, s29;
	s31 =	sadd.s32 $0x60, s0  }
0x17a: {  	[hbm4b:s31+s2] =	stream.linear.scatter [tilespmem:s13], [sflag:s26], $0x80, $0x38;
	[tilespmem:$0x10800] =	vst v63  }
0x17b: {  	s29 =	sadd.s32 $0x3B8, s29;
	s0 =	sadd.s32 $0x1000, s0;
	s13 =	simm.s32 $0x2200  }
.LBB2_13:
0x17c: {  	[hbm4b:s30+s2] =	stream.linear.scatter [tilespmem:s29], [sflag:s26], $0x80, $0x38;
	[tilespmem:$0x10800] =	vst v63  }
0x17d: {  	s29 =	smov.u32 s13  }
0x17e: {  	s31 =	sadd.s32 $0x1100, s13;
	s30 =	sadd.s32 s1, s28;
	s1 =	sshra.s32 s29, $0x2  }
0x17f: {  	[hbm4b:s0+s2] =	stream.linear.scatter [tilespmem:s30], [sflag:s26], $0x80, $0x38;
	[tilespmem:$0x10800] =	vst v63  }
0x180: {  	p1 =	sne.s32 s13, $0x7700;
	s13 =	sadd.s32 $0x88, s30;
	s29 =	sadd.s32 $0x10, s0  }
0x181: {  	[hbm4b:s29+s2] =	stream.linear.scatter [tilespmem:s13], [sflag:s26], $0x80, $0x38;
	[tilespmem:$0x10800] =	vst v63  }
0x182: {  	s13 =	sadd.s32 $0x110, s30;
	s29 =	sadd.s32 $0x20, s0  }
0x183: {  	[hbm4b:s29+s2] =	stream.linear.scatter [tilespmem:s13], [sflag:s26], $0x80, $0x38;
	[tilespmem:$0x10800] =	vst v63  }
0x184: {  	s13 =	sadd.s32 $0x198, s30;
	s29 =	sadd.s32 $0x30, s0  }
0x185: {  	[hbm4b:s29+s2] =	stream.linear.scatter [tilespmem:s13], [sflag:s26], $0x80, $0x38;
	[tilespmem:$0x10800] =	vst v63  }
0x186: {  	s13 =	sadd.s32 $0x220, s30;
	s29 =	sadd.s32 $0x40, s0  }
0x187: {  	[hbm4b:s29+s2] =	stream.linear.scatter [tilespmem:s13], [sflag:s26], $0x80, $0x38;
	[tilespmem:$0x10800] =	vst v63  }
0x188: {  	s13 =	sadd.s32 $0x2A8, s30;
	s29 =	sadd.s32 $0x50, s0  }
0x189: {  	[hbm4b:s29+s2] =	stream.linear.scatter [tilespmem:s13], [sflag:s26], $0x80, $0x38;
	[tilespmem:$0x10800] =	vst v63  }
.Ltmp5:
0x18a: {  	_ = 	snop;
	(pc) =	sbr.rel @p1 .LBB2_13-.Ltmp5, $4  }
0x18b: {  	s13 =	sadd.s32 $0x330, s30;
	s29 =	sadd.s32 $0x60, s0  }
0x18c: {  	[hbm4b:s29+s2] =	stream.linear.scatter [tilespmem:s13], [sflag:s26], $0x80, $0x38;
	[tilespmem:$0x10800] =	vst v63  }
0x18d: {  	s29 =	sadd.s32 $0x3B8, s30  }
0x18e: {  	s30 =	sadd.s32 $0x70, s0;
	s0 =	sadd.s32 $0x1000, s0;
	s13 =	smov.u32 s31  }
0x18f: {  	[hbm4b:s30+s2] =	stream.linear.scatter [tilespmem:s29], [sflag:s26], $0x80, $0x38;
	[tilespmem:$0x10800] =	vst v63  }
0x190: {  	s1 =	sadd.s32 s1, s28  }
0x191: {  	[hbm4b:s0+s2] =	stream.linear.scatter [tilespmem:s1], [sflag:s26], $0x80, $0x38;
	[tilespmem:$0x10800] =	vst v63  }
0x192: {  	s29 =	sadd.s32 $0x10, s0;
	s13 =	sadd.s32 $0x88, s1  }
0x193: {  	[hbm4b:s29+s2] =	stream.linear.scatter [tilespmem:s13], [sflag:s26], $0x80, $0x38;
	[tilespmem:$0x10800] =	vst v63  }
0x194: {  	s31 =	sadd.s32 $0x20, s0;
	s30 =	sadd.s32 $0x110, s1  }
0x195: {  	[hbm4b:s31+s2] =	stream.linear.scatter [tilespmem:s30], [sflag:s26], $0x80, $0x38;
	[tilespmem:$0x10800] =	vst v63  }
0x196: {  	s29 =	sadd.s32 $0x198, s1;
	s30 =	sadd.s32 $0x30, s0  }
0x197: {  	[hbm4b:s30+s2] =	stream.linear.scatter [tilespmem:s29], [sflag:s26], $0x80, $0x38;
	[tilespmem:$0x10800] =	vst v63  }
0x198: {  	s24 =	sadd.s32 $0x1, s24;
	s31 =	sadd.s32 $0x220, s1;
	s29 =	sadd.s32 $0x40, s0  }
0x199: {  	[hbm4b:s29+s2] =	stream.linear.scatter [tilespmem:s31], [sflag:s26], $0x80, $0x38;
	[tilespmem:$0x10800] =	vst v63  }
0x19a: {  	p1 =	sne.s32 s24, $0xC6;
	s30 =	sadd.s32 $0x2A8, s1;
	s31 =	sadd.s32 $0x50, s0  }
0x19b: {  	[hbm4b:s31+s2] =	stream.linear.scatter [tilespmem:s30], [sflag:s26], $0x80, $0x38;
	[tilespmem:$0x10800] =	vst v63  }
.Ltmp6:
0x19c: {  	_ = 	snop;
	(pc) =	sbr.rel @p1 .LBB2_10-.Ltmp6, $4  }
0x19d: {  	s25 =	sadd.s32 $0x2000, s25;
	s29 =	sadd.s32 $0x330, s1;
	s30 =	sadd.s32 $0x60, s0  }
0x19e: {  	[hbm4b:s30+s2] =	stream.linear.scatter [tilespmem:s29], [sflag:s26], $0x80, $0x38;
	[tilespmem:$0x10800] =	vst v63  }
0x19f: {  	p0 =	por !p0, !p0;
	s1 =	sadd.s32 $0x3B8, s1;
	s31 =	sadd.s32 $0x70, s0  }
0x1a0: {  	[hbm4b:s31+s2] =	stream.linear.scatter [tilespmem:s1], [sflag:s26], $0x80, $0x38;
	[tilespmem:$0x10800] =	vst v63  }
0x1a1: {  	_ =	swait.ge [sflag:s14], $0x2000  }
0x1a2: {  	[sflag:s14] =	ssyncset.done $0x0  }
0x1a3: {  	[sflag:s14] =	ssyncadd.s32 $0xFFFFE000  }
0x1a4: {  	s0 =	simm.s32 $0x3;
	_ =	swait.ge [sflag:s21], $0x2000  }
0x1a5: {  	s24 =	simm.s32 $0x0;
	v4 =	vmov s0;
	[sflag:s21] =	ssyncset.done $0x0  }
0x1a6: {  	s25 =	simm.s32 $0x6480;
	s26 =	simm.s32 $0x1;
	v5 =	vand.u32 $0x7F, v4;
	v4 =	vmov s24;
	[sflag:s21] =	ssyncadd.s32 $0xFFFFE000  }
0x1a7: {  	v8 =	vadd.s32 v0, v5;
	v6 =	vand.u32 $0x7C, v4;
	v4 =	vmov s26;
	v7 =	vld [tilespmem:s25+$0x40]  }
0x1a8: {  	v10 =	vadd.s32 v0, v6;
	v11 =	vand.u32 $0x7D, v4;
	v9 =	vld [tilespmem:s25+$0xFFFFFF80]  }
0x1a9: {  	s28 =	simm.s32 $0x2;
	v12 =	vadd.s32 v0, v11;
	v4 =	vld [tilespmem:s25+$0xFFFFFFC0]  }
0x1aa: {  	v13 =	vmov s28  }
0x1ab: {  	v13 =	vand.u32 $0x7E, v13  }
0x1ac: {  	v15 =	vadd.s32 v0, v13;
	v14 =	vld [tilespmem:s25+$0x0];
	[tilespmem:v8+s17+$0x0] =	vst.idx.msk $0xffff, v7  }
0x1ad: {  	v8 =	vadd.s32 v1, v5;
	[tilespmem:v10+s17+$0x0] =	vst.idx.msk $0xffff, v9;
	v7 =	vld [tilespmem:s25+$0x50]  }
0x1ae: {  	v10 =	vadd.s32 v1, v6;
	[tilespmem:v12+s17+$0x0] =	vst.idx.msk $0xffff, v4;
	v9 =	vld [tilespmem:s25+$0xFFFFFF90]  }
0x1af: {  	v12 =	vadd.s32 v1, v11;
	v4 =	vld [tilespmem:s25+$0xFFFFFFD0];
	_ =	sdelay $0x1  }
0x1b0: {  	[tilespmem:v15+s17+$0x0] =	vst.idx.msk $0xffff, v14  }
0x1b1: {  	v16 =	vadd.s32 v1, v13;
	v15 =	vld [tilespmem:s25+$0x10];
	[tilespmem:v8+s17+$0x0] =	vst.idx.msk $0xffff, v7  }
0x1b2: {  	s29 =	simm.s32 $0x7;
	v14 =	vadd.s32 v2, v5;
	[tilespmem:v10+s17+$0x0] =	vst.idx.msk $0xffff, v9;
	v7 =	vld [tilespmem:s25+$0x60]  }
0x1b3: {  	v10 =	vadd.s32 v2, v6;
	v8 =	vmov s29;
	[tilespmem:v12+s17+$0x0] =	vst.idx.msk $0xffff, v4;
	v9 =	vld [tilespmem:s25+$0xFFFFFFA0]  }
0x1b4: {  	s24 =	simm.s32 $0x6580;
	v17 =	vadd.s32 v2, v11;
	v8 =	vand.u32 $0x7F, v8;
	v12 =	vld [tilespmem:s25+$0xFFFFFFE0]  }
0x1b5: {  	s1 =	simm.s32 $0x4;
	v18 =	vld [tilespmem:s24+$0x40];
	v19 =	vadd.s32 v0, v8  }
0x1b6: {  	s30 =	simm.s32 $0x5;
	v4 =	vmov s1;
	[tilespmem:v16+s17+$0x0] =	vst.idx.msk $0xffff, v15  }
0x1b7: {  	v22 =	vmov s30;
	v4 =	vand.u32 $0x7C, v4;
	[tilespmem:v14+s17+$0x0] =	vst.idx.msk $0xffff, v7  }
0x1b8: {  	s31 =	simm.s32 $0x6;
	v20 =	vld [tilespmem:s24+$0xFFFFFF80];
	v21 =	vadd.s32 v0, v4;
	v7 =	vand.u32 $0x7D, v22;
	[tilespmem:v10+s17+$0x0] =	vst.idx.msk $0xffff, v9  }
0x1b9: {  	v14 =	vmov s31;
	v9 =	vld [tilespmem:s24+$0xFFFFFFC0];
	[tilespmem:v17+s17+$0x0] =	vst.idx.msk $0xffff, v12;
	v10 =	vadd.s32 v0, v7  }
0x1ba: {  	v16 =	vadd.s32 v3, v5;
	v12 =	vld [tilespmem:s25+$0x20];
	v5 =	vand.u32 $0x7E, v14;
	[tilespmem:v19+s17+$0x0] =	vst.idx.msk $0xffff, v18;
	v18 =	vadd.s32 v2, v13  }
0x1bb: {  	v14 =	vld [tilespmem:s24+$0x0];
	v63 =	vadd.s32 v0, v5  }
0x1bc: {  	v15 =	vld [tilespmem:s25+$0x70]  }
0x1bd: {  	[tilespmem:v21+s17+$0x0] =	vst.idx.msk $0xffff, v20;
	v20 =	vadd.s32 v1, v8;
	v19 =	vld [tilespmem:s24+$0x50]  }
0x1be: {  	v23 =	vadd.s32 v1, v4;
	v21 =	vld [tilespmem:s24+$0xFFFFFF90];
	[tilespmem:v10+s17+$0x0] =	vst.idx.msk $0xffff, v9  }
0x1bf: {  	v25 =	vadd.s32 v3, v11;
	v24 =	vld [tilespmem:s25+$0xFFFFFFF0];
	[tilespmem:v18+s17+$0x0] =	vst.idx.msk $0xffff, v12  }
0x1c0: {  	v18 =	vadd.s32 v1, v7;
	v17 =	vld [tilespmem:s24+$0xFFFFFFD0];
	[tilespmem:v63+s17+$0x0] =	vst.idx.msk $0xffff, v14  }
0x1c1: {  	[tilespmem:v16+s17+$0x0] =	vst.idx.msk $0xffff, v15;
	v16 =	vadd.s32 v1, v5;
	v15 =	vld [tilespmem:s24+$0x10]  }
0x1c2: {  	[tilespmem:v20+s17+$0x0] =	vst.idx.msk $0xffff, v19;
	v11 =	vld [tilespmem:s25+$0x30];
	v14 =	vadd.s32 v3, v13  }
0x1c3: {  	v12 =	vadd.s32 v2, v8;
	[tilespmem:v23+s17+$0x0] =	vst.idx.msk $0xffff, v21;
	v9 =	vld [tilespmem:s24+$0x60]  }
0x1c4: {  	s0 =	simm.s32 $0xC;
	s26 =	simm.s32 $0x8;
	s1 =	simm.s32 $0xB;
	[tilespmem:v25+s17+$0x0] =	vst.idx.msk $0xffff, v24;
	v13 =	vadd.s32 v2, v4;
	v10 =	vld [tilespmem:s24+$0xFFFFFFA0]  }
.LBB2_16:
0x1c5: {  	p0 =	slt.u32 s0, $0x7C;
	v19 =	vmov s1;
	[tilespmem:v18+s17+$0x0] =	vst.idx.msk $0xffff, v17;
	v17 =	vld [tilespmem:s25+$0xFFFFFFB0];
	v18 =	vadd.s32 v3, v6;
	v6 =	vmov v4;
	s25 =	smov.u32 s24  }
0x1c6: {  	v4 =	vmov s26;
	v21 =	vadd.s32 v2, v7;
	s24 =	sadd.s32 $0x100, s24;
	v19 =	vand.u32 $0x7F, v19;
	v20 =	vld [tilespmem:s25+$0xFFFFFFE0];
	[tilespmem:v16+s17+$0x0] =	vst.idx.msk $0xffff, v15  }
0x1c7: {  	s1 =	sadd.s32 $0x1, s26;
	v4 =	vand.u32 $0x7C, v4;
	v15 =	vld [tilespmem:s24+$0x40];
	v16 =	vadd.s32 v0, v19;
	[tilespmem:v14+s17+$0x0] =	vst.idx.msk $0xffff, v11  }
0x1c8: {  	v22 =	vmov s1;
	s1 =	sadd.s32 $0x2, s26;
	s26 =	smov.u32 s0;
	v14 =	vadd.s32 v0, v4;
	v11 =	vld [tilespmem:s24+$0xFFFFFF80];
	[tilespmem:v12+s17+$0x0] =	vst.idx.msk $0xffff, v9  }
0x1c9: {  	v9 =	vand.u32 $0x7D, v22;
	v12 =	vmov s1;
	[tilespmem:v13+s17+$0x0] =	vst.idx.msk $0xffff, v10;
	v10 =	vld [tilespmem:s25+$0x70];
	v13 =	vadd.s32 v3, v8;
	v8 =	vmovc v19  }
0x1ca: {  	v22 =	vadd.s32 v0, v9;
	v12 =	vand.u32 $0x7E, v12;
	v19 =	vld [tilespmem:s24+$0xFFFFFFC0];
	[tilespmem:v18+s17+$0x0] =	vst.idx.msk $0xffff, v17  }
0x1cb: {  	v24 =	vadd.s32 v0, v12;
	v23 =	vld [tilespmem:s24+$0x0];
	[tilespmem:v21+s17+$0x0] =	vst.idx.msk $0xffff, v20  }
0x1cc: {  	v21 =	vadd.s32 v2, v5;
	[tilespmem:v16+s17+$0x0] =	vst.idx.msk $0xffff, v15;
	v20 =	vld [tilespmem:s25+$0x20]  }
0x1cd: {  	[tilespmem:v14+s17+$0x0] =	vst.idx.msk $0xffff, v11;
	v11 =	vld [tilespmem:s24+$0x50];
	v14 =	vadd.s32 v1, v8  }
0x1ce: {  	v26 =	vadd.s32 v1, v4;
	v25 =	vld [tilespmem:s24+$0xFFFFFF90];
	[tilespmem:v13+s17+$0x0] =	vst.idx.msk $0xffff, v10  }
0x1cf: {  	[tilespmem:v22+s17+$0x0] =	vst.idx.msk $0xffff, v19;
	v19 =	vld [tilespmem:s25+$0xFFFFFFF0];
	v22 =	vadd.s32 v3, v7;
	v7 =	vmov v9  }
.Ltmp7:
0x1d0: {  	v17 =	vld [tilespmem:s24+$0xFFFFFFD0];
	v18 =	vadd.s32 v1, v7;
	[tilespmem:v24+s17+$0x0] =	vst.idx.msk $0xffff, v23;
	(pc) =	sbr.rel @p0 .LBB2_16-.Ltmp7, $4  }
0x1d1: {  	v16 =	vadd.s32 v1, v12;
	v15 =	vld [tilespmem:s24+$0x10];
	[tilespmem:v21+s17+$0x0] =	vst.idx.msk $0xffff, v20  }
0x1d2: {  	[tilespmem:v14+s17+$0x0] =	vst.idx.msk $0xffff, v11;
	v11 =	vld [tilespmem:s25+$0x30];
	v14 =	vadd.s32 v3, v5;
	v5 =	vmov v12  }
0x1d3: {  	v12 =	vadd.s32 v2, v8;
	[tilespmem:v26+s17+$0x0] =	vst.idx.msk $0xffff, v25;
	v9 =	vld [tilespmem:s24+$0x60]  }
0x1d4: {  	s0 =	sadd.s32 $0x4, s0;
	s1 =	sadd.s32 $0x3, s26;
	v13 =	vadd.s32 v2, v4;
	v10 =	vld [tilespmem:s24+$0xFFFFFFA0];
	[tilespmem:v22+s17+$0x0] =	vst.idx.msk $0xffff, v19  }
0x1d5: {  	_ =	sdelay $0x2  }
0x1d6: {  	v19 =	vmov s1  }
0x1d7: {  	s13 =	sadd.s32 $0x1, s26;
	[tilespmem:v18+s17+$0x0] =	vst.idx.msk $0xffff, v17;
	v30 =	vld [tilespmem:s25+$0xFFFFFFB0];
	v6 =	vadd.s32 v3, v6;
	s0 =	sadd.s32 $0x100, s24;
	v21 =	vmov s26;
	v31 =	vand.u32 $0x7F, v19  }
0x1d8: {  	s25 =	sadd.s32 $0x2, s26;
	v32 =	vmov s13;
	[tilespmem:v16+s17+$0x0] =	vst.idx.msk $0xffff, v15;
	v33 =	vld [tilespmem:s0+$0x40];
	v21 =	vand.u32 $0x7C, v21;
	v34 =	vadd.s32 v0, v31  }
0x1d9: {  	v20 =	vmov s25;
	v22 =	vld [tilespmem:s0+$0xFFFFFF80];
	v19 =	vand.u32 $0x7D, v32;
	[tilespmem:v14+s17+$0x0] =	vst.idx.msk $0xffff, v11;
	v39 =	vadd.s32 v0, v21  }
0x1da: {  	v35 =	vld [tilespmem:s0+$0xFFFFFFC0];
	v20 =	vand.u32 $0x7E, v20;
	v36 =	vadd.s32 v0, v19;
	[tilespmem:v12+s17+$0x0] =	vst.idx.msk $0xffff, v9  }
0x1db: {  	v37 =	vld [tilespmem:s0+$0x0];
	v38 =	vadd.s32 v0, v20;
	[tilespmem:v13+s17+$0x0] =	vst.idx.msk $0xffff, v10  }
0x1dc: {  	v41 =	vadd.s32 v2, v7;
	v40 =	vld [tilespmem:s24+$0xFFFFFFE0];
	[tilespmem:v6+s17+$0x0] =	vst.idx.msk $0xffff, v30  }
0x1dd: {  	v49 =	vadd.s32 v2, v5;
	v48 =	vld [tilespmem:s24+$0x20];
	[tilespmem:v34+s17+$0x0] =	vst.idx.msk $0xffff, v33  }
0x1de: {  	v43 =	vadd.s32 v1, v31;
	[tilespmem:v39+s17+$0x0] =	vst.idx.msk $0xffff, v22;
	v15 =	vld [tilespmem:s0+$0x50]  }
0x1df: {  	v47 =	vadd.s32 v1, v21;
	[tilespmem:v36+s17+$0x0] =	vst.idx.msk $0xffff, v35;
	v46 =	vld [tilespmem:s0+$0xFFFFFF90]  }
0x1e0: {  	v44 =	vadd.s32 v1, v19;
	[tilespmem:v38+s17+$0x0] =	vst.idx.msk $0xffff, v37;
	v11 =	vld [tilespmem:s0+$0xFFFFFFD0]  }
0x1e1: {  	v45 =	vadd.s32 v1, v20;
	[tilespmem:v41+s17+$0x0] =	vst.idx.msk $0xffff, v40;
	v9 =	vld [tilespmem:s0+$0x10]  }
0x1e2: {  	v8 =	vadd.s32 v3, v8;
	v42 =	vld [tilespmem:s24+$0x70];
	[tilespmem:v49+s17+$0x0] =	vst.idx.msk $0xffff, v48  }
0x1e3: {  	v5 =	vadd.s32 v3, v5;
	v13 =	vld [tilespmem:s24+$0x30];
	[tilespmem:v43+s17+$0x0] =	vst.idx.msk $0xffff, v15  }
0x1e4: {  	v52 =	vadd.s32 v2, v31;
	[tilespmem:v47+s17+$0x0] =	vst.idx.msk $0xffff, v46;
	v15 =	vld [tilespmem:s0+$0x60]  }
0x1e5: {  	v57 =	vadd.s32 v2, v21;
	[tilespmem:v44+s17+$0x0] =	vst.idx.msk $0xffff, v11;
	v56 =	vld [tilespmem:s0+$0xFFFFFFA0]  }
0x1e6: {  	v53 =	vadd.s32 v2, v19;
	[tilespmem:v45+s17+$0x0] =	vst.idx.msk $0xffff, v9;
	v11 =	vld [tilespmem:s0+$0xFFFFFFE0]  }
0x1e7: {  	v55 =	vadd.s32 v2, v20;
	[tilespmem:v8+s17+$0x0] =	vst.idx.msk $0xffff, v42;
	v54 =	vld [tilespmem:s0+$0x20]  }
0x1e8: {  	v4 =	vadd.s32 v3, v4;
	v58 =	vld [tilespmem:s24+$0xFFFFFFB0];
	[tilespmem:v5+s17+$0x0] =	vst.idx.msk $0xffff, v13  }
0x1e9: {  	v51 =	vadd.s32 v3, v7;
	v50 =	vld [tilespmem:s24+$0xFFFFFFF0];
	[tilespmem:v52+s17+$0x0] =	vst.idx.msk $0xffff, v15  }
0x1ea: {  	v60 =	vadd.s32 v3, v31;
	[tilespmem:v57+s17+$0x0] =	vst.idx.msk $0xffff, v56;
	v59 =	vld [tilespmem:s0+$0x70]  }
0x1eb: {  	v63 =	vadd.s32 v3, v21;
	[tilespmem:v53+s17+$0x0] =	vst.idx.msk $0xffff, v11;
	v5 =	vld [tilespmem:s0+$0xFFFFFFB0]  }
0x1ec: {  	v61 =	vadd.s32 v3, v19;
	[tilespmem:v55+s17+$0x0] =	vst.idx.msk $0xffff, v54;
	v11 =	vld [tilespmem:s0+$0xFFFFFFF0]  }
0x1ed: {  	v62 =	vadd.s32 v3, v20;
	[tilespmem:v4+s17+$0x0] =	vst.idx.msk $0xffff, v58;
	v6 =	vld [tilespmem:s0+$0x30]  }
0x1ee: {  	[tilespmem:v51+s17+$0x0] =	vst.idx.msk $0xffff, v50  }
0x1ef: {  	[tilespmem:v60+s17+$0x0] =	vst.idx.msk $0xffff, v59  }
0x1f0: {  	[tilespmem:v63+s17+$0x0] =	vst.idx.msk $0xffff, v5  }
0x1f1: {  	[tilespmem:v61+s17+$0x0] =	vst.idx.msk $0xffff, v11  }
0x1f2: {  	s26 =	simm.s32 $0xC400;
	[tilespmem:v62+s17+$0x0] =	vst.idx.msk $0xffff, v6  }
0x1f3: {  	[hbm4b:s7+s2] =	stream.linear.scatter [tilespmem:s26], [sflag:$0x4], $0x80, $0x38;
	[tilespmem:$0x10800] =	vst v63  }
0x1f4: {  	s28 =	simm.s32 $0xC488;
	s29 =	sadd.s32 $0x10, s7  }
0x1f5: {  	[hbm4b:s29+s2] =	stream.linear.scatter [tilespmem:s28], [sflag:$0x4], $0x80, $0x38;
	[tilespmem:$0x10800] =	vst v63  }
0x1f6: {  	s30 =	simm.s32 $0xC510;
	s31 =	sadd.s32 $0x20, s7;
	s1 =	sadd.s32 $0x1000, s7  }
0x1f7: {  	[hbm4b:s31+s2] =	stream.linear.scatter [tilespmem:s30], [sflag:$0x4], $0x80, $0x38;
	[tilespmem:$0x10800] =	vst v63  }
0x1f8: {  	s13 =	simm.s32 $0xC598;
	s25 =	simm.s32 $0xC620;
	s24 =	sadd.s32 $0x30, s7  }
0x1f9: {  	[hbm4b:s24+s2] =	stream.linear.scatter [tilespmem:s13], [sflag:$0x4], $0x80, $0x38;
	[tilespmem:$0x10800] =	vst v63  }
0x1fa: {  	s0 =	simm.s32 $0x440;
	s26 =	sadd.s32 $0x40, s7;
	s28 =	simm.s32 $0xC6A8  }
0x1fb: {  	[hbm4b:s26+s2] =	stream.linear.scatter [tilespmem:s25], [sflag:$0x4], $0x80, $0x38;
	[tilespmem:$0x10800] =	vst v63  }
0x1fc: {  	s29 =	sadd.s32 $0x50, s7;
	s30 =	simm.s32 $0xC730;
	s31 =	sadd.s32 $0x60, s7  }
0x1fd: {  	[hbm4b:s29+s2] =	stream.linear.scatter [tilespmem:s28], [sflag:$0x4], $0x80, $0x38;
	[tilespmem:$0x10800] =	vst v63  }
0x1fe: {  	s24 =	simm.s32 $0x2200;
	s13 =	simm.s32 $0xC7B8;
	s25 =	sadd.s32 $0x70, s7  }
0x1ff: {  	[hbm4b:s31+s2] =	stream.linear.scatter [tilespmem:s30], [sflag:$0x4], $0x80, $0x38;
	[tilespmem:$0x10800] =	vst v63  }
.LBB2_18:
0x200: {  	[hbm4b:s25+s2] =	stream.linear.scatter [tilespmem:s13], [sflag:$0x4], $0x80, $0x38;
	[tilespmem:$0x10800] =	vst v63  }
0x201: {  	s13 =	smov.u32 s0;
	s0 =	smov.u32 s24  }
0x202: {  	s26 =	sadd.s32 $0x1100, s24;
	s0 =	sshra.s32 s0, $0x2;
	s25 =	sadd.s32 $0xC400, s13  }
0x203: {  	[hbm4b:s1+s2] =	stream.linear.scatter [tilespmem:s25], [sflag:$0x4], $0x80, $0x38;
	[tilespmem:$0x10800] =	vst v63  }
0x204: {  	p0 =	sne.s32 s24, $0x7700;
	s24 =	sadd.s32 $0xC488, s13;
	s25 =	sadd.s32 $0x10, s1  }
0x205: {  	[hbm4b:s25+s2] =	stream.linear.scatter [tilespmem:s24], [sflag:$0x4], $0x80, $0x38;
	[tilespmem:$0x10800] =	vst v63  }
0x206: {  	s24 =	sadd.s32 $0xC510, s13;
	s25 =	sadd.s32 $0x20, s1  }
0x207: {  	[hbm4b:s25+s2] =	stream.linear.scatter [tilespmem:s24], [sflag:$0x4], $0x80, $0x38;
	[tilespmem:$0x10800] =	vst v63  }
0x208: {  	s24 =	sadd.s32 $0xC598, s13;
	s25 =	sadd.s32 $0x30, s1  }
0x209: {  	[hbm4b:s25+s2] =	stream.linear.scatter [tilespmem:s24], [sflag:$0x4], $0x80, $0x38;
	[tilespmem:$0x10800] =	vst v63  }
0x20a: {  	s24 =	sadd.s32 $0xC620, s13;
	s25 =	sadd.s32 $0x40, s1  }
0x20b: {  	[hbm4b:s25+s2] =	stream.linear.scatter [tilespmem:s24], [sflag:$0x4], $0x80, $0x38;
	[tilespmem:$0x10800] =	vst v63  }
.Ltmp8:
0x20c: {  	s24 =	sadd.s32 $0xC6A8, s13;
	s25 =	sadd.s32 $0x50, s1;
	(pc) =	sbr.rel @p0 .LBB2_18-.Ltmp8, $4  }
0x20d: {  	[hbm4b:s25+s2] =	stream.linear.scatter [tilespmem:s24], [sflag:$0x4], $0x80, $0x38;
	[tilespmem:$0x10800] =	vst v63  }
0x20e: {  	s24 =	sadd.s32 $0xC730, s13;
	s25 =	sadd.s32 $0x60, s1;
	s13 =	sadd.s32 $0xC7B8, s13  }
0x20f: {  	[hbm4b:s25+s2] =	stream.linear.scatter [tilespmem:s24], [sflag:$0x4], $0x80, $0x38;
	[tilespmem:$0x10800] =	vst v63  }
0x210: {  	s25 =	sadd.s32 $0x70, s1;
	s1 =	sadd.s32 $0x1000, s1;
	s24 =	smov.u32 s26  }
0x211: {  	[hbm4b:s25+s2] =	stream.linear.scatter [tilespmem:s13], [sflag:$0x4], $0x80, $0x38;
	[tilespmem:$0x10800] =	vst v63  }
0x212: {  	s30 =	sadd.s32 $0xC400, s0  }
0x213: {  	[hbm4b:s1+s2] =	stream.linear.scatter [tilespmem:s30], [sflag:$0x4], $0x80, $0x38;
	[tilespmem:$0x10800] =	vst v63  }
0x214: {  	s31 =	sadd.s32 $0xC488, s0;
	s24 =	sadd.s32 $0x10, s1  }
0x215: {  	[hbm4b:s24+s2] =	stream.linear.scatter [tilespmem:s31], [sflag:$0x4], $0x80, $0x38;
	[tilespmem:$0x10800] =	vst v63  }
0x216: {  	s25 =	sadd.s32 $0xC510, s0;
	s26 =	sadd.s32 $0x20, s1  }
0x217: {  	[hbm4b:s26+s2] =	stream.linear.scatter [tilespmem:s25], [sflag:$0x4], $0x80, $0x38;
	[tilespmem:$0x10800] =	vst v63  }
0x218: {  	s28 =	sadd.s32 $0xC598, s0;
	s29 =	sadd.s32 $0x30, s1  }
0x219: {  	[hbm4b:s29+s2] =	stream.linear.scatter [tilespmem:s28], [sflag:$0x4], $0x80, $0x38;
	[tilespmem:$0x10800] =	vst v63  }
0x21a: {  	s30 =	sadd.s32 $0xC620, s0;
	s31 =	sadd.s32 $0x40, s1  }
0x21b: {  	[hbm4b:s31+s2] =	stream.linear.scatter [tilespmem:s30], [sflag:$0x4], $0x80, $0x38;
	[tilespmem:$0x10800] =	vst v63  }
0x21c: {  	s25 =	sadd.s32 $0xC6A8, s0;
	s26 =	sadd.s32 $0x50, s1  }
0x21d: {  	[hbm4b:s26+s2] =	stream.linear.scatter [tilespmem:s25], [sflag:$0x4], $0x80, $0x38;
	[tilespmem:$0x10800] =	vst v63  }
0x21e: {  	s28 =	sadd.s32 $0xC730, s0;
	s29 =	sadd.s32 $0x60, s1  }
0x21f: {  	[hbm4b:s29+s2] =	stream.linear.scatter [tilespmem:s28], [sflag:$0x4], $0x80, $0x38;
	[tilespmem:$0x10800] =	vst v63  }
0x220: {  	s30 =	sadd.s32 $0xC7B8, s0;
	s31 =	sadd.s32 $0x70, s1  }
0x221: {  	[hbm4b:s31+s2] =	stream.linear.scatter [tilespmem:s30], [sflag:$0x4], $0x80, $0x38;
	[tilespmem:$0x10800] =	vst v63  }
0x222: {  	_ =	swait.ge [sflag:s18], $0x2000  }
0x223: {  	[sflag:s18] =	ssyncset.done $0x0  }
0x224: {  	[sflag:s18] =	ssyncadd.s32 $0xFFFFE000  }
0x225: {  	s1 =	simm.s32 $0x3;
	_ =	swait.ge [sflag:s22], $0x2000  }
0x226: {  	s13 =	simm.s32 $0x0;
	v4 =	vmov s1;
	[sflag:s22] =	ssyncset.done $0x0  }
0x227: {  	s24 =	simm.s32 $0x1;
	s25 =	simm.s32 $0x84F0;
	v5 =	vand.u32 $0x7F, v4;
	v4 =	vmov s13;
	[sflag:s22] =	ssyncadd.s32 $0xFFFFE000  }
0x228: {  	v8 =	vadd.s32 v0, v5;
	v6 =	vand.u32 $0x7C, v4;
	v4 =	vmov s24;
	v7 =	vld [tilespmem:s25+$0xFFFFFFD0]  }
0x229: {  	v10 =	vadd.s32 v0, v6;
	v11 =	vand.u32 $0x7D, v4;
	v9 =	vld [tilespmem:s25+$0xFFFFFF10]  }
0x22a: {  	s26 =	simm.s32 $0x2;
	v12 =	vadd.s32 v0, v11;
	v4 =	vld [tilespmem:s25+$0xFFFFFF50]  }
0x22b: {  	v13 =	vmov s26  }
0x22c: {  	v13 =	vand.u32 $0x7E, v13  }
0x22d: {  	v15 =	vadd.s32 v0, v13;
	v14 =	vld [tilespmem:s25+$0xFFFFFF90];
	[tilespmem:v8+s20+$0x0] =	vst.idx.msk $0xffff, v7  }
0x22e: {  	v8 =	vadd.s32 v1, v5;
	[tilespmem:v10+s20+$0x0] =	vst.idx.msk $0xffff, v9;
	v7 =	vld [tilespmem:s25+$0xFFFFFFE0]  }
0x22f: {  	v10 =	vadd.s32 v1, v6;
	[tilespmem:v12+s20+$0x0] =	vst.idx.msk $0xffff, v4;
	v9 =	vld [tilespmem:s25+$0xFFFFFF20]  }
0x230: {  	v12 =	vadd.s32 v1, v11;
	v4 =	vld [tilespmem:s25+$0xFFFFFF60];
	_ =	sdelay $0x1  }
0x231: {  	[tilespmem:v15+s20+$0x0] =	vst.idx.msk $0xffff, v14  }
0x232: {  	v16 =	vadd.s32 v1, v13;
	v15 =	vld [tilespmem:s25+$0xFFFFFFA0];
	[tilespmem:v8+s20+$0x0] =	vst.idx.msk $0xffff, v7  }
0x233: {  	s28 =	simm.s32 $0x7;
	v14 =	vadd.s32 v2, v5;
	[tilespmem:v10+s20+$0x0] =	vst.idx.msk $0xffff, v9;
	v7 =	vld [tilespmem:s25+$0xFFFFFFF0]  }
0x234: {  	v10 =	vadd.s32 v2, v6;
	v8 =	vmov s28;
	[tilespmem:v12+s20+$0x0] =	vst.idx.msk $0xffff, v4;
	v9 =	vld [tilespmem:s25+$0xFFFFFF30]  }
0x235: {  	s24 =	simm.s32 $0x85F0;
	v17 =	vadd.s32 v2, v11;
	v8 =	vand.u32 $0x7F, v8;
	v12 =	vld [tilespmem:s25+$0xFFFFFF70]  }
0x236: {  	s29 =	simm.s32 $0x4;
	v18 =	vld [tilespmem:s24+$0xFFFFFFD0];
	v19 =	vadd.s32 v0, v8  }
0x237: {  	s30 =	simm.s32 $0x5;
	v4 =	vmov s29;
	[tilespmem:v16+s20+$0x0] =	vst.idx.msk $0xffff, v15  }
0x238: {  	v22 =	vmov s30;
	v4 =	vand.u32 $0x7C, v4;
	[tilespmem:v14+s20+$0x0] =	vst.idx.msk $0xffff, v7  }
0x239: {  	s31 =	simm.s32 $0x6;
	v20 =	vld [tilespmem:s24+$0xFFFFFF10];
	v21 =	vadd.s32 v0, v4;
	v7 =	vand.u32 $0x7D, v22;
	[tilespmem:v10+s20+$0x0] =	vst.idx.msk $0xffff, v9  }
0x23a: {  	v14 =	vmov s31;
	v9 =	vld [tilespmem:s24+$0xFFFFFF50];
	[tilespmem:v17+s20+$0x0] =	vst.idx.msk $0xffff, v12;
	v10 =	vadd.s32 v0, v7  }
0x23b: {  	v16 =	vadd.s32 v3, v5;
	v12 =	vld [tilespmem:s25+$0xFFFFFFB0];
	v5 =	vand.u32 $0x7E, v14;
	[tilespmem:v19+s20+$0x0] =	vst.idx.msk $0xffff, v18;
	v18 =	vadd.s32 v2, v13  }
0x23c: {  	v14 =	vld [tilespmem:s24+$0xFFFFFF90];
	v63 =	vadd.s32 v0, v5  }
0x23d: {  	v15 =	vld [tilespmem:s25+$0x0]  }
0x23e: {  	[tilespmem:v21+s20+$0x0] =	vst.idx.msk $0xffff, v20;
	v20 =	vadd.s32 v1, v8;
	v19 =	vld [tilespmem:s24+$0xFFFFFFE0]  }
0x23f: {  	v23 =	vadd.s32 v1, v4;
	v21 =	vld [tilespmem:s24+$0xFFFFFF20];
	[tilespmem:v10+s20+$0x0] =	vst.idx.msk $0xffff, v9  }
0x240: {  	v25 =	vadd.s32 v3, v11;
	v24 =	vld [tilespmem:s25+$0xFFFFFF80];
	[tilespmem:v18+s20+$0x0] =	vst.idx.msk $0xffff, v12  }
0x241: {  	v18 =	vadd.s32 v1, v7;
	v17 =	vld [tilespmem:s24+$0xFFFFFF60];
	[tilespmem:v63+s20+$0x0] =	vst.idx.msk $0xffff, v14  }
0x242: {  	[tilespmem:v16+s20+$0x0] =	vst.idx.msk $0xffff, v15;
	v16 =	vadd.s32 v1, v5;
	v15 =	vld [tilespmem:s24+$0xFFFFFFA0]  }
0x243: {  	[tilespmem:v20+s20+$0x0] =	vst.idx.msk $0xffff, v19;
	v11 =	vld [tilespmem:s25+$0xFFFFFFC0];
	v14 =	vadd.s32 v3, v13  }
0x244: {  	v12 =	vadd.s32 v2, v8;
	[tilespmem:v23+s20+$0x0] =	vst.idx.msk $0xffff, v21;
	v9 =	vld [tilespmem:s24+$0xFFFFFFF0]  }
0x245: {  	s0 =	simm.s32 $0xC;
	s1 =	simm.s32 $0xB;
	s26 =	simm.s32 $0x8;
	[tilespmem:v25+s20+$0x0] =	vst.idx.msk $0xffff, v24;
	v13 =	vadd.s32 v2, v4;
	v10 =	vld [tilespmem:s24+$0xFFFFFF30]  }
.LBB2_20:
0x246: {  	p0 =	slt.u32 s0, $0x7C;
	v19 =	vmov s1;
	[tilespmem:v18+s20+$0x0] =	vst.idx.msk $0xffff, v17;
	v17 =	vld [tilespmem:s25+$0xFFFFFF40];
	v18 =	vadd.s32 v3, v6;
	v6 =	vmov v4;
	s25 =	smov.u32 s24  }
0x247: {  	v4 =	vmov s26;
	v21 =	vadd.s32 v2, v7;
	s24 =	sadd.s32 $0x100, s24;
	v19 =	vand.u32 $0x7F, v19;
	v20 =	vld [tilespmem:s25+$0xFFFFFF70];
	[tilespmem:v16+s20+$0x0] =	vst.idx.msk $0xffff, v15  }
0x248: {  	s1 =	sadd.s32 $0x1, s26;
	v4 =	vand.u32 $0x7C, v4;
	v15 =	vld [tilespmem:s24+$0xFFFFFFD0];
	v16 =	vadd.s32 v0, v19;
	[tilespmem:v14+s20+$0x0] =	vst.idx.msk $0xffff, v11  }
0x249: {  	v22 =	vmov s1;
	s1 =	sadd.s32 $0x2, s26;
	s26 =	smov.u32 s0;
	v14 =	vadd.s32 v0, v4;
	v11 =	vld [tilespmem:s24+$0xFFFFFF10];
	[tilespmem:v12+s20+$0x0] =	vst.idx.msk $0xffff, v9  }
0x24a: {  	v9 =	vand.u32 $0x7D, v22;
	v12 =	vmov s1;
	[tilespmem:v13+s20+$0x0] =	vst.idx.msk $0xffff, v10;
	v10 =	vld [tilespmem:s25+$0x0];
	v13 =	vadd.s32 v3, v8;
	v8 =	vmovc v19  }
0x24b: {  	v22 =	vadd.s32 v0, v9;
	v12 =	vand.u32 $0x7E, v12;
	v19 =	vld [tilespmem:s24+$0xFFFFFF50];
	[tilespmem:v18+s20+$0x0] =	vst.idx.msk $0xffff, v17  }
0x24c: {  	v24 =	vadd.s32 v0, v12;
	v23 =	vld [tilespmem:s24+$0xFFFFFF90];
	[tilespmem:v21+s20+$0x0] =	vst.idx.msk $0xffff, v20  }
0x24d: {  	v21 =	vadd.s32 v2, v5;
	[tilespmem:v16+s20+$0x0] =	vst.idx.msk $0xffff, v15;
	v20 =	vld [tilespmem:s25+$0xFFFFFFB0]  }
0x24e: {  	[tilespmem:v14+s20+$0x0] =	vst.idx.msk $0xffff, v11;
	v11 =	vld [tilespmem:s24+$0xFFFFFFE0];
	v14 =	vadd.s32 v1, v8  }
0x24f: {  	v26 =	vadd.s32 v1, v4;
	v25 =	vld [tilespmem:s24+$0xFFFFFF20];
	[tilespmem:v13+s20+$0x0] =	vst.idx.msk $0xffff, v10  }
0x250: {  	[tilespmem:v22+s20+$0x0] =	vst.idx.msk $0xffff, v19;
	v19 =	vld [tilespmem:s25+$0xFFFFFF80];
	v22 =	vadd.s32 v3, v7;
	v7 =	vmov v9  }
.Ltmp9:
0x251: {  	v17 =	vld [tilespmem:s24+$0xFFFFFF60];
	v18 =	vadd.s32 v1, v7;
	[tilespmem:v24+s20+$0x0] =	vst.idx.msk $0xffff, v23;
	(pc) =	sbr.rel @p0 .LBB2_20-.Ltmp9, $4  }
0x252: {  	v16 =	vadd.s32 v1, v12;
	v15 =	vld [tilespmem:s24+$0xFFFFFFA0];
	[tilespmem:v21+s20+$0x0] =	vst.idx.msk $0xffff, v20  }
0x253: {  	[tilespmem:v14+s20+$0x0] =	vst.idx.msk $0xffff, v11;
	v11 =	vld [tilespmem:s25+$0xFFFFFFC0];
	v14 =	vadd.s32 v3, v5;
	v5 =	vmov v12  }
0x254: {  	v12 =	vadd.s32 v2, v8;
	[tilespmem:v26+s20+$0x0] =	vst.idx.msk $0xffff, v25;
	v9 =	vld [tilespmem:s24+$0xFFFFFFF0]  }
0x255: {  	s0 =	sadd.s32 $0x4, s0;
	s1 =	sadd.s32 $0x3, s26;
	v13 =	vadd.s32 v2, v4;
	v10 =	vld [tilespmem:s24+$0xFFFFFF30];
	[tilespmem:v22+s20+$0x0] =	vst.idx.msk $0xffff, v19  }
0x256: {  	_ =	sdelay $0x2  }
0x257: {  	v19 =	vmov s1  }
0x258: {  	s13 =	sadd.s32 $0x1, s26;
	[tilespmem:v18+s20+$0x0] =	vst.idx.msk $0xffff, v17;
	v30 =	vld [tilespmem:s25+$0xFFFFFF40];
	v6 =	vadd.s32 v3, v6;
	s0 =	sadd.s32 $0x100, s24;
	v21 =	vmov s26;
	v31 =	vand.u32 $0x7F, v19  }
0x259: {  	s25 =	sadd.s32 $0x2, s26;
	v32 =	vmov s13;
	[tilespmem:v16+s20+$0x0] =	vst.idx.msk $0xffff, v15;
	v33 =	vld [tilespmem:s0+$0xFFFFFFD0];
	v21 =	vand.u32 $0x7C, v21;
	v34 =	vadd.s32 v0, v31  }
0x25a: {  	v20 =	vmov s25;
	v22 =	vld [tilespmem:s0+$0xFFFFFF10];
	v19 =	vand.u32 $0x7D, v32;
	[tilespmem:v14+s20+$0x0] =	vst.idx.msk $0xffff, v11;
	v39 =	vadd.s32 v0, v21  }
0x25b: {  	v35 =	vld [tilespmem:s0+$0xFFFFFF50];
	v20 =	vand.u32 $0x7E, v20;
	v36 =	vadd.s32 v0, v19;
	[tilespmem:v12+s20+$0x0] =	vst.idx.msk $0xffff, v9  }
0x25c: {  	v37 =	vld [tilespmem:s0+$0xFFFFFF90];
	v38 =	vadd.s32 v0, v20;
	[tilespmem:v13+s20+$0x0] =	vst.idx.msk $0xffff, v10  }
0x25d: {  	v41 =	vadd.s32 v2, v7;
	v40 =	vld [tilespmem:s24+$0xFFFFFF70];
	[tilespmem:v6+s20+$0x0] =	vst.idx.msk $0xffff, v30  }
0x25e: {  	v49 =	vadd.s32 v2, v5;
	v48 =	vld [tilespmem:s24+$0xFFFFFFB0];
	[tilespmem:v34+s20+$0x0] =	vst.idx.msk $0xffff, v33  }
0x25f: {  	v43 =	vadd.s32 v1, v31;
	[tilespmem:v39+s20+$0x0] =	vst.idx.msk $0xffff, v22;
	v15 =	vld [tilespmem:s0+$0xFFFFFFE0]  }
0x260: {  	v47 =	vadd.s32 v1, v21;
	[tilespmem:v36+s20+$0x0] =	vst.idx.msk $0xffff, v35;
	v46 =	vld [tilespmem:s0+$0xFFFFFF20]  }
0x261: {  	v44 =	vadd.s32 v1, v19;
	[tilespmem:v38+s20+$0x0] =	vst.idx.msk $0xffff, v37;
	v11 =	vld [tilespmem:s0+$0xFFFFFF60]  }
0x262: {  	v45 =	vadd.s32 v1, v20;
	[tilespmem:v41+s20+$0x0] =	vst.idx.msk $0xffff, v40;
	v9 =	vld [tilespmem:s0+$0xFFFFFFA0]  }
0x263: {  	v8 =	vadd.s32 v3, v8;
	v42 =	vld [tilespmem:s24+$0x0];
	[tilespmem:v49+s20+$0x0] =	vst.idx.msk $0xffff, v48  }
0x264: {  	v5 =	vadd.s32 v3, v5;
	v13 =	vld [tilespmem:s24+$0xFFFFFFC0];
	[tilespmem:v43+s20+$0x0] =	vst.idx.msk $0xffff, v15  }
0x265: {  	v52 =	vadd.s32 v2, v31;
	[tilespmem:v47+s20+$0x0] =	vst.idx.msk $0xffff, v46;
	v15 =	vld [tilespmem:s0+$0xFFFFFFF0]  }
0x266: {  	v57 =	vadd.s32 v2, v21;
	[tilespmem:v44+s20+$0x0] =	vst.idx.msk $0xffff, v11;
	v56 =	vld [tilespmem:s0+$0xFFFFFF30]  }
0x267: {  	v53 =	vadd.s32 v2, v19;
	[tilespmem:v45+s20+$0x0] =	vst.idx.msk $0xffff, v9;
	v11 =	vld [tilespmem:s0+$0xFFFFFF70]  }
0x268: {  	v55 =	vadd.s32 v2, v20;
	[tilespmem:v8+s20+$0x0] =	vst.idx.msk $0xffff, v42;
	v54 =	vld [tilespmem:s0+$0xFFFFFFB0]  }
0x269: {  	v4 =	vadd.s32 v3, v4;
	v58 =	vld [tilespmem:s24+$0xFFFFFF40];
	[tilespmem:v5+s20+$0x0] =	vst.idx.msk $0xffff, v13  }
0x26a: {  	v51 =	vadd.s32 v3, v7;
	v50 =	vld [tilespmem:s24+$0xFFFFFF80];
	[tilespmem:v52+s20+$0x0] =	vst.idx.msk $0xffff, v15  }
0x26b: {  	v60 =	vadd.s32 v3, v31;
	[tilespmem:v57+s20+$0x0] =	vst.idx.msk $0xffff, v56;
	v59 =	vld [tilespmem:s0+$0x0]  }
0x26c: {  	v63 =	vadd.s32 v3, v21;
	[tilespmem:v53+s20+$0x0] =	vst.idx.msk $0xffff, v11;
	v5 =	vld [tilespmem:s0+$0xFFFFFF40]  }
0x26d: {  	v61 =	vadd.s32 v3, v19;
	[tilespmem:v55+s20+$0x0] =	vst.idx.msk $0xffff, v54;
	v11 =	vld [tilespmem:s0+$0xFFFFFF80]  }
0x26e: {  	v62 =	vadd.s32 v3, v20;
	[tilespmem:v4+s20+$0x0] =	vst.idx.msk $0xffff, v58;
	v6 =	vld [tilespmem:s0+$0xFFFFFFC0]  }
0x26f: {  	[tilespmem:v51+s20+$0x0] =	vst.idx.msk $0xffff, v50  }
0x270: {  	[tilespmem:v60+s20+$0x0] =	vst.idx.msk $0xffff, v59  }
0x271: {  	[tilespmem:v63+s20+$0x0] =	vst.idx.msk $0xffff, v5  }
0x272: {  	[tilespmem:v61+s20+$0x0] =	vst.idx.msk $0xffff, v11  }
0x273: {  	s26 =	simm.s32 $0xE600;
	[tilespmem:v62+s20+$0x0] =	vst.idx.msk $0xffff, v6  }
0x274: {  	[hbm4b:s8+s2] =	stream.linear.scatter [tilespmem:s26], [sflag:$0x5], $0x80, $0x38;
	[tilespmem:$0x10800] =	vst v63  }
0x275: {  	s28 =	simm.s32 $0xE688;
	s29 =	sadd.s32 $0x10, s8  }
0x276: {  	[hbm4b:s29+s2] =	stream.linear.scatter [tilespmem:s28], [sflag:$0x5], $0x80, $0x38;
	[tilespmem:$0x10800] =	vst v63  }
0x277: {  	s30 =	simm.s32 $0xE710;
	s31 =	sadd.s32 $0x20, s8;
	s1 =	sadd.s32 $0x1000, s8  }
0x278: {  	[hbm4b:s31+s2] =	stream.linear.scatter [tilespmem:s30], [sflag:$0x5], $0x80, $0x38;
	[tilespmem:$0x10800] =	vst v63  }
0x279: {  	s13 =	simm.s32 $0xE798;
	s25 =	simm.s32 $0xE820;
	s24 =	sadd.s32 $0x30, s8  }
0x27a: {  	[hbm4b:s24+s2] =	stream.linear.scatter [tilespmem:s13], [sflag:$0x5], $0x80, $0x38;
	[tilespmem:$0x10800] =	vst v63  }
0x27b: {  	s0 =	simm.s32 $0x440;
	s26 =	sadd.s32 $0x40, s8;
	s28 =	simm.s32 $0xE8A8  }
0x27c: {  	[hbm4b:s26+s2] =	stream.linear.scatter [tilespmem:s25], [sflag:$0x5], $0x80, $0x38;
	[tilespmem:$0x10800] =	vst v63  }
0x27d: {  	s29 =	sadd.s32 $0x50, s8;
	s30 =	simm.s32 $0xE930;
	s31 =	sadd.s32 $0x60, s8  }
0x27e: {  	[hbm4b:s29+s2] =	stream.linear.scatter [tilespmem:s28], [sflag:$0x5], $0x80, $0x38;
	[tilespmem:$0x10800] =	vst v63  }
0x27f: {  	s24 =	simm.s32 $0x2200;
	s13 =	simm.s32 $0xE9B8;
	s25 =	sadd.s32 $0x70, s8  }
0x280: {  	[hbm4b:s31+s2] =	stream.linear.scatter [tilespmem:s30], [sflag:$0x5], $0x80, $0x38;
	[tilespmem:$0x10800] =	vst v63  }
.LBB2_22:
0x281: {  	[hbm4b:s25+s2] =	stream.linear.scatter [tilespmem:s13], [sflag:$0x5], $0x80, $0x38;
	[tilespmem:$0x10800] =	vst v63  }
0x282: {  	s13 =	smov.u32 s0;
	s0 =	smov.u32 s24  }
0x283: {  	s26 =	sadd.s32 $0x1100, s24;
	s0 =	sshra.s32 s0, $0x2;
	s25 =	sadd.s32 $0xE600, s13  }
0x284: {  	[hbm4b:s1+s2] =	stream.linear.scatter [tilespmem:s25], [sflag:$0x5], $0x80, $0x38;
	[tilespmem:$0x10800] =	vst v63  }
0x285: {  	p0 =	sne.s32 s24, $0x7700;
	s24 =	sadd.s32 $0xE688, s13;
	s25 =	sadd.s32 $0x10, s1  }
0x286: {  	[hbm4b:s25+s2] =	stream.linear.scatter [tilespmem:s24], [sflag:$0x5], $0x80, $0x38;
	[tilespmem:$0x10800] =	vst v63  }
0x287: {  	s24 =	sadd.s32 $0xE710, s13;
	s25 =	sadd.s32 $0x20, s1  }
0x288: {  	[hbm4b:s25+s2] =	stream.linear.scatter [tilespmem:s24], [sflag:$0x5], $0x80, $0x38;
	[tilespmem:$0x10800] =	vst v63  }
0x289: {  	s24 =	sadd.s32 $0xE798, s13;
	s25 =	sadd.s32 $0x30, s1  }
0x28a: {  	[hbm4b:s25+s2] =	stream.linear.scatter [tilespmem:s24], [sflag:$0x5], $0x80, $0x38;
	[tilespmem:$0x10800] =	vst v63  }
0x28b: {  	s24 =	sadd.s32 $0xE820, s13;
	s25 =	sadd.s32 $0x40, s1  }
0x28c: {  	[hbm4b:s25+s2] =	stream.linear.scatter [tilespmem:s24], [sflag:$0x5], $0x80, $0x38;
	[tilespmem:$0x10800] =	vst v63  }
.Ltmp10:
0x28d: {  	s24 =	sadd.s32 $0xE8A8, s13;
	s25 =	sadd.s32 $0x50, s1;
	(pc) =	sbr.rel @p0 .LBB2_22-.Ltmp10, $4  }
0x28e: {  	[hbm4b:s25+s2] =	stream.linear.scatter [tilespmem:s24], [sflag:$0x5], $0x80, $0x38;
	[tilespmem:$0x10800] =	vst v63  }
0x28f: {  	s24 =	sadd.s32 $0xE930, s13;
	s25 =	sadd.s32 $0x60, s1;
	s13 =	sadd.s32 $0xE9B8, s13  }
0x290: {  	[hbm4b:s25+s2] =	stream.linear.scatter [tilespmem:s24], [sflag:$0x5], $0x80, $0x38;
	[tilespmem:$0x10800] =	vst v63  }
0x291: {  	s25 =	sadd.s32 $0x70, s1;
	s1 =	sadd.s32 $0x1000, s1;
	s24 =	smov.u32 s26  }
0x292: {  	[hbm4b:s25+s2] =	stream.linear.scatter [tilespmem:s13], [sflag:$0x5], $0x80, $0x38;
	[tilespmem:$0x10800] =	vst v63  }
0x293: {  	s30 =	sadd.s32 $0xE600, s0  }
0x294: {  	[hbm4b:s1+s2] =	stream.linear.scatter [tilespmem:s30], [sflag:$0x5], $0x80, $0x38;
	[tilespmem:$0x10800] =	vst v63  }
0x295: {  	s31 =	sadd.s32 $0xE688, s0;
	s24 =	sadd.s32 $0x10, s1  }
0x296: {  	[hbm4b:s24+s2] =	stream.linear.scatter [tilespmem:s31], [sflag:$0x5], $0x80, $0x38;
	[tilespmem:$0x10800] =	vst v63  }
0x297: {  	s25 =	sadd.s32 $0xE710, s0;
	s26 =	sadd.s32 $0x20, s1  }
0x298: {  	[hbm4b:s26+s2] =	stream.linear.scatter [tilespmem:s25], [sflag:$0x5], $0x80, $0x38;
	[tilespmem:$0x10800] =	vst v63  }
0x299: {  	s28 =	sadd.s32 $0xE798, s0;
	s29 =	sadd.s32 $0x30, s1  }
0x29a: {  	[hbm4b:s29+s2] =	stream.linear.scatter [tilespmem:s28], [sflag:$0x5], $0x80, $0x38;
	[tilespmem:$0x10800] =	vst v63  }
0x29b: {  	s30 =	sadd.s32 $0xE820, s0;
	s31 =	sadd.s32 $0x40, s1  }
0x29c: {  	[hbm4b:s31+s2] =	stream.linear.scatter [tilespmem:s30], [sflag:$0x5], $0x80, $0x38;
	[tilespmem:$0x10800] =	vst v63  }
0x29d: {  	s25 =	sadd.s32 $0xE8A8, s0;
	s26 =	sadd.s32 $0x50, s1  }
0x29e: {  	[hbm4b:s26+s2] =	stream.linear.scatter [tilespmem:s25], [sflag:$0x5], $0x80, $0x38;
	[tilespmem:$0x10800] =	vst v63  }
0x29f: {  	s28 =	sadd.s32 $0xE930, s0;
	s29 =	sadd.s32 $0x60, s1  }
0x2a0: {  	[hbm4b:s29+s2] =	stream.linear.scatter [tilespmem:s28], [sflag:$0x5], $0x80, $0x38;
	[tilespmem:$0x10800] =	vst v63  }
0x2a1: {  	s23 =	sadd.s32 $0x1, s23;
	s30 =	sadd.s32 $0xE9B8, s0;
	s31 =	sadd.s32 $0x70, s1  }
0x2a2: {  	[hbm4b:s31+s2] =	stream.linear.scatter [tilespmem:s30], [sflag:$0x5], $0x80, $0x38;
	[tilespmem:$0x10800] =	vst v63  }
0x2a3: {  	p0 =	sne.s32 s23, s9;
	_ =	swait.ge [sflag:s21], $0x2000  }
.Ltmp11:
0x2a4: {  	[sflag:s21] =	ssyncset.done $0x0;
	(pc) =	sbr.rel @p0 .LBB2_1-.Ltmp11, $4  }
0x2a5: {  	[sflag:s21] =	ssyncadd.s32 $0xFFFFE000  }
0x2a6: {  	_ =	swait.ge [sflag:s22], $0x2000  }
0x2a7: {  	[sflag:s22] =	ssyncset.done $0x0  }
0x2a8: {  	[sflag:s22] =	ssyncadd.s32 $0xFFFFE000  }
0x2a9: {  	_ =	sfence.sel $0x180000  }
0x2aa: {  	[bflag:$0x0] =	sbarrier.arrive $0xFFFF  }
0x2ab: {  	_ =	strace $0x90000047  }
0x2ac: {  	s0 =	stileid.u32;
	[bflag:$0x2] =	sbarrier.arrive $0xFFFF  }
0x2ad: {  	p0 =	sne.s32 s0, $0x0;
	s0 =	rddreg [dreg:$0x3]  }
0x2ae: {  	s0 =	sadd.s32 @!p0 $0x100000, s0  }
0x2af: {  	[sflag:s0] =	ssyncadd.tile.s32 @!p0 $0x1;
	_ =	shalt  }
.Lfunc_end2:
_tile_overlayer_lowered:
.L_overlay_start_2:
0x2b0: {  	(tag) =	ssettag $0x2  }
0x2b1: {  	s0 =	rddreg [dreg:$0x0];
	s2 =	stileid.u32  }
0x2b2: {  	s1 =	rddreg [dreg:$0x1];
	p0 =	sne.s32 s2, $0x0  }
0x2b3: {  	s3 =	rddreg [dreg:$0x2];
	[bflag:$0x3] =	sbarrier.arrive $0xFFFF;
	s2 =	simm.s32 @!p0 $0x1C06  }
0x2b4: {  	[timem:s3], [sflag:s2] =	dma.local @!p0 [hbm:s0], s1  }
0x2b5: {  	s0 =	simm.s32 @!p0 $0x6  }
0x2b6: {  	_ =	swait.ge @!p0 [sflag:s0], s1  }
0x2b7: {  	s1 =	ssub.s32 @!p0 $0x0, s1;
	[sflag:s0] =	ssyncset.done @!p0 $0x0  }
0x2b8: {  	[sflag:s0] =	ssyncadd.s32 @!p0 s1  }
0x2b9: {  	[bflag:$0x3] =	sbarrier.arrive $0xFFFF  }
0x2ba: {  	_ =	shalt  }

</sc_bundles>
